<compile_context>
chip_gen: v7x
topology: tpu7x:2x2x1
jax: 0.10.2.dev20260603
libtpu: 0.0.44.dev20260713+nightly
codegen_flags: <defaults>
</compile_context>

<pallas_src>
import functools

import jax
import jax.numpy as jnp
from jax import lax
from jax.experimental import pallas as pl
from jax.experimental.pallas import tpu as pltpu
from jax.experimental.pallas import tpu_sc as plsc

_B, _FEAT, _H, _A, _DICT = 64, 512, 128, 64, 100000
_KB = 5000
_HALF = _DICT // 2
_NBLK = _HALF // _KB


def _scan_body(cue_ref, ka1_ref, ka2_ref, kc1_ref, kc2_ref, ia_ref, ic_ref,
               rva, rba, rvc, rbc, dots_s, ksq_s, nk_s):
    step = pl.program_id(0)
    cue = cue_ref[...]
    ones8 = jnp.ones((8, _H), jnp.float32)

    @pl.when(step == 0)
    def _():
        rva[...] = jnp.full((_B, 128), -jnp.inf, jnp.float32)
        rba[...] = jnp.zeros((_B, 128), jnp.int32)
        rvc[...] = jnp.full((_B, 128), -jnp.inf, jnp.float32)
        rbc[...] = jnp.zeros((_B, 128), jnp.int32)

    bases = [t * 128 for t in range(_KB // 128)]
    if _KB % 128:
        bases.append(_KB - 128)

    def fold(k_ref, rv, rb, gbase):
        ksq_s[...] = k_ref[...] * k_ref[...]
        dots_s[...] = lax.dot_general(cue, k_ref[...], (((1,), (1,)), ((), ())),
                                      preferred_element_type=jnp.float32)
        nk_s[...] = lax.dot_general(ones8, ksq_s[...], (((1,), (1,)), ((), ())),
                                    preferred_element_type=jnp.float32)
        cur_v = rv[...]
        cur_b = rb[...]
        for lo in bases:
            tile = dots_s[:, lo:lo + 128] - 0.5 * nk_s[:1, lo:lo + 128]
            upd = tile > cur_v
            cur_v = jnp.where(upd, tile, cur_v)
            cur_b = jnp.where(upd, gbase + lo, cur_b)
        rv[...] = cur_v
        rb[...] = cur_b

    fold(ka1_ref, rva, rba, step * _KB)
    fold(ka2_ref, rva, rba, _HALF + step * _KB)
    fold(kc1_ref, rvc, rbc, step * _KB)
    fold(kc2_ref, rvc, rbc, _HALF + step * _KB)

    @pl.when(step == _NBLK - 1)
    def _():
        for rv, rb, i_ref in ((rva, rba, ia_ref), (rvc, rbc, ic_ref)):
            best = rv[...]
            jstar = jnp.argmax(best, axis=1).astype(jnp.int32)
            cols = lax.broadcasted_iota(jnp.int32, (_B, 128), 1)
            hit = cols == jstar[:, None]
            bsel = jnp.sum(jnp.where(hit, rb[...], 0), axis=1)
            i_ref[...] = (bsel + jstar)[:, None]


def _nn_indices(cue, keys_a, keys_c, interpret=False):
    return pl.pallas_call(
        _scan_body,
        grid=(_NBLK,),
        in_specs=[
            pl.BlockSpec((_B, _H), lambda i: (0, 0)),
            pl.BlockSpec((_KB, _H), lambda i: (i, 0)),
            pl.BlockSpec((_KB, _H), lambda i: (i + _NBLK, 0)),
            pl.BlockSpec((_KB, _H), lambda i: (i, 0)),
            pl.BlockSpec((_KB, _H), lambda i: (i + _NBLK, 0)),
        ],
        out_specs=[
            pl.BlockSpec((_B, 1), lambda i: (0, 0)),
            pl.BlockSpec((_B, 1), lambda i: (0, 0)),
        ],
        out_shape=[
            jax.ShapeDtypeStruct((_B, 1), jnp.int32),
            jax.ShapeDtypeStruct((_B, 1), jnp.int32),
        ],
        scratch_shapes=[
            pltpu.VMEM((_B, 128), jnp.float32),
            pltpu.VMEM((_B, 128), jnp.int32),
            pltpu.VMEM((_B, 128), jnp.float32),
            pltpu.VMEM((_B, 128), jnp.int32),
            pltpu.VMEM((_B, _KB), jnp.float32),
            pltpu.VMEM((_KB, _H), jnp.float32),
            pltpu.VMEM((8, _KB), jnp.float32),
        ],
        compiler_params=pltpu.CompilerParams(
            dimension_semantics=("arbitrary",)),
        interpret=interpret,
    )(cue, keys_a, keys_a, keys_c, keys_c)


_ROWS_PER_W = 8


def _sc_gather(vals_a, idx_a, vals_c, idx_c):
    mesh = plsc.VectorSubcoreMesh(core_axis_name="c", subcore_axis_name="s")

    @functools.partial(
        pl.kernel,
        mesh=mesh,
        out_type=[
            jax.ShapeDtypeStruct((_B, _H), jnp.float32),
            jax.ShapeDtypeStruct((_B, _H), jnp.float32),
        ],
        scratch_types=[
            pltpu.VMEM((_ROWS_PER_W,), jnp.int32),
            pltpu.VMEM((_ROWS_PER_W, _H), jnp.float32),
            pltpu.SemaphoreType.DMA,
        ],
    )
    def gath(va_hbm, ia_hbm, vc_hbm, ic_hbm, ma_hbm, mc_hbm, idx_v, rows_v, sem):
        wid = lax.axis_index("s") * 2 + lax.axis_index("c")
        base = (wid % 8) * _ROWS_PER_W

        @pl.when(wid < 8)
        def _():
            pltpu.sync_copy(ia_hbm.at[pl.ds(base, _ROWS_PER_W)], idx_v)
            pltpu.async_copy(va_hbm.at[idx_v], rows_v, sem).wait()
            pltpu.sync_copy(rows_v, ma_hbm.at[pl.ds(base, _ROWS_PER_W)])

        @pl.when((wid >= 8) & (wid < 16))
        def _():
            pltpu.sync_copy(ic_hbm.at[pl.ds(base, _ROWS_PER_W)], idx_v)
            pltpu.async_copy(vc_hbm.at[idx_v], rows_v, sem).wait()
            pltpu.sync_copy(rows_v, mc_hbm.at[pl.ds(base, _ROWS_PER_W)])

    return gath(vals_a, idx_a, vals_c, idx_c)


def _tail_body(obs_ref, ha_ref, hc_ref, mask_ref, ma_ref, mc_ref,
               wia_ref, wha_ref, bia_ref, bha_ref,
               wic_ref, whc_ref, bic_ref, bhc_ref,
               wpol_ref, bpol_ref, wval_ref, bval_ref, gum_ref,
               act_ref, probs_ref, lp_ref, ent_ref, val_ref, hao_ref, hco_ref):
    x = obs_ref[...]

    def gru(h, m, Wi, Wh, bi, bh):
        gi = lax.dot_general(x, Wi, (((1,), (1,)), ((), ())),
                             preferred_element_type=jnp.float32) + bi
        gh = lax.dot_general(h, Wh, (((1,), (1,)), ((), ())),
                             preferred_element_type=jnp.float32) + bh
        i_r, i_z, i_n = gi[:, :_H], gi[:, _H:2 * _H], gi[:, 2 * _H:]
        h_r, h_z, h_n = gh[:, :_H], gh[:, _H:2 * _H], gh[:, 2 * _H:]
        r = jax.nn.sigmoid(i_r + h_r)
        z = jax.nn.sigmoid(i_z + h_z)
        n = jnp.tanh(i_n + r * (h_n + m))
        return (1.0 - z) * n + z * h

    hA = gru(ha_ref[...], ma_ref[...], wia_ref[...], wha_ref[...],
             bia_ref[...], bha_ref[...])
    hC = gru(hc_ref[...], mc_ref[...], wic_ref[...], whc_ref[...],
             bic_ref[...], bhc_ref[...])

    logits = lax.dot_general(hA, wpol_ref[...], (((1,), (1,)), ((), ())),
                             preferred_element_type=jnp.float32) + bpol_ref[...]
    valid = mask_ref[...] > 0
    neg = jnp.finfo(jnp.float32).min
    masked = jnp.where(valid, logits, neg)
    mx = jnp.max(masked, axis=1, keepdims=True)
    shifted = masked - mx
    ex = jnp.exp(shifted)
    denom = jnp.sum(ex, axis=1, keepdims=True)
    logp = shifted - jnp.log(denom)
    probs = ex / denom

    action = jnp.argmax(masked + gum_ref[...], axis=1).astype(jnp.int32)
    lanes = lax.broadcasted_iota(jnp.int32, (_B, _A), 1)
    onehot = lanes == action[:, None]
    log_prob = jnp.sum(jnp.where(onehot, logp, 0.0), axis=1, keepdims=True)
    entropy = -jnp.sum(jnp.where(valid, logp * probs, 0.0), axis=1, keepdims=True)
    value = jnp.sum(hC * wval_ref[...], axis=1, keepdims=True) + bval_ref[...]

    act_ref[...] = action[:, None]
    probs_ref[...] = probs
    lp_ref[...] = log_prob
    ent_ref[...] = entropy
    val_ref[...] = value
    hao_ref[...] = hA
    hco_ref[...] = hC


def _tail(obs, h_actor, h_critic, mask_i32, m_a, m_c,
          Wi_a, Wh_a, bi_a, bh_a, Wi_c, Wh_c, bi_c, bh_c,
          W_pol, b_pol, W_val, b_val, gum, interpret=False):
    return pl.pallas_call(
        _tail_body,
        out_shape=[
            jax.ShapeDtypeStruct((_B, 1), jnp.int32),
            jax.ShapeDtypeStruct((_B, _A), jnp.float32),
            jax.ShapeDtypeStruct((_B, 1), jnp.float32),
            jax.ShapeDtypeStruct((_B, 1), jnp.float32),
            jax.ShapeDtypeStruct((_B, 1), jnp.float32),
            jax.ShapeDtypeStruct((_B, _H), jnp.float32),
            jax.ShapeDtypeStruct((_B, _H), jnp.float32),
        ],
        interpret=interpret,
    )(obs, h_actor, h_critic, mask_i32, m_a, m_c,
      Wi_a, Wh_a, bi_a.reshape(1, -1), bh_a.reshape(1, -1),
      Wi_c, Wh_c, bi_c.reshape(1, -1), bh_c.reshape(1, -1),
      W_pol, b_pol.reshape(1, -1), W_val, b_val.reshape(1, 1), gum)


def kernel(obs, h_actor, h_critic, mask, cue,
           Wi_a, Wh_a, bi_a, bh_a, Wi_c, Wh_c, bi_c, bh_c,
           W_pol, b_pol, W_val, b_val, keys_a, vals_a, keys_c, vals_c):
    ia, ic = _nn_indices(cue, keys_a, keys_c)
    m_a, m_c = _sc_gather(vals_a, ia.reshape(_B), vals_c, ic.reshape(_B))
    gum = jax.random.gumbel(jax.random.key(42), (_B, _A), jnp.float32)
    act, probs, lp, ent, val, hA, hC = _tail(
        obs.reshape(_B, -1), h_actor, h_critic, mask.astype(jnp.int32),
        m_a, m_c, Wi_a, Wh_a, bi_a, bh_a, Wi_c, Wh_c, bi_c, bh_c,
        W_pol, b_pol, W_val, b_val, gum)
    return (act.reshape(_B), probs, lp.reshape(_B), ent.reshape(_B),
            val, hA, hC)

# --- scband reference (transcript-rebuilt; emitter-appended) ---
"""Pipeline reference for scband-ep-grurecurrent-actor-critic-policy-37529424232887 (READ-ONLY COPY).

The authoritative reference and input builder live on the scoring server;
editing this copy changes nothing except your own understanding.
"""

import jax, jax.numpy as jnp
import numpy as np

B, FEAT, H, A, DICT = 64, 512, 128, 64, 100000


def _ep_gru_cell(x, m, h, Wi, Wh, bi, bh):
    # GRU cell (PyTorch gate layout) with episodic memory m injected into the candidate state
    gi = x @ Wi.T + bi
    gh = h @ Wh.T + bh
    i_r, i_z, i_n = jnp.split(gi, 3, axis=1)
    h_r, h_z, h_n = jnp.split(gh, 3, axis=1)
    r = jax.nn.sigmoid(i_r + h_r)
    z = jax.nn.sigmoid(i_z + h_z)
    n = jnp.tanh(i_n + r * (h_n + m))
    return (1.0 - z) * n + z * h


def _dnd_get_memory(cue, keys, vals):
    # DND retrieval with 'l2' kernel: similarity = -||cue - key||^2, 1-NN lookup
    sims = -(jnp.sum(cue * cue, axis=1, keepdims=True) - 2.0 * (cue @ keys.T) + jnp.sum(keys * keys, axis=1)[None, :])
    idx = jnp.argmax(sims, axis=1)
    return jnp.take(vals, idx, axis=0)


def setup_inputs(seed: int = 0) -> dict:
    key = jax.random.key(seed)
    ks = jax.random.split(key, 24)
    s = 0.05
    inp = {}
    inp["obs"] = jax.random.normal(ks[0], (B, FEAT), jnp.float32)
    inp["h_actor"] = jax.random.normal(ks[1], (B, H), jnp.float32)
    inp["h_critic"] = jax.random.normal(ks[2], (B, H), jnp.float32)
    mask = jax.random.randint(ks[3], (B, A), 0, 2) > 0
    inp["mask"] = mask.at[:, 0].set(True)  # guarantee at least one valid action per row
    inp["cue"] = jax.random.normal(ks[4], (B, H), jnp.float32)
    # EpGRUCell params (actor)
    inp["Wi_a"] = jax.random.normal(ks[5], (3 * H, FEAT), jnp.float32) * s
    inp["Wh_a"] = jax.random.normal(ks[6], (3 * H, H), jnp.float32) * s
    inp["bi_a"] = jax.random.normal(ks[7], (3 * H,), jnp.float32) * s
    inp["bh_a"] = jax.random.normal(ks[8], (3 * H,), jnp.float32) * s
    # EpGRUCell params (critic)
    inp["Wi_c"] = jax.random.normal(ks[9], (3 * H, FEAT), jnp.float32) * s
    inp["Wh_c"] = jax.random.normal(ks[10], (3 * H, H), jnp.float32) * s
    inp["bi_c"] = jax.random.normal(ks[11], (3 * H,), jnp.float32) * s
    inp["bh_c"] = jax.random.normal(ks[12], (3 * H,), jnp.float32) * s
    # heads
    inp["W_pol"] = jax.random.normal(ks[13], (A, H), jnp.float32) * s
    inp["b_pol"] = jax.random.normal(ks[14], (A,), jnp.float32) * s
    inp["W_val"] = jax.random.normal(ks[15], (1, H), jnp.float32) * s
    inp["b_val"] = jax.random.normal(ks[16], (1,), jnp.float32) * s
    # DND memories (pre-populated so retrieval is exercised)
    inp["keys_a"] = jax.random.normal(ks[17], (DICT, H), jnp.float32)
    inp["vals_a"] = jax.random.normal(ks[18], (DICT, H), jnp.float32) * 0.1
    inp["keys_c"] = jax.random.normal(ks[19], (DICT, H), jnp.float32)
    inp["vals_c"] = jax.random.normal(ks[20], (DICT, H), jnp.float32) * 0.1
    return inp


def reference(obs, h_actor, h_critic, mask, cue, Wi_a, Wh_a, bi_a, bh_a, Wi_c, Wh_c, bi_c, bh_c, W_pol, b_pol, W_val, b_val, keys_a, vals_a, keys_c, vals_c):
    feats = obs.reshape(obs.shape[0], -1)
    m_a = _dnd_get_memory(cue, keys_a, vals_a)
    m_c = _dnd_get_memory(cue, keys_c, vals_c)
    hA = _ep_gru_cell(feats, m_a, h_actor, Wi_a, Wh_a, bi_a, bh_a)
    hC = _ep_gru_cell(feats, m_c, h_critic, Wi_c, Wh_c, bi_c, bh_c)
    # dnd.save_memory(cue, h_new) is a buffer mutation that does not affect the returned outputs
    logits = hA @ W_pol.T + b_pol
    masked = jnp.where(mask, logits, jnp.finfo(logits.dtype).min)
    logp = jax.nn.log_softmax(masked, axis=1)
    probs = jnp.exp(logp)
    action = jax.random.categorical(jax.random.key(42), masked, axis=1)
    log_prob = jnp.take_along_axis(logp, action[:, None], axis=1)[:, 0]
    entropy = -jnp.sum(jnp.where(mask, logp * probs, 0.0), axis=1)
    value = hC @ W_val.T + b_val
    return (action, probs, log_prob, entropy, value, hA, hC)

if __name__ == "__main__":
    import jax
    _d = setup_inputs()
    print(jax.jit(kernel)(*tuple(_d.values())))

</pallas_src>

<mosaic_0001>
#map = affine_map<(d0, d1) -> (0, 0)>
#map1 = affine_map<(d0, d1) -> (0)>
module attributes {stable_mosaic.version = 14 : i64} {
  func.func @gath(%arg0: i32, %arg1: i32, %arg2: memref<100000x128xf32, #tpu.memory_space<hbm>>, %arg3: memref<64xi32, #tpu.memory_space<hbm>>, %arg4: memref<100000x128xf32, #tpu.memory_space<hbm>>, %arg5: memref<64xi32, #tpu.memory_space<hbm>>, %arg6: memref<64x128xf32, #tpu.memory_space<hbm>>, %arg7: memref<64x128xf32, #tpu.memory_space<hbm>>, %arg8: memref<8xi32, #tpu.memory_space<vmem>>, %arg9: memref<8x128xf32, #tpu.memory_space<vmem>>, %arg10: memref<!tpu.dma_semaphore, #tpu.memory_space<semaphore_mem>>) attributes {dimension_semantics = [#tpu.dimension_semantics<core_parallel>, #tpu.dimension_semantics<subcore_parallel>], iteration_bounds = array<i64: 2, 16>, scalar_prefetch = 0 : i64, scratch_operands = 3 : i64, tpu.core_type = #tpu.core_type<sc_vector_subcore>, window_params = [{transform_indices = #map}, {transform_indices = #map1}, {transform_indices = #map}, {transform_indices = #map1}, {transform_indices = #map}, {transform_indices = #map}]} {
    %mul3A = arith.constant 2 : i32
    %mul3A_0 = arith.muli %arg1, %mul3A : i32
    %add3A = arith.addi %mul3A_0, %arg0 : i32
    %jit3A = arith.constant 8 : i32
    %eq3A = arith.constant 0 : i32
    %eq3A_1 = arith.cmpi eq, %jit3A, %eq3A : i32
    %jit3A_2 = arith.constant 1 : i32
    %select_n3A = arith.select %eq3A_1, %jit3A_2, %jit3A : i32
    %rem3A = arith.remsi %add3A, %select_n3A : i32
    %ne3A = arith.constant 0 : i32
    %ne3A_3 = arith.cmpi ne, %rem3A, %ne3A : i32
    %lt3A = arith.constant 0 : i32
    %lt3A_4 = arith.cmpi slt, %rem3A, %lt3A : i32
    %lt3A_5 = arith.constant 0 : i32
    %lt3A_6 = arith.cmpi slt, %select_n3A, %lt3A_5 : i32
    %ne3A_7 = arith.xori %lt3A_4, %lt3A_6 : i1
    %and3A = arith.andi %ne3A_7, %ne3A_3 : i1
    %add3A_8 = arith.addi %rem3A, %select_n3A : i32
    %select_n3A_9 = arith.select %and3A, %add3A_8, %rem3A : i32
    %mul3A_10 = arith.constant 8 : i32
    %mul3A_11 = arith.muli %select_n3A_9, %mul3A_10 : i32
    %lt3A_12 = arith.constant 8 : i32
    %lt3A_13 = arith.cmpi slt, %add3A, %lt3A_12 : i32
    %convert_element_type3A = arith.extui %lt3A_13 : i1 to i32
    %cond3A = arith.constant 0 : i32
    %cond3A_14 = arith.cmpi ne, %convert_element_type3A, %cond3A : i32
    scf.if %cond3A_14 {
      "tpu.region"() ({
        %run_scoped3A = tpu.sem_alloc : memref<!tpu.dma_semaphore, #tpu.memory_space<semaphore_mem>>
        %dma_start3A_26 = tpu.memref_slice %arg3[%mul3A_11] : memref<64xi32, #tpu.memory_space<hbm>> -> memref<8xi32, #tpu.memory_space<hbm>>
        %dma_start3A_27 = tpu.memref_slice %arg3[%mul3A_11] : memref<64xi32, #tpu.memory_space<hbm>> -> memref<8xi32, #tpu.memory_space<hbm>>
        tpu.enqueue_dma source(%dma_start3A_27 : memref<8xi32, #tpu.memory_space<hbm>>) target(%arg8 : memref<8xi32, #tpu.memory_space<vmem>>) target_semaphore(%run_scoped3A : memref<!tpu.dma_semaphore, #tpu.memory_space<semaphore_mem>>)
        %dma_wait3A_28 = tpu.memref_slice %arg3[%mul3A_11] : memref<64xi32, #tpu.memory_space<hbm>> -> memref<8xi32, #tpu.memory_space<hbm>>
        %dma_wait3A_29 = tpu.memref_slice %arg3[%mul3A_11] : memref<64xi32, #tpu.memory_space<hbm>> -> memref<8xi32, #tpu.memory_space<hbm>>
        tpu.wait_dma2 semaphore(%run_scoped3A : memref<!tpu.dma_semaphore, #tpu.memory_space<semaphore_mem>>) src(%dma_wait3A_29 : memref<8xi32, #tpu.memory_space<hbm>>) dst(%arg8 : memref<8xi32, #tpu.memory_space<vmem>>)
        tpu.yield
      }) : () -> ()
      %dma_start3A = arith.constant 0 : i32
      %dma_start3A_22 = arith.constant 0 : i32
      %dma_start3A_23 = tpu.memref_slice %arg2[%dma_start3A, %dma_start3A_22] : memref<100000x128xf32, #tpu.memory_space<hbm>> -> memref<100000x128xf32, #tpu.memory_space<hbm>>
      tpu.enqueue_indirect_dma source(%dma_start3A_23 : memref<100000x128xf32, #tpu.memory_space<hbm>>) target(%arg9 : memref<8x128xf32, #tpu.memory_space<vmem>>) offsets(%arg8 : memref<8xi32, #tpu.memory_space<vmem>>) semaphore(%arg10 : memref<!tpu.dma_semaphore, #tpu.memory_space<semaphore_mem>>)
      %dma_wait3A = arith.constant 0 : i32
      %dma_wait3A_24 = arith.constant 0 : i32
      %dma_wait3A_25 = tpu.memref_slice %arg2[%dma_wait3A, %dma_wait3A_24] : memref<100000x128xf32, #tpu.memory_space<hbm>> -> memref<100000x128xf32, #tpu.memory_space<hbm>>
      tpu.wait_indirect_dma semaphore(%arg10 : memref<!tpu.dma_semaphore, #tpu.memory_space<semaphore_mem>>) src(%dma_wait3A_25 : memref<100000x128xf32, #tpu.memory_space<hbm>>) dst(%arg9 : memref<8x128xf32, #tpu.memory_space<vmem>>)
      "tpu.region"() ({
        %run_scoped3A = tpu.sem_alloc : memref<!tpu.dma_semaphore, #tpu.memory_space<semaphore_mem>>
        %dma_start3A_26 = arith.constant 0 : i32
        %dma_start3A_27 = tpu.memref_slice %arg6[%mul3A_11, %dma_start3A_26] : memref<64x128xf32, #tpu.memory_space<hbm>> -> memref<8x128xf32, #tpu.memory_space<hbm>>
        %dma_start3A_28 = arith.constant 0 : i32
        %dma_start3A_29 = tpu.memref_slice %arg6[%mul3A_11, %dma_start3A_28] : memref<64x128xf32, #tpu.memory_space<hbm>> -> memref<8x128xf32, #tpu.memory_space<hbm>>
        tpu.enqueue_dma source(%arg9 : memref<8x128xf32, #tpu.memory_space<vmem>>) target(%dma_start3A_29 : memref<8x128xf32, #tpu.memory_space<hbm>>) target_semaphore(%run_scoped3A : memref<!tpu.dma_semaphore, #tpu.memory_space<semaphore_mem>>)
        %dma_wait3A_30 = arith.constant 0 : i32
        %dma_wait3A_31 = tpu.memref_slice %arg6[%mul3A_11, %dma_wait3A_30] : memref<64x128xf32, #tpu.memory_space<hbm>> -> memref<8x128xf32, #tpu.memory_space<hbm>>
        %dma_wait3A_32 = arith.constant 0 : i32
        %dma_wait3A_33 = tpu.memref_slice %arg6[%mul3A_11, %dma_wait3A_32] : memref<64x128xf32, #tpu.memory_space<hbm>> -> memref<8x128xf32, #tpu.memory_space<hbm>>
        tpu.wait_dma2 semaphore(%run_scoped3A : memref<!tpu.dma_semaphore, #tpu.memory_space<semaphore_mem>>) src(%arg9 : memref<8x128xf32, #tpu.memory_space<vmem>>) dst(%dma_wait3A_33 : memref<8x128xf32, #tpu.memory_space<hbm>>)
        tpu.yield
      }) : () -> ()
    } else {
    }
    %ge3A = arith.constant 8 : i32
    %ge3A_15 = arith.cmpi sge, %add3A, %ge3A : i32
    %lt3A_16 = arith.constant 16 : i32
    %lt3A_17 = arith.cmpi slt, %add3A, %lt3A_16 : i32
    %and3A_18 = arith.andi %ge3A_15, %lt3A_17 : i1
    %convert_element_type3A_19 = arith.extui %and3A_18 : i1 to i32
    %cond3A_20 = arith.constant 0 : i32
    %cond3A_21 = arith.cmpi ne, %convert_element_type3A_19, %cond3A_20 : i32
    scf.if %cond3A_21 {
      "tpu.region"() ({
        %run_scoped3A = tpu.sem_alloc : memref<!tpu.dma_semaphore, #tpu.memory_space<semaphore_mem>>
        %dma_start3A_26 = tpu.memref_slice %arg5[%mul3A_11] : memref<64xi32, #tpu.memory_space<hbm>> -> memref<8xi32, #tpu.memory_space<hbm>>
        %dma_start3A_27 = tpu.memref_slice %arg5[%mul3A_11] : memref<64xi32, #tpu.memory_space<hbm>> -> memref<8xi32, #tpu.memory_space<hbm>>
        tpu.enqueue_dma source(%dma_start3A_27 : memref<8xi32, #tpu.memory_space<hbm>>) target(%arg8 : memref<8xi32, #tpu.memory_space<vmem>>) target_semaphore(%run_scoped3A : memref<!tpu.dma_semaphore, #tpu.memory_space<semaphore_mem>>)
        %dma_wait3A_28 = tpu.memref_slice %arg5[%mul3A_11] : memref<64xi32, #tpu.memory_space<hbm>> -> memref<8xi32, #tpu.memory_space<hbm>>
        %dma_wait3A_29 = tpu.memref_slice %arg5[%mul3A_11] : memref<64xi32, #tpu.memory_space<hbm>> -> memref<8xi32, #tpu.memory_space<hbm>>
        tpu.wait_dma2 semaphore(%run_scoped3A : memref<!tpu.dma_semaphore, #tpu.memory_space<semaphore_mem>>) src(%dma_wait3A_29 : memref<8xi32, #tpu.memory_space<hbm>>) dst(%arg8 : memref<8xi32, #tpu.memory_space<vmem>>)
        tpu.yield
      }) : () -> ()
      %dma_start3A = arith.constant 0 : i32
      %dma_start3A_22 = arith.constant 0 : i32
      %dma_start3A_23 = tpu.memref_slice %arg4[%dma_start3A, %dma_start3A_22] : memref<100000x128xf32, #tpu.memory_space<hbm>> -> memref<100000x128xf32, #tpu.memory_space<hbm>>
      tpu.enqueue_indirect_dma source(%dma_start3A_23 : memref<100000x128xf32, #tpu.memory_space<hbm>>) target(%arg9 : memref<8x128xf32, #tpu.memory_space<vmem>>) offsets(%arg8 : memref<8xi32, #tpu.memory_space<vmem>>) semaphore(%arg10 : memref<!tpu.dma_semaphore, #tpu.memory_space<semaphore_mem>>)
      %dma_wait3A = arith.constant 0 : i32
      %dma_wait3A_24 = arith.constant 0 : i32
      %dma_wait3A_25 = tpu.memref_slice %arg4[%dma_wait3A, %dma_wait3A_24] : memref<100000x128xf32, #tpu.memory_space<hbm>> -> memref<100000x128xf32, #tpu.memory_space<hbm>>
      tpu.wait_indirect_dma semaphore(%arg10 : memref<!tpu.dma_semaphore, #tpu.memory_space<semaphore_mem>>) src(%dma_wait3A_25 : memref<100000x128xf32, #tpu.memory_space<hbm>>) dst(%arg9 : memref<8x128xf32, #tpu.memory_space<vmem>>)
      "tpu.region"() ({
        %run_scoped3A = tpu.sem_alloc : memref<!tpu.dma_semaphore, #tpu.memory_space<semaphore_mem>>
        %dma_start3A_26 = arith.constant 0 : i32
        %dma_start3A_27 = tpu.memref_slice %arg7[%mul3A_11, %dma_start3A_26] : memref<64x128xf32, #tpu.memory_space<hbm>> -> memref<8x128xf32, #tpu.memory_space<hbm>>
        %dma_start3A_28 = arith.constant 0 : i32
        %dma_start3A_29 = tpu.memref_slice %arg7[%mul3A_11, %dma_start3A_28] : memref<64x128xf32, #tpu.memory_space<hbm>> -> memref<8x128xf32, #tpu.memory_space<hbm>>
        tpu.enqueue_dma source(%arg9 : memref<8x128xf32, #tpu.memory_space<vmem>>) target(%dma_start3A_29 : memref<8x128xf32, #tpu.memory_space<hbm>>) target_semaphore(%run_scoped3A : memref<!tpu.dma_semaphore, #tpu.memory_space<semaphore_mem>>)
        %dma_wait3A_30 = arith.constant 0 : i32
        %dma_wait3A_31 = tpu.memref_slice %arg7[%mul3A_11, %dma_wait3A_30] : memref<64x128xf32, #tpu.memory_space<hbm>> -> memref<8x128xf32, #tpu.memory_space<hbm>>
        %dma_wait3A_32 = arith.constant 0 : i32
        %dma_wait3A_33 = tpu.memref_slice %arg7[%mul3A_11, %dma_wait3A_32] : memref<64x128xf32, #tpu.memory_space<hbm>> -> memref<8x128xf32, #tpu.memory_space<hbm>>
        tpu.wait_dma2 semaphore(%run_scoped3A : memref<!tpu.dma_semaphore, #tpu.memory_space<semaphore_mem>>) src(%arg9 : memref<8x128xf32, #tpu.memory_space<vmem>>) dst(%dma_wait3A_33 : memref<8x128xf32, #tpu.memory_space<hbm>>)
        tpu.yield
      }) : () -> ()
    } else {
    }
    return
  }
}

module attributes {stable_mosaic.version = 14 : i64} {
  func.func @_tail_body(%arg0: memref<64x512xf32, #tpu.memory_space<vmem>>, %arg1: memref<64x128xf32, #tpu.memory_space<vmem>>, %arg2: memref<64x128xf32, #tpu.memory_space<vmem>>, %arg3: memref<64x64xi32, #tpu.memory_space<vmem>>, %arg4: memref<64x128xf32, #tpu.memory_space<vmem>>, %arg5: memref<64x128xf32, #tpu.memory_space<vmem>>, %arg6: memref<384x512xf32, #tpu.memory_space<vmem>>, %arg7: memref<384x128xf32, #tpu.memory_space<vmem>>, %arg8: memref<1x384xf32, #tpu.memory_space<vmem>>, %arg9: memref<1x384xf32, #tpu.memory_space<vmem>>, %arg10: memref<384x512xf32, #tpu.memory_space<vmem>>, %arg11: memref<384x128xf32, #tpu.memory_space<vmem>>, %arg12: memref<1x384xf32, #tpu.memory_space<vmem>>, %arg13: memref<1x384xf32, #tpu.memory_space<vmem>>, %arg14: memref<64x128xf32, #tpu.memory_space<vmem>>, %arg15: memref<1x64xf32, #tpu.memory_space<vmem>>, %arg16: memref<1x128xf32, #tpu.memory_space<vmem>>, %arg17: memref<1x1xf32, #tpu.memory_space<vmem>>, %arg18: memref<64x64xf32, #tpu.memory_space<vmem>>, %arg19: memref<64x1xi32, #tpu.memory_space<vmem>>, %arg20: memref<64x64xf32, #tpu.memory_space<vmem>>, %arg21: memref<64x1xf32, #tpu.memory_space<vmem>>, %arg22: memref<64x1xf32, #tpu.memory_space<vmem>>, %arg23: memref<64x1xf32, #tpu.memory_space<vmem>>, %arg24: memref<64x128xf32, #tpu.memory_space<vmem>>, %arg25: memref<64x128xf32, #tpu.memory_space<vmem>>) attributes {dimension_semantics = [], scalar_prefetch = 0 : i64, scratch_operands = 0 : i64, tpu.core_type = #tpu.core_type<tc>} {
    %get3A = arith.constant 0 : index
    %get3A_0 = arith.constant 0 : index
    %get3A_1 = vector.load %arg0[%get3A, %get3A_0] : memref<64x512xf32, #tpu.memory_space<vmem>>, vector<64x512xf32>
    %get3A_2 = arith.constant 0 : index
    %get3A_3 = arith.constant 0 : index
    %get3A_4 = vector.load %arg1[%get3A_2, %get3A_3] : memref<64x128xf32, #tpu.memory_space<vmem>>, vector<64x128xf32>
    %get3A_5 = arith.constant 0 : index
    %get3A_6 = arith.constant 0 : index
    %get3A_7 = vector.load %arg4[%get3A_5, %get3A_6] : memref<64x128xf32, #tpu.memory_space<vmem>>, vector<64x128xf32>
    %get3A_8 = arith.constant 0 : index
    %get3A_9 = arith.constant 0 : index
    %get3A_10 = vector.load %arg6[%get3A_8, %get3A_9] : memref<384x512xf32, #tpu.memory_space<vmem>>, vector<384x512xf32>
    %get3A_11 = arith.constant 0 : index
    %get3A_12 = arith.constant 0 : index
    %get3A_13 = vector.load %arg7[%get3A_11, %get3A_12] : memref<384x128xf32, #tpu.memory_space<vmem>>, vector<384x128xf32>
    %get3A_14 = arith.constant 0 : index
    %get3A_15 = arith.constant 0 : index
    %get3A_16 = vector.load %arg8[%get3A_14, %get3A_15] : memref<1x384xf32, #tpu.memory_space<vmem>>, vector<1x384xf32>
    %get3A_17 = arith.constant 0 : index
    %get3A_18 = arith.constant 0 : index
    %get3A_19 = vector.load %arg9[%get3A_17, %get3A_18] : memref<1x384xf32, #tpu.memory_space<vmem>>, vector<1x384xf32>
    %dot_general3A = arith.constant dense<0.000000e+00> : vector<64x384xf32>
    %dot_general3A_20 = tpu.matmul %get3A_1, %get3A_10, %dot_general3A {dimension_numbers = #tpu.dot_dimension_numbers<[1], [1], [0], [0], [0, 0, 1, 0], [], []>, transpose_lhs_hint = false} : vector<64x512xf32>, vector<384x512xf32>, vector<64x384xf32> -> vector<64x384xf32>
    %add3A = vector.broadcast %get3A_16 : vector<1x384xf32> to vector<64x384xf32>
    %add3A_21 = arith.addf %dot_general3A_20, %add3A : vector<64x384xf32>
    %dot_general3A_22 = arith.constant dense<0.000000e+00> : vector<64x384xf32>
    %dot_general3A_23 = tpu.matmul %get3A_4, %get3A_13, %dot_general3A_22 {dimension_numbers = #tpu.dot_dimension_numbers<[1], [1], [0], [0], [0, 0, 1, 0], [], []>, transpose_lhs_hint = false} : vector<64x128xf32>, vector<384x128xf32>, vector<64x384xf32> -> vector<64x384xf32>
    %add3A_24 = vector.broadcast %get3A_19 : vector<1x384xf32> to vector<64x384xf32>
    %add3A_25 = arith.addf %dot_general3A_23, %add3A_24 : vector<64x384xf32>
    %slice3A = vector.extract_strided_slice %add3A_21 {offsets = [0, 0], sizes = [64, 128], strides = [1, 1]} : vector<64x384xf32> to vector<64x128xf32>
    %slice3A_26 = vector.extract_strided_slice %add3A_21 {offsets = [0, 128], sizes = [64, 128], strides = [1, 1]} : vector<64x384xf32> to vector<64x128xf32>
    %slice3A_27 = vector.extract_strided_slice %add3A_21 {offsets = [0, 256], sizes = [64, 128], strides = [1, 1]} : vector<64x384xf32> to vector<64x128xf32>
    %slice3A_28 = vector.extract_strided_slice %add3A_25 {offsets = [0, 0], sizes = [64, 128], strides = [1, 1]} : vector<64x384xf32> to vector<64x128xf32>
    %slice3A_29 = vector.extract_strided_slice %add3A_25 {offsets = [0, 128], sizes = [64, 128], strides = [1, 1]} : vector<64x384xf32> to vector<64x128xf32>
    %slice3A_30 = vector.extract_strided_slice %add3A_25 {offsets = [0, 256], sizes = [64, 128], strides = [1, 1]} : vector<64x384xf32> to vector<64x128xf32>
    %add3A_31 = arith.addf %slice3A, %slice3A_28 : vector<64x128xf32>
    %logistic3A = arith.negf %add3A_31 : vector<64x128xf32>
    %logistic3A_32 = math.exp %logistic3A : vector<64x128xf32>
    %logistic3A_33 = arith.constant 1.000000e+00 : f32
    %logistic3A_34 = vector.broadcast %logistic3A_33 : f32 to vector<64x128xf32>
    %logistic3A_35 = arith.addf %logistic3A_34, %logistic3A_32 : vector<64x128xf32>
    %logistic3A_36 = arith.divf %logistic3A_34, %logistic3A_35 : vector<64x128xf32>
    %add3A_37 = arith.addf %slice3A_26, %slice3A_29 : vector<64x128xf32>
    %logistic3A_38 = arith.negf %add3A_37 : vector<64x128xf32>
    %logistic3A_39 = math.exp %logistic3A_38 : vector<64x128xf32>
    %logistic3A_40 = arith.constant 1.000000e+00 : f32
    %logistic3A_41 = vector.broadcast %logistic3A_40 : f32 to vector<64x128xf32>
    %logistic3A_42 = arith.addf %logistic3A_41, %logistic3A_39 : vector<64x128xf32>
    %logistic3A_43 = arith.divf %logistic3A_41, %logistic3A_42 : vector<64x128xf32>
    %add3A_44 = arith.addf %slice3A_30, %get3A_7 : vector<64x128xf32>
    %mul3A = arith.mulf %logistic3A_36, %add3A_44 : vector<64x128xf32>
    %add3A_45 = arith.addf %slice3A_27, %mul3A : vector<64x128xf32>
    %tanh3A = math.tanh %add3A_45 : vector<64x128xf32>
    %sub3A = arith.constant 1.000000e+00 : f32
    %sub3A_46 = vector.broadcast %sub3A : f32 to vector<64x128xf32>
    %sub3A_47 = arith.subf %sub3A_46, %logistic3A_43 : vector<64x128xf32>
    %mul3A_48 = arith.mulf %sub3A_47, %tanh3A : vector<64x128xf32>
    %mul3A_49 = arith.mulf %logistic3A_43, %get3A_4 : vector<64x128xf32>
    %add3A_50 = arith.addf %mul3A_48, %mul3A_49 : vector<64x128xf32>
    %get3A_51 = arith.constant 0 : index
    %get3A_52 = arith.constant 0 : index
    %get3A_53 = vector.load %arg2[%get3A_51, %get3A_52] : memref<64x128xf32, #tpu.memory_space<vmem>>, vector<64x128xf32>
    %get3A_54 = arith.constant 0 : index
    %get3A_55 = arith.constant 0 : index
    %get3A_56 = vector.load %arg5[%get3A_54, %get3A_55] : memref<64x128xf32, #tpu.memory_space<vmem>>, vector<64x128xf32>
    %get3A_57 = arith.constant 0 : index
    %get3A_58 = arith.constant 0 : index
    %get3A_59 = vector.load %arg10[%get3A_57, %get3A_58] : memref<384x512xf32, #tpu.memory_space<vmem>>, vector<384x512xf32>
    %get3A_60 = arith.constant 0 : index
    %get3A_61 = arith.constant 0 : index
    %get3A_62 = vector.load %arg11[%get3A_60, %get3A_61] : memref<384x128xf32, #tpu.memory_space<vmem>>, vector<384x128xf32>
    %get3A_63 = arith.constant 0 : index
    %get3A_64 = arith.constant 0 : index
    %get3A_65 = vector.load %arg12[%get3A_63, %get3A_64] : memref<1x384xf32, #tpu.memory_space<vmem>>, vector<1x384xf32>
    %get3A_66 = arith.constant 0 : index
    %get3A_67 = arith.constant 0 : index
    %get3A_68 = vector.load %arg13[%get3A_66, %get3A_67] : memref<1x384xf32, #tpu.memory_space<vmem>>, vector<1x384xf32>
    %dot_general3A_69 = arith.constant dense<0.000000e+00> : vector<64x384xf32>
    %dot_general3A_70 = tpu.matmul %get3A_1, %get3A_59, %dot_general3A_69 {dimension_numbers = #tpu.dot_dimension_numbers<[1], [1], [0], [0], [0, 0, 1, 0], [], []>, transpose_lhs_hint = false} : vector<64x512xf32>, vector<384x512xf32>, vector<64x384xf32> -> vector<64x384xf32>
    %add3A_71 = vector.broadcast %get3A_65 : vector<1x384xf32> to vector<64x384xf32>
    %add3A_72 = arith.addf %dot_general3A_70, %add3A_71 : vector<64x384xf32>
    %dot_general3A_73 = arith.constant dense<0.000000e+00> : vector<64x384xf32>
    %dot_general3A_74 = tpu.matmul %get3A_53, %get3A_62, %dot_general3A_73 {dimension_numbers = #tpu.dot_dimension_numbers<[1], [1], [0], [0], [0, 0, 1, 0], [], []>, transpose_lhs_hint = false} : vector<64x128xf32>, vector<384x128xf32>, vector<64x384xf32> -> vector<64x384xf32>
    %add3A_75 = vector.broadcast %get3A_68 : vector<1x384xf32> to vector<64x384xf32>
    %add3A_76 = arith.addf %dot_general3A_74, %add3A_75 : vector<64x384xf32>
    %slice3A_77 = vector.extract_strided_slice %add3A_72 {offsets = [0, 0], sizes = [64, 128], strides = [1, 1]} : vector<64x384xf32> to vector<64x128xf32>
    %slice3A_78 = vector.extract_strided_slice %add3A_72 {offsets = [0, 128], sizes = [64, 128], strides = [1, 1]} : vector<64x384xf32> to vector<64x128xf32>
    %slice3A_79 = vector.extract_strided_slice %add3A_72 {offsets = [0, 256], sizes = [64, 128], strides = [1, 1]} : vector<64x384xf32> to vector<64x128xf32>
    %slice3A_80 = vector.extract_strided_slice %add3A_76 {offsets = [0, 0], sizes = [64, 128], strides = [1, 1]} : vector<64x384xf32> to vector<64x128xf32>
    %slice3A_81 = vector.extract_strided_slice %add3A_76 {offsets = [0, 128], sizes = [64, 128], strides = [1, 1]} : vector<64x384xf32> to vector<64x128xf32>
    %slice3A_82 = vector.extract_strided_slice %add3A_76 {offsets = [0, 256], sizes = [64, 128], strides = [1, 1]} : vector<64x384xf32> to vector<64x128xf32>
    %add3A_83 = arith.addf %slice3A_77, %slice3A_80 : vector<64x128xf32>
    %logistic3A_84 = arith.negf %add3A_83 : vector<64x128xf32>
    %logistic3A_85 = math.exp %logistic3A_84 : vector<64x128xf32>
    %logistic3A_86 = arith.constant 1.000000e+00 : f32
    %logistic3A_87 = vector.broadcast %logistic3A_86 : f32 to vector<64x128xf32>
    %logistic3A_88 = arith.addf %logistic3A_87, %logistic3A_85 : vector<64x128xf32>
    %logistic3A_89 = arith.divf %logistic3A_87, %logistic3A_88 : vector<64x128xf32>
    %add3A_90 = arith.addf %slice3A_78, %slice3A_81 : vector<64x128xf32>
    %logistic3A_91 = arith.negf %add3A_90 : vector<64x128xf32>
    %logistic3A_92 = math.exp %logistic3A_91 : vector<64x128xf32>
    %logistic3A_93 = arith.constant 1.000000e+00 : f32
    %logistic3A_94 = vector.broadcast %logistic3A_93 : f32 to vector<64x128xf32>
    %logistic3A_95 = arith.addf %logistic3A_94, %logistic3A_92 : vector<64x128xf32>
    %logistic3A_96 = arith.divf %logistic3A_94, %logistic3A_95 : vector<64x128xf32>
    %add3A_97 = arith.addf %slice3A_82, %get3A_56 : vector<64x128xf32>
    %mul3A_98 = arith.mulf %logistic3A_89, %add3A_97 : vector<64x128xf32>
    %add3A_99 = arith.addf %slice3A_79, %mul3A_98 : vector<64x128xf32>
    %tanh3A_100 = math.tanh %add3A_99 : vector<64x128xf32>
    %sub3A_101 = arith.constant 1.000000e+00 : f32
    %sub3A_102 = vector.broadcast %sub3A_101 : f32 to vector<64x128xf32>
    %sub3A_103 = arith.subf %sub3A_102, %logistic3A_96 : vector<64x128xf32>
    %mul3A_104 = arith.mulf %sub3A_103, %tanh3A_100 : vector<64x128xf32>
    %mul3A_105 = arith.mulf %logistic3A_96, %get3A_53 : vector<64x128xf32>
    %add3A_106 = arith.addf %mul3A_104, %mul3A_105 : vector<64x128xf32>
    %get3A_107 = arith.constant 0 : index
    %get3A_108 = arith.constant 0 : index
    %get3A_109 = vector.load %arg14[%get3A_107, %get3A_108] : memref<64x128xf32, #tpu.memory_space<vmem>>, vector<64x128xf32>
    %dot_general3A_110 = arith.constant dense<0.000000e+00> : vector<64x64xf32>
    %dot_general3A_111 = tpu.matmul %add3A_50, %get3A_109, %dot_general3A_110 {dimension_numbers = #tpu.dot_dimension_numbers<[1], [1], [0], [0], [0, 0, 1, 0], [], []>, transpose_lhs_hint = false} : vector<64x128xf32>, vector<64x128xf32>, vector<64x64xf32> -> vector<64x64xf32>
    %get3A_112 = arith.constant 0 : index
    %get3A_113 = arith.constant 0 : index
    %get3A_114 = vector.load %arg15[%get3A_112, %get3A_113] : memref<1x64xf32, #tpu.memory_space<vmem>>, vector<1x64xf32>
    %add3A_115 = vector.broadcast %get3A_114 : vector<1x64xf32> to vector<64x64xf32>
    %add3A_116 = arith.addf %dot_general3A_111, %add3A_115 : vector<64x64xf32>
    %get3A_117 = arith.constant 0 : index
    %get3A_118 = arith.constant 0 : index
    %get3A_119 = vector.load %arg3[%get3A_117, %get3A_118] : memref<64x64xi32, #tpu.memory_space<vmem>>, vector<64x64xi32>
    %gt3A = arith.constant 0 : i32
    %gt3A_120 = vector.broadcast %gt3A : i32 to vector<64x64xi32>
    %gt3A_121 = arith.cmpi sgt, %get3A_119, %gt3A_120 : vector<64x64xi32>
    %jit3A = arith.constant -3.40282347E+38 : f32
    %broadcast_in_dim3A = vector.broadcast %jit3A : f32 to vector<64x64xf32>
    %select_n3A = arith.select %gt3A_121, %add3A_116, %broadcast_in_dim3A : vector<64x64xi1>, vector<64x64xf32>
    %reduce_max3A = arith.constant dense<0xFF800000> : vector<64xf32>
    %reduce_max3A_122 = vector.multi_reduction <maximumf>, %select_n3A, %reduce_max3A [1] : vector<64x64xf32> to vector<64xf32>
    %broadcast_in_dim3A_123 = vector.shape_cast %reduce_max3A_122 : vector<64xf32> to vector<64x1xf32>
    %sub3A_124 = vector.broadcast %broadcast_in_dim3A_123 : vector<64x1xf32> to vector<64x64xf32>
    %sub3A_125 = arith.subf %select_n3A, %sub3A_124 : vector<64x64xf32>
    %exp3A = math.exp %sub3A_125 : vector<64x64xf32>
    %reduce_sum3A = arith.constant dense<0.000000e+00> : vector<64xf32>
    %reduce_sum3A_126 = vector.multi_reduction <add>, %exp3A, %reduce_sum3A [1] : vector<64x64xf32> to vector<64xf32>
    %broadcast_in_dim3A_127 = vector.shape_cast %reduce_sum3A_126 : vector<64xf32> to vector<64x1xf32>
    %log3A = math.log %broadcast_in_dim3A_127 : vector<64x1xf32>
    %sub3A_128 = vector.broadcast %log3A : vector<64x1xf32> to vector<64x64xf32>
    %sub3A_129 = arith.subf %sub3A_125, %sub3A_128 : vector<64x64xf32>
    %div3A = vector.broadcast %broadcast_in_dim3A_127 : vector<64x1xf32> to vector<64x64xf32>
    %div3A_130 = arith.divf %exp3A, %div3A : vector<64x64xf32>
    %get3A_131 = arith.constant 0 : index
    %get3A_132 = arith.constant 0 : index
    %get3A_133 = vector.load %arg18[%get3A_131, %get3A_132] : memref<64x64xf32, #tpu.memory_space<vmem>>, vector<64x64xf32>
    %add3A_134 = arith.addf %select_n3A, %get3A_133 : vector<64x64xf32>
    %argmax3A = tpu.reduce_index %add3A_134 {axis = 1 : i32, kind = #tpu.reduction_kind<arg_max>} : vector<64x64xf32> -> vector<64xi32>
    %iota3A = tpu.iota {dimensions = array<i32: 1>} : vector<64x64xi32>
    %broadcast_in_dim3A_135 = vector.shape_cast %argmax3A : vector<64xi32> to vector<64x1xi32>
    %eq3A = vector.broadcast %broadcast_in_dim3A_135 : vector<64x1xi32> to vector<64x64xi32>
    %eq3A_136 = arith.cmpi eq, %iota3A, %eq3A : vector<64x64xi32>
    %jit3A_137 = arith.constant 0.000000e+00 : f32
    %broadcast_in_dim3A_138 = vector.broadcast %jit3A_137 : f32 to vector<64x64xf32>
    %select_n3A_139 = arith.select %eq3A_136, %sub3A_129, %broadcast_in_dim3A_138 : vector<64x64xi1>, vector<64x64xf32>
    %reduce_sum3A_140 = arith.constant dense<0.000000e+00> : vector<64xf32>
    %reduce_sum3A_141 = vector.multi_reduction <add>, %select_n3A_139, %reduce_sum3A_140 [1] : vector<64x64xf32> to vector<64xf32>
    %broadcast_in_dim3A_142 = vector.shape_cast %reduce_sum3A_141 : vector<64xf32> to vector<64x1xf32>
    %mul3A_143 = arith.mulf %sub3A_129, %div3A_130 : vector<64x64xf32>
    %jit3A_144 = arith.constant 0.000000e+00 : f32
    %broadcast_in_dim3A_145 = vector.broadcast %jit3A_144 : f32 to vector<64x64xf32>
    %select_n3A_146 = arith.select %gt3A_121, %mul3A_143, %broadcast_in_dim3A_145 : vector<64x64xi1>, vector<64x64xf32>
    %reduce_sum3A_147 = arith.constant dense<0.000000e+00> : vector<64xf32>
    %reduce_sum3A_148 = vector.multi_reduction <add>, %select_n3A_146, %reduce_sum3A_147 [1] : vector<64x64xf32> to vector<64xf32>
    %broadcast_in_dim3A_149 = vector.shape_cast %reduce_sum3A_148 : vector<64xf32> to vector<64x1xf32>
    %neg3A = arith.constant 0.000000e+00 : f32
    %neg3A_150 = vector.broadcast %neg3A : f32 to vector<64x1xf32>
    %neg3A_151 = arith.subf %neg3A_150, %broadcast_in_dim3A_149 : vector<64x1xf32>
    %get3A_152 = arith.constant 0 : index
    %get3A_153 = arith.constant 0 : index
    %get3A_154 = vector.load %arg16[%get3A_152, %get3A_153] : memref<1x128xf32, #tpu.memory_space<vmem>>, vector<1x128xf32>
    %mul3A_155 = vector.broadcast %get3A_154 : vector<1x128xf32> to vector<64x128xf32>
    %mul3A_156 = arith.mulf %add3A_106, %mul3A_155 : vector<64x128xf32>
    %reduce_sum3A_157 = arith.constant dense<0.000000e+00> : vector<64xf32>
    %reduce_sum3A_158 = vector.multi_reduction <add>, %mul3A_156, %reduce_sum3A_157 [1] : vector<64x128xf32> to vector<64xf32>
    %broadcast_in_dim3A_159 = vector.shape_cast %reduce_sum3A_158 : vector<64xf32> to vector<64x1xf32>
    %get3A_160 = arith.constant 0 : index
    %get3A_161 = arith.constant 0 : index
    %get3A_162 = vector.load %arg17[%get3A_160, %get3A_161] : memref<1x1xf32, #tpu.memory_space<vmem>>, vector<1x1xf32>
    %add3A_163 = vector.broadcast %get3A_162 : vector<1x1xf32> to vector<64x1xf32>
    %add3A_164 = arith.addf %broadcast_in_dim3A_159, %add3A_163 : vector<64x1xf32>
    %broadcast_in_dim3A_165 = vector.shape_cast %argmax3A : vector<64xi32> to vector<64x1xi32>
    %swap3A = arith.constant 0 : index
    %swap3A_166 = arith.constant 0 : index
    %swap3A_167 = vector.load %arg19[%swap3A, %swap3A_166] : memref<64x1xi32, #tpu.memory_space<vmem>>, vector<64x1xi32>
    tpu.vector_store %arg19[%swap3A, %swap3A_166], %broadcast_in_dim3A_165 {strides = array<i32>} : memref<64x1xi32, #tpu.memory_space<vmem>>, vector<64x1xi32>,
    %swap3A_168 = arith.constant 0 : index
    %swap3A_169 = arith.constant 0 : index
    %swap3A_170 = vector.load %arg20[%swap3A_168, %swap3A_169] : memref<64x64xf32, #tpu.memory_space<vmem>>, vector<64x64xf32>
    tpu.vector_store %arg20[%swap3A_168, %swap3A_169], %div3A_130 {strides = array<i32>} : memref<64x64xf32, #tpu.memory_space<vmem>>, vector<64x64xf32>,
    %swap3A_171 = arith.constant 0 : index
    %swap3A_172 = arith.constant 0 : index
    %swap3A_173 = vector.load %arg21[%swap3A_171, %swap3A_172] : memref<64x1xf32, #tpu.memory_space<vmem>>, vector<64x1xf32>
    tpu.vector_store %arg21[%swap3A_171, %swap3A_172], %broadcast_in_dim3A_142 {strides = array<i32>} : memref<64x1xf32, #tpu.memory_space<vmem>>, vector<64x1xf32>,
    %swap3A_174 = arith.constant 0 : index
    %swap3A_175 = arith.constant 0 : index
    %swap3A_176 = vector.load %arg22[%swap3A_174, %swap3A_175] : memref<64x1xf32, #tpu.memory_space<vmem>>, vector<64x1xf32>
    tpu.vector_store %arg22[%swap3A_174, %swap3A_175], %neg3A_151 {strides = array<i32>} : memref<64x1xf32, #tpu.memory_space<vmem>>, vector<64x1xf32>,
    %swap3A_177 = arith.constant 0 : index
    %swap3A_178 = arith.constant 0 : index
    %swap3A_179 = vector.load %arg23[%swap3A_177, %swap3A_178] : memref<64x1xf32, #tpu.memory_space<vmem>>, vector<64x1xf32>
    tpu.vector_store %arg23[%swap3A_177, %swap3A_178], %add3A_164 {strides = array<i32>} : memref<64x1xf32, #tpu.memory_space<vmem>>, vector<64x1xf32>,
    %swap3A_180 = arith.constant 0 : index
    %swap3A_181 = arith.constant 0 : index
    %swap3A_182 = vector.load %arg24[%swap3A_180, %swap3A_181] : memref<64x128xf32, #tpu.memory_space<vmem>>, vector<64x128xf32>
    tpu.vector_store %arg24[%swap3A_180, %swap3A_181], %add3A_50 {strides = array<i32>} : memref<64x128xf32, #tpu.memory_space<vmem>>, vector<64x128xf32>,
    %swap3A_183 = arith.constant 0 : index
    %swap3A_184 = arith.constant 0 : index
    %swap3A_185 = vector.load %arg25[%swap3A_183, %swap3A_184] : memref<64x128xf32, #tpu.memory_space<vmem>>, vector<64x128xf32>
    tpu.vector_store %arg25[%swap3A_183, %swap3A_184], %add3A_106 {strides = array<i32>} : memref<64x128xf32, #tpu.memory_space<vmem>>, vector<64x128xf32>,
    return
  }
}

module attributes {stable_mosaic.version = 14 : i64} {
  func.func @_scan_body(%arg0: i32, %arg1: memref<64x128xf32, #tpu.memory_space<vmem>>, %arg2: memref<5000x128xf32, #tpu.memory_space<vmem>>, %arg3: memref<5000x128xf32, #tpu.memory_space<vmem>>, %arg4: memref<5000x128xf32, #tpu.memory_space<vmem>>, %arg5: memref<5000x128xf32, #tpu.memory_space<vmem>>, %arg6: memref<64x1xi32, #tpu.memory_space<vmem>>, %arg7: memref<64x1xi32, #tpu.memory_space<vmem>>, %arg8: memref<64x128xf32, #tpu.memory_space<vmem>>, %arg9: memref<64x128xi32, #tpu.memory_space<vmem>>, %arg10: memref<64x128xf32, #tpu.memory_space<vmem>>, %arg11: memref<64x128xi32, #tpu.memory_space<vmem>>, %arg12: memref<64x5000xf32, #tpu.memory_space<vmem>>, %arg13: memref<5000x128xf32, #tpu.memory_space<vmem>>, %arg14: memref<8x5000xf32, #tpu.memory_space<vmem>>) attributes {dimension_semantics = [#tpu.dimension_semantics<arbitrary>], iteration_bounds = array<i64: 10>, scalar_prefetch = 0 : i64, scratch_operands = 7 : i64, tpu.core_type = #tpu.core_type<tc>, window_params = [{pipeline_mode = #tpu.pipeline_mode<synchronous>, transform_indices = @transform_0, window_bounds = array<i64: 64, 128>}, {transform_indices = @transform_1, window_bounds = array<i64: 5000, 128>}, {transform_indices = @transform_2, window_bounds = array<i64: 5000, 128>}, {transform_indices = @transform_3, window_bounds = array<i64: 5000, 128>}, {transform_indices = @transform_4, window_bounds = array<i64: 5000, 128>}, {pipeline_mode = #tpu.pipeline_mode<synchronous>, transform_indices = @transform_5, window_bounds = array<i64: 64, 1>}, {pipeline_mode = #tpu.pipeline_mode<synchronous>, transform_indices = @transform_6, window_bounds = array<i64: 64, 1>}]} {
    %get3A = arith.constant 0 : index
    %get3A_0 = arith.constant 0 : index
    %get3A_1 = vector.load %arg1[%get3A, %get3A_0] : memref<64x128xf32, #tpu.memory_space<vmem>>, vector<64x128xf32>
    %broadcast_in_dim3A = arith.constant 1.000000e+00 : f32
    %broadcast_in_dim3A_2 = vector.broadcast %broadcast_in_dim3A : f32 to vector<8x128xf32>
    %eq3A = arith.constant 0 : i32
    %eq3A_3 = arith.cmpi eq, %arg0, %eq3A : i32
    %convert_element_type3A = arith.extui %eq3A_3 : i1 to i32
    %cond3A = arith.constant 0 : i32
    %cond3A_4 = arith.cmpi ne, %convert_element_type3A, %cond3A : i32
    scf.if %cond3A_4 {
      %broadcast_in_dim3A_2887 = arith.constant 0xFF800000 : f32
      %broadcast_in_dim3A_2888 = vector.broadcast %broadcast_in_dim3A_2887 : f32 to vector<64x128xf32>
      %swap3A_2889 = arith.constant 0 : index
      %swap3A_2890 = arith.constant 0 : index
      %swap3A_2891 = vector.load %arg8[%swap3A_2889, %swap3A_2890] : memref<64x128xf32, #tpu.memory_space<vmem>>, vector<64x128xf32>
      tpu.vector_store %arg8[%swap3A_2889, %swap3A_2890], %broadcast_in_dim3A_2888 {strides = array<i32>} : memref<64x128xf32, #tpu.memory_space<vmem>>, vector<64x128xf32>,
      %broadcast_in_dim3A_2892 = arith.constant 0 : i32
      %broadcast_in_dim3A_2893 = vector.broadcast %broadcast_in_dim3A_2892 : i32 to vector<64x128xi32>
      %swap3A_2894 = arith.constant 0 : index
      %swap3A_2895 = arith.constant 0 : index
      %swap3A_2896 = vector.load %arg9[%swap3A_2894, %swap3A_2895] : memref<64x128xi32, #tpu.memory_space<vmem>>, vector<64x128xi32>
      tpu.vector_store %arg9[%swap3A_2894, %swap3A_2895], %broadcast_in_dim3A_2893 {strides = array<i32>} : memref<64x128xi32, #tpu.memory_space<vmem>>, vector<64x128xi32>,
      %broadcast_in_dim3A_2897 = arith.constant 0xFF800000 : f32
      %broadcast_in_dim3A_2898 = vector.broadcast %broadcast_in_dim3A_2897 : f32 to vector<64x128xf32>
      %swap3A_2899 = arith.constant 0 : index
      %swap3A_2900 = arith.constant 0 : index
      %swap3A_2901 = vector.load %arg10[%swap3A_2899, %swap3A_2900] : memref<64x128xf32, #tpu.memory_space<vmem>>, vector<64x128xf32>
      tpu.vector_store %arg10[%swap3A_2899, %swap3A_2900], %broadcast_in_dim3A_2898 {strides = array<i32>} : memref<64x128xf32, #tpu.memory_space<vmem>>, vector<64x128xf32>,
      %broadcast_in_dim3A_2902 = arith.constant 0 : i32
      %broadcast_in_dim3A_2903 = vector.broadcast %broadcast_in_dim3A_2902 : i32 to vector<64x128xi32>
      %swap3A_2904 = arith.constant 0 : index
      %swap3A_2905 = arith.constant 0 : index
      %swap3A_2906 = vector.load %arg11[%swap3A_2904, %swap3A_2905] : memref<64x128xi32, #tpu.memory_space<vmem>>, vector<64x128xi32>
      tpu.vector_store %arg11[%swap3A_2904, %swap3A_2905], %broadcast_in_dim3A_2903 {strides = array<i32>} : memref<64x128xi32, #tpu.memory_space<vmem>>, vector<64x128xi32>,
    } else {
    }
    %mul3A = arith.constant 5000 : i32
    %mul3A_5 = arith.muli %arg0, %mul3A : i32
    %get3A_6 = arith.constant 0 : index
    %get3A_7 = arith.constant 0 : index
    %get3A_8 = vector.load %arg2[%get3A_6, %get3A_7] : memref<5000x128xf32, #tpu.memory_space<vmem>>, vector<5000x128xf32>
    %get3A_9 = arith.constant 0 : index
    %get3A_10 = arith.constant 0 : index
    %get3A_11 = vector.load %arg2[%get3A_9, %get3A_10] : memref<5000x128xf32, #tpu.memory_space<vmem>>, vector<5000x128xf32>
    %mul3A_12 = arith.mulf %get3A_8, %get3A_11 : vector<5000x128xf32>
    %swap3A = arith.constant 0 : index
    %swap3A_13 = arith.constant 0 : index
    %swap3A_14 = vector.load %arg13[%swap3A, %swap3A_13] : memref<5000x128xf32, #tpu.memory_space<vmem>>, vector<5000x128xf32>
    tpu.vector_store %arg13[%swap3A, %swap3A_13], %mul3A_12 {strides = array<i32>} : memref<5000x128xf32, #tpu.memory_space<vmem>>, vector<5000x128xf32>,
    %get3A_15 = arith.constant 0 : index
    %get3A_16 = arith.constant 0 : index
    %get3A_17 = vector.load %arg2[%get3A_15, %get3A_16] : memref<5000x128xf32, #tpu.memory_space<vmem>>, vector<5000x128xf32>
    %dot_general3A = arith.constant dense<0.000000e+00> : vector<64x5000xf32>
    %dot_general3A_18 = tpu.matmul %get3A_1, %get3A_17, %dot_general3A {dimension_numbers = #tpu.dot_dimension_numbers<[1], [1], [0], [0], [0, 0, 1, 0], [], []>, transpose_lhs_hint = false} : vector<64x128xf32>, vector<5000x128xf32>, vector<64x5000xf32> -> vector<64x5000xf32>
    %swap3A_19 = arith.constant 0 : index
    %swap3A_20 = arith.constant 0 : index
    %swap3A_21 = vector.load %arg12[%swap3A_19, %swap3A_20] : memref<64x5000xf32, #tpu.memory_space<vmem>>, vector<64x5000xf32>
    tpu.vector_store %arg12[%swap3A_19, %swap3A_20], %dot_general3A_18 {strides = array<i32>} : memref<64x5000xf32, #tpu.memory_space<vmem>>, vector<64x5000xf32>,
    %get3A_22 = arith.constant 0 : index
    %get3A_23 = arith.constant 0 : index
    %get3A_24 = vector.load %arg13[%get3A_22, %get3A_23] : memref<5000x128xf32, #tpu.memory_space<vmem>>, vector<5000x128xf32>
    %dot_general3A_25 = arith.constant dense<0.000000e+00> : vector<8x5000xf32>
    %dot_general3A_26 = tpu.matmul %broadcast_in_dim3A_2, %get3A_24, %dot_general3A_25 {dimension_numbers = #tpu.dot_dimension_numbers<[1], [1], [0], [0], [0, 0, 1, 0], [], []>, transpose_lhs_hint = false} : vector<8x128xf32>, vector<5000x128xf32>, vector<8x5000xf32> -> vector<8x5000xf32>
    %swap3A_27 = arith.constant 0 : index
    %swap3A_28 = arith.constant 0 : index
    %swap3A_29 = vector.load %arg14[%swap3A_27, %swap3A_28] : memref<8x5000xf32, #tpu.memory_space<vmem>>, vector<8x5000xf32>
    tpu.vector_store %arg14[%swap3A_27, %swap3A_28], %dot_general3A_26 {strides = array<i32>} : memref<8x5000xf32, #tpu.memory_space<vmem>>, vector<8x5000xf32>,
    %get3A_30 = arith.constant 0 : index
    %get3A_31 = arith.constant 0 : index
    %get3A_32 = vector.load %arg8[%get3A_30, %get3A_31] : memref<64x128xf32, #tpu.memory_space<vmem>>, vector<64x128xf32>
    %get3A_33 = arith.constant 0 : index
    %get3A_34 = arith.constant 0 : index
    %get3A_35 = vector.load %arg9[%get3A_33, %get3A_34] : memref<64x128xi32, #tpu.memory_space<vmem>>, vector<64x128xi32>
    %get3A_36 = arith.constant 0 : index
    %get3A_37 = arith.constant 0 : index
    %get3A_38 = vector.load %arg12[%get3A_36, %get3A_37] : memref<64x5000xf32, #tpu.memory_space<vmem>>, vector<64x128xf32>
    %get3A_39 = arith.constant 0 : index
    %get3A_40 = arith.constant 0 : index
    %get3A_41 = vector.load %arg14[%get3A_39, %get3A_40] : memref<8x5000xf32, #tpu.memory_space<vmem>>, vector<1x128xf32>
    %mul3A_42 = arith.constant 5.000000e-01 : f32
    %mul3A_43 = vector.broadcast %mul3A_42 : f32 to vector<1x128xf32>
    %mul3A_44 = arith.mulf %mul3A_43, %get3A_41 : vector<1x128xf32>
    %sub3A = vector.broadcast %mul3A_44 : vector<1x128xf32> to vector<64x128xf32>
    %sub3A_45 = arith.subf %get3A_38, %sub3A : vector<64x128xf32>
    %gt3A = arith.cmpf ogt, %sub3A_45, %get3A_32 : vector<64x128xf32>
    %select_n3A = arith.select %gt3A, %sub3A_45, %get3A_32 : vector<64x128xi1>, vector<64x128xf32>
    %add3A = arith.constant 0 : i32
    %add3A_46 = arith.addi %mul3A_5, %add3A : i32
    %broadcast_in_dim3A_47 = vector.broadcast %add3A_46 : i32 to vector<64x128xi32>
    %select_n3A_48 = arith.select %gt3A, %broadcast_in_dim3A_47, %get3A_35 : vector<64x128xi1>, vector<64x128xi32>
    %get3A_49 = arith.constant 0 : index
    %get3A_50 = arith.constant 128 : index
    %get3A_51 = vector.load %arg12[%get3A_49, %get3A_50] : memref<64x5000xf32, #tpu.memory_space<vmem>>, vector<64x128xf32>
    %get3A_52 = arith.constant 0 : index
    %get3A_53 = arith.constant 128 : index
    %get3A_54 = vector.load %arg14[%get3A_52, %get3A_53] : memref<8x5000xf32, #tpu.memory_space<vmem>>, vector<1x128xf32>
    %mul3A_55 = arith.constant 5.000000e-01 : f32
    %mul3A_56 = vector.broadcast %mul3A_55 : f32 to vector<1x128xf32>
    %mul3A_57 = arith.mulf %mul3A_56, %get3A_54 : vector<1x128xf32>
    %sub3A_58 = vector.broadcast %mul3A_57 : vector<1x128xf32> to vector<64x128xf32>
    %sub3A_59 = arith.subf %get3A_51, %sub3A_58 : vector<64x128xf32>
    %gt3A_60 = arith.cmpf ogt, %sub3A_59, %select_n3A : vector<64x128xf32>
    %select_n3A_61 = arith.select %gt3A_60, %sub3A_59, %select_n3A : vector<64x128xi1>, vector<64x128xf32>
    %add3A_62 = arith.constant 128 : i32
    %add3A_63 = arith.addi %mul3A_5, %add3A_62 : i32
    %broadcast_in_dim3A_64 = vector.broadcast %add3A_63 : i32 to vector<64x128xi32>
    %select_n3A_65 = arith.select %gt3A_60, %broadcast_in_dim3A_64, %select_n3A_48 : vector<64x128xi1>, vector<64x128xi32>
    %get3A_66 = arith.constant 0 : index
    %get3A_67 = arith.constant 256 : index
    %get3A_68 = vector.load %arg12[%get3A_66, %get3A_67] : memref<64x5000xf32, #tpu.memory_space<vmem>>, vector<64x128xf32>
    %get3A_69 = arith.constant 0 : index
    %get3A_70 = arith.constant 256 : index
    %get3A_71 = vector.load %arg14[%get3A_69, %get3A_70] : memref<8x5000xf32, #tpu.memory_space<vmem>>, vector<1x128xf32>
    %mul3A_72 = arith.constant 5.000000e-01 : f32
    %mul3A_73 = vector.broadcast %mul3A_72 : f32 to vector<1x128xf32>
    %mul3A_74 = arith.mulf %mul3A_73, %get3A_71 : vector<1x128xf32>
    %sub3A_75 = vector.broadcast %mul3A_74 : vector<1x128xf32> to vector<64x128xf32>
    %sub3A_76 = arith.subf %get3A_68, %sub3A_75 : vector<64x128xf32>
    %gt3A_77 = arith.cmpf ogt, %sub3A_76, %select_n3A_61 : vector<64x128xf32>
    %select_n3A_78 = arith.select %gt3A_77, %sub3A_76, %select_n3A_61 : vector<64x128xi1>, vector<64x128xf32>
    %add3A_79 = arith.constant 256 : i32
    %add3A_80 = arith.addi %mul3A_5, %add3A_79 : i32
    %broadcast_in_dim3A_81 = vector.broadcast %add3A_80 : i32 to vector<64x128xi32>
    %select_n3A_82 = arith.select %gt3A_77, %broadcast_in_dim3A_81, %select_n3A_65 : vector<64x128xi1>, vector<64x128xi32>
    %get3A_83 = arith.constant 0 : index
    %get3A_84 = arith.constant 384 : index
    %get3A_85 = vector.load %arg12[%get3A_83, %get3A_84] : memref<64x5000xf32, #tpu.memory_space<vmem>>, vector<64x128xf32>
    %get3A_86 = arith.constant 0 : index
    %get3A_87 = arith.constant 384 : index
    %get3A_88 = vector.load %arg14[%get3A_86, %get3A_87] : memref<8x5000xf32, #tpu.memory_space<vmem>>, vector<1x128xf32>
    %mul3A_89 = arith.constant 5.000000e-01 : f32
    %mul3A_90 = vector.broadcast %mul3A_89 : f32 to vector<1x128xf32>
    %mul3A_91 = arith.mulf %mul3A_90, %get3A_88 : vector<1x128xf32>
    %sub3A_92 = vector.broadcast %mul3A_91 : vector<1x128xf32> to vector<64x128xf32>
    %sub3A_93 = arith.subf %get3A_85, %sub3A_92 : vector<64x128xf32>
    %gt3A_94 = arith.cmpf ogt, %sub3A_93, %select_n3A_78 : vector<64x128xf32>
    %select_n3A_95 = arith.select %gt3A_94, %sub3A_93, %select_n3A_78 : vector<64x128xi1>, vector<64x128xf32>
    %add3A_96 = arith.constant 384 : i32
    %add3A_97 = arith.addi %mul3A_5, %add3A_96 : i32
    %broadcast_in_dim3A_98 = vector.broadcast %add3A_97 : i32 to vector<64x128xi32>
    %select_n3A_99 = arith.select %gt3A_94, %broadcast_in_dim3A_98, %select_n3A_82 : vector<64x128xi1>, vector<64x128xi32>
    %get3A_100 = arith.constant 0 : index
    %get3A_101 = arith.constant 512 : index
    %get3A_102 = vector.load %arg12[%get3A_100, %get3A_101] : memref<64x5000xf32, #tpu.memory_space<vmem>>, vector<64x128xf32>
    %get3A_103 = arith.constant 0 : index
    %get3A_104 = arith.constant 512 : index
    %get3A_105 = vector.load %arg14[%get3A_103, %get3A_104] : memref<8x5000xf32, #tpu.memory_space<vmem>>, vector<1x128xf32>
    %mul3A_106 = arith.constant 5.000000e-01 : f32
    %mul3A_107 = vector.broadcast %mul3A_106 : f32 to vector<1x128xf32>
    %mul3A_108 = arith.mulf %mul3A_107, %get3A_105 : vector<1x128xf32>
    %sub3A_109 = vector.broadcast %mul3A_108 : vector<1x128xf32> to vector<64x128xf32>
    %sub3A_110 = arith.subf %get3A_102, %sub3A_109 : vector<64x128xf32>
    %gt3A_111 = arith.cmpf ogt, %sub3A_110, %select_n3A_95 : vector<64x128xf32>
    %select_n3A_112 = arith.select %gt3A_111, %sub3A_110, %select_n3A_95 : vector<64x128xi1>, vector<64x128xf32>
    %add3A_113 = arith.constant 512 : i32
    %add3A_114 = arith.addi %mul3A_5, %add3A_113 : i32
    %broadcast_in_dim3A_115 = vector.broadcast %add3A_114 : i32 to vector<64x128xi32>
    %select_n3A_116 = arith.select %gt3A_111, %broadcast_in_dim3A_115, %select_n3A_99 : vector<64x128xi1>, vector<64x128xi32>
    %get3A_117 = arith.constant 0 : index
    %get3A_118 = arith.constant 640 : index
    %get3A_119 = vector.load %arg12[%get3A_117, %get3A_118] : memref<64x5000xf32, #tpu.memory_space<vmem>>, vector<64x128xf32>
    %get3A_120 = arith.constant 0 : index
    %get3A_121 = arith.constant 640 : index
    %get3A_122 = vector.load %arg14[%get3A_120, %get3A_121] : memref<8x5000xf32, #tpu.memory_space<vmem>>, vector<1x128xf32>
    %mul3A_123 = arith.constant 5.000000e-01 : f32
    %mul3A_124 = vector.broadcast %mul3A_123 : f32 to vector<1x128xf32>
    %mul3A_125 = arith.mulf %mul3A_124, %get3A_122 : vector<1x128xf32>
    %sub3A_126 = vector.broadcast %mul3A_125 : vector<1x128xf32> to vector<64x128xf32>
    %sub3A_127 = arith.subf %get3A_119, %sub3A_126 : vector<64x128xf32>
    %gt3A_128 = arith.cmpf ogt, %sub3A_127, %select_n3A_112 : vector<64x128xf32>
    %select_n3A_129 = arith.select %gt3A_128, %sub3A_127, %select_n3A_112 : vector<64x128xi1>, vector<64x128xf32>
    %add3A_130 = arith.constant 640 : i32
    %add3A_131 = arith.addi %mul3A_5, %add3A_130 : i32
    %broadcast_in_dim3A_132 = vector.broadcast %add3A_131 : i32 to vector<64x128xi32>
    %select_n3A_133 = arith.select %gt3A_128, %broadcast_in_dim3A_132, %select_n3A_116 : vector<64x128xi1>, vector<64x128xi32>
    %get3A_134 = arith.constant 0 : index
    %get3A_135 = arith.constant 768 : index
    %get3A_136 = vector.load %arg12[%get3A_134, %get3A_135] : memref<64x5000xf32, #tpu.memory_space<vmem>>, vector<64x128xf32>
    %get3A_137 = arith.constant 0 : index
    %get3A_138 = arith.constant 768 : index
    %get3A_139 = vector.load %arg14[%get3A_137, %get3A_138] : memref<8x5000xf32, #tpu.memory_space<vmem>>, vector<1x128xf32>
    %mul3A_140 = arith.constant 5.000000e-01 : f32
    %mul3A_141 = vector.broadcast %mul3A_140 : f32 to vector<1x128xf32>
    %mul3A_142 = arith.mulf %mul3A_141, %get3A_139 : vector<1x128xf32>
    %sub3A_143 = vector.broadcast %mul3A_142 : vector<1x128xf32> to vector<64x128xf32>
    %sub3A_144 = arith.subf %get3A_136, %sub3A_143 : vector<64x128xf32>
    %gt3A_145 = arith.cmpf ogt, %sub3A_144, %select_n3A_129 : vector<64x128xf32>
    %select_n3A_146 = arith.select %gt3A_145, %sub3A_144, %select_n3A_129 : vector<64x128xi1>, vector<64x128xf32>
    %add3A_147 = arith.constant 768 : i32
    %add3A_148 = arith.addi %mul3A_5, %add3A_147 : i32
    %broadcast_in_dim3A_149 = vector.broadcast %add3A_148 : i32 to vector<64x128xi32>
    %select_n3A_150 = arith.select %gt3A_145, %broadcast_in_dim3A_149, %select_n3A_133 : vector<64x128xi1>, vector<64x128xi32>
    %get3A_151 = arith.constant 0 : index
    %get3A_152 = arith.constant 896 : index
    %get3A_153 = vector.load %arg12[%get3A_151, %get3A_152] : memref<64x5000xf32, #tpu.memory_space<vmem>>, vector<64x128xf32>
    %get3A_154 = arith.constant 0 : index
    %get3A_155 = arith.constant 896 : index
    %get3A_156 = vector.load %arg14[%get3A_154, %get3A_155] : memref<8x5000xf32, #tpu.memory_space<vmem>>, vector<1x128xf32>
    %mul3A_157 = arith.constant 5.000000e-01 : f32
    %mul3A_158 = vector.broadcast %mul3A_157 : f32 to vector<1x128xf32>
    %mul3A_159 = arith.mulf %mul3A_158, %get3A_156 : vector<1x128xf32>
    %sub3A_160 = vector.broadcast %mul3A_159 : vector<1x128xf32> to vector<64x128xf32>
    %sub3A_161 = arith.subf %get3A_153, %sub3A_160 : vector<64x128xf32>
    %gt3A_162 = arith.cmpf ogt, %sub3A_161, %select_n3A_146 : vector<64x128xf32>
    %select_n3A_163 = arith.select %gt3A_162, %sub3A_161, %select_n3A_146 : vector<64x128xi1>, vector<64x128xf32>
    %add3A_164 = arith.constant 896 : i32
    %add3A_165 = arith.addi %mul3A_5, %add3A_164 : i32
    %broadcast_in_dim3A_166 = vector.broadcast %add3A_165 : i32 to vector<64x128xi32>
    %select_n3A_167 = arith.select %gt3A_162, %broadcast_in_dim3A_166, %select_n3A_150 : vector<64x128xi1>, vector<64x128xi32>
    %get3A_168 = arith.constant 0 : index
    %get3A_169 = arith.constant 1024 : index
    %get3A_170 = vector.load %arg12[%get3A_168, %get3A_169] : memref<64x5000xf32, #tpu.memory_space<vmem>>, vector<64x128xf32>
    %get3A_171 = arith.constant 0 : index
    %get3A_172 = arith.constant 1024 : index
    %get3A_173 = vector.load %arg14[%get3A_171, %get3A_172] : memref<8x5000xf32, #tpu.memory_space<vmem>>, vector<1x128xf32>
    %mul3A_174 = arith.constant 5.000000e-01 : f32
    %mul3A_175 = vector.broadcast %mul3A_174 : f32 to vector<1x128xf32>
    %mul3A_176 = arith.mulf %mul3A_175, %get3A_173 : vector<1x128xf32>
    %sub3A_177 = vector.broadcast %mul3A_176 : vector<1x128xf32> to vector<64x128xf32>
    %sub3A_178 = arith.subf %get3A_170, %sub3A_177 : vector<64x128xf32>
    %gt3A_179 = arith.cmpf ogt, %sub3A_178, %select_n3A_163 : vector<64x128xf32>
    %select_n3A_180 = arith.select %gt3A_179, %sub3A_178, %select_n3A_163 : vector<64x128xi1>, vector<64x128xf32>
    %add3A_181 = arith.constant 1024 : i32
    %add3A_182 = arith.addi %mul3A_5, %add3A_181 : i32
    %broadcast_in_dim3A_183 = vector.broadcast %add3A_182 : i32 to vector<64x128xi32>
    %select_n3A_184 = arith.select %gt3A_179, %broadcast_in_dim3A_183, %select_n3A_167 : vector<64x128xi1>, vector<64x128xi32>
    %get3A_185 = arith.constant 0 : index
    %get3A_186 = arith.constant 1152 : index
    %get3A_187 = vector.load %arg12[%get3A_185, %get3A_186] : memref<64x5000xf32, #tpu.memory_space<vmem>>, vector<64x128xf32>
    %get3A_188 = arith.constant 0 : index
    %get3A_189 = arith.constant 1152 : index
    %get3A_190 = vector.load %arg14[%get3A_188, %get3A_189] : memref<8x5000xf32, #tpu.memory_space<vmem>>, vector<1x128xf32>
    %mul3A_191 = arith.constant 5.000000e-01 : f32
    %mul3A_192 = vector.broadcast %mul3A_191 : f32 to vector<1x128xf32>
    %mul3A_193 = arith.mulf %mul3A_192, %get3A_190 : vector<1x128xf32>
    %sub3A_194 = vector.broadcast %mul3A_193 : vector<1x128xf32> to vector<64x128xf32>
    %sub3A_195 = arith.subf %get3A_187, %sub3A_194 : vector<64x128xf32>
    %gt3A_196 = arith.cmpf ogt, %sub3A_195, %select_n3A_180 : vector<64x128xf32>
    %select_n3A_197 = arith.select %gt3A_196, %sub3A_195, %select_n3A_180 : vector<64x128xi1>, vector<64x128xf32>
    %add3A_198 = arith.constant 1152 : i32
    %add3A_199 = arith.addi %mul3A_5, %add3A_198 : i32
    %broadcast_in_dim3A_200 = vector.broadcast %add3A_199 : i32 to vector<64x128xi32>
    %select_n3A_201 = arith.select %gt3A_196, %broadcast_in_dim3A_200, %select_n3A_184 : vector<64x128xi1>, vector<64x128xi32>
    %get3A_202 = arith.constant 0 : index
    %get3A_203 = arith.constant 1280 : index
    %get3A_204 = vector.load %arg12[%get3A_202, %get3A_203] : memref<64x5000xf32, #tpu.memory_space<vmem>>, vector<64x128xf32>
    %get3A_205 = arith.constant 0 : index
    %get3A_206 = arith.constant 1280 : index
    %get3A_207 = vector.load %arg14[%get3A_205, %get3A_206] : memref<8x5000xf32, #tpu.memory_space<vmem>>, vector<1x128xf32>
    %mul3A_208 = arith.constant 5.000000e-01 : f32
    %mul3A_209 = vector.broadcast %mul3A_208 : f32 to vector<1x128xf32>
    %mul3A_210 = arith.mulf %mul3A_209, %get3A_207 : vector<1x128xf32>
    %sub3A_211 = vector.broadcast %mul3A_210 : vector<1x128xf32> to vector<64x128xf32>
    %sub3A_212 = arith.subf %get3A_204, %sub3A_211 : vector<64x128xf32>
    %gt3A_213 = arith.cmpf ogt, %sub3A_212, %select_n3A_197 : vector<64x128xf32>
    %select_n3A_214 = arith.select %gt3A_213, %sub3A_212, %select_n3A_197 : vector<64x128xi1>, vector<64x128xf32>
    %add3A_215 = arith.constant 1280 : i32
    %add3A_216 = arith.addi %mul3A_5, %add3A_215 : i32
    %broadcast_in_dim3A_217 = vector.broadcast %add3A_216 : i32 to vector<64x128xi32>
    %select_n3A_218 = arith.select %gt3A_213, %broadcast_in_dim3A_217, %select_n3A_201 : vector<64x128xi1>, vector<64x128xi32>
    %get3A_219 = arith.constant 0 : index
    %get3A_220 = arith.constant 1408 : index
    %get3A_221 = vector.load %arg12[%get3A_219, %get3A_220] : memref<64x5000xf32, #tpu.memory_space<vmem>>, vector<64x128xf32>
    %get3A_222 = arith.constant 0 : index
    %get3A_223 = arith.constant 1408 : index
    %get3A_224 = vector.load %arg14[%get3A_222, %get3A_223] : memref<8x5000xf32, #tpu.memory_space<vmem>>, vector<1x128xf32>
    %mul3A_225 = arith.constant 5.000000e-01 : f32
    %mul3A_226 = vector.broadcast %mul3A_225 : f32 to vector<1x128xf32>
    %mul3A_227 = arith.mulf %mul3A_226, %get3A_224 : vector<1x128xf32>
    %sub3A_228 = vector.broadcast %mul3A_227 : vector<1x128xf32> to vector<64x128xf32>
    %sub3A_229 = arith.subf %get3A_221, %sub3A_228 : vector<64x128xf32>
    %gt3A_230 = arith.cmpf ogt, %sub3A_229, %select_n3A_214 : vector<64x128xf32>
    %select_n3A_231 = arith.select %gt3A_230, %sub3A_229, %select_n3A_214 : vector<64x128xi1>, vector<64x128xf32>
    %add3A_232 = arith.constant 1408 : i32
    %add3A_233 = arith.addi %mul3A_5, %add3A_232 : i32
    %broadcast_in_dim3A_234 = vector.broadcast %add3A_233 : i32 to vector<64x128xi32>
    %select_n3A_235 = arith.select %gt3A_230, %broadcast_in_dim3A_234, %select_n3A_218 : vector<64x128xi1>, vector<64x128xi32>
    %get3A_236 = arith.constant 0 : index
    %get3A_237 = arith.constant 1536 : index
    %get3A_238 = vector.load %arg12[%get3A_236, %get3A_237] : memref<64x5000xf32, #tpu.memory_space<vmem>>, vector<64x128xf32>
    %get3A_239 = arith.constant 0 : index
    %get3A_240 = arith.constant 1536 : index
    %get3A_241 = vector.load %arg14[%get3A_239, %get3A_240] : memref<8x5000xf32, #tpu.memory_space<vmem>>, vector<1x128xf32>
    %mul3A_242 = arith.constant 5.000000e-01 : f32
    %mul3A_243 = vector.broadcast %mul3A_242 : f32 to vector<1x128xf32>
    %mul3A_244 = arith.mulf %mul3A_243, %get3A_241 : vector<1x128xf32>
    %sub3A_245 = vector.broadcast %mul3A_244 : vector<1x128xf32> to vector<64x128xf32>
    %sub3A_246 = arith.subf %get3A_238, %sub3A_245 : vector<64x128xf32>
    %gt3A_247 = arith.cmpf ogt, %sub3A_246, %select_n3A_231 : vector<64x128xf32>
    %select_n3A_248 = arith.select %gt3A_247, %sub3A_246, %select_n3A_231 : vector<64x128xi1>, vector<64x128xf32>
    %add3A_249 = arith.constant 1536 : i32
    %add3A_250 = arith.addi %mul3A_5, %add3A_249 : i32
    %broadcast_in_dim3A_251 = vector.broadcast %add3A_250 : i32 to vector<64x128xi32>
    %select_n3A_252 = arith.select %gt3A_247, %broadcast_in_dim3A_251, %select_n3A_235 : vector<64x128xi1>, vector<64x128xi32>
    %get3A_253 = arith.constant 0 : index
    %get3A_254 = arith.constant 1664 : index
    %get3A_255 = vector.load %arg12[%get3A_253, %get3A_254] : memref<64x5000xf32, #tpu.memory_space<vmem>>, vector<64x128xf32>
    %get3A_256 = arith.constant 0 : index
    %get3A_257 = arith.constant 1664 : index
    %get3A_258 = vector.load %arg14[%get3A_256, %get3A_257] : memref<8x5000xf32, #tpu.memory_space<vmem>>, vector<1x128xf32>
    %mul3A_259 = arith.constant 5.000000e-01 : f32
    %mul3A_260 = vector.broadcast %mul3A_259 : f32 to vector<1x128xf32>
    %mul3A_261 = arith.mulf %mul3A_260, %get3A_258 : vector<1x128xf32>
    %sub3A_262 = vector.broadcast %mul3A_261 : vector<1x128xf32> to vector<64x128xf32>
    %sub3A_263 = arith.subf %get3A_255, %sub3A_262 : vector<64x128xf32>
    %gt3A_264 = arith.cmpf ogt, %sub3A_263, %select_n3A_248 : vector<64x128xf32>
    %select_n3A_265 = arith.select %gt3A_264, %sub3A_263, %select_n3A_248 : vector<64x128xi1>, vector<64x128xf32>
    %add3A_266 = arith.constant 1664 : i32
    %add3A_267 = arith.addi %mul3A_5, %add3A_266 : i32
    %broadcast_in_dim3A_268 = vector.broadcast %add3A_267 : i32 to vector<64x128xi32>
    %select_n3A_269 = arith.select %gt3A_264, %broadcast_in_dim3A_268, %select_n3A_252 : vector<64x128xi1>, vector<64x128xi32>
    %get3A_270 = arith.constant 0 : index
    %get3A_271 = arith.constant 1792 : index
    %get3A_272 = vector.load %arg12[%get3A_270, %get3A_271] : memref<64x5000xf32, #tpu.memory_space<vmem>>, vector<64x128xf32>
    %get3A_273 = arith.constant 0 : index
    %get3A_274 = arith.constant 1792 : index
    %get3A_275 = vector.load %arg14[%get3A_273, %get3A_274] : memref<8x5000xf32, #tpu.memory_space<vmem>>, vector<1x128xf32>
    %mul3A_276 = arith.constant 5.000000e-01 : f32
    %mul3A_277 = vector.broadcast %mul3A_276 : f32 to vector<1x128xf32>
    %mul3A_278 = arith.mulf %mul3A_277, %get3A_275 : vector<1x128xf32>
    %sub3A_279 = vector.broadcast %mul3A_278 : vector<1x128xf32> to vector<64x128xf32>
    %sub3A_280 = arith.subf %get3A_272, %sub3A_279 : vector<64x128xf32>
    %gt3A_281 = arith.cmpf ogt, %sub3A_280, %select_n3A_265 : vector<64x128xf32>
    %select_n3A_282 = arith.select %gt3A_281, %sub3A_280, %select_n3A_265 : vector<64x128xi1>, vector<64x128xf32>
    %add3A_283 = arith.constant 1792 : i32
    %add3A_284 = arith.addi %mul3A_5, %add3A_283 : i32
    %broadcast_in_dim3A_285 = vector.broadcast %add3A_284 : i32 to vector<64x128xi32>
    %select_n3A_286 = arith.select %gt3A_281, %broadcast_in_dim3A_285, %select_n3A_269 : vector<64x128xi1>, vector<64x128xi32>
    %get3A_287 = arith.constant 0 : index
    %get3A_288 = arith.constant 1920 : index
    %get3A_289 = vector.load %arg12[%get3A_287, %get3A_288] : memref<64x5000xf32, #tpu.memory_space<vmem>>, vector<64x128xf32>
    %get3A_290 = arith.constant 0 : index
    %get3A_291 = arith.constant 1920 : index
    %get3A_292 = vector.load %arg14[%get3A_290, %get3A_291] : memref<8x5000xf32, #tpu.memory_space<vmem>>, vector<1x128xf32>
    %mul3A_293 = arith.constant 5.000000e-01 : f32
    %mul3A_294 = vector.broadcast %mul3A_293 : f32 to vector<1x128xf32>
    %mul3A_295 = arith.mulf %mul3A_294, %get3A_292 : vector<1x128xf32>
    %sub3A_296 = vector.broadcast %mul3A_295 : vector<1x128xf32> to vector<64x128xf32>
    %sub3A_297 = arith.subf %get3A_289, %sub3A_296 : vector<64x128xf32>
    %gt3A_298 = arith.cmpf ogt, %sub3A_297, %select_n3A_282 : vector<64x128xf32>
    %select_n3A_299 = arith.select %gt3A_298, %sub3A_297, %select_n3A_282 : vector<64x128xi1>, vector<64x128xf32>
    %add3A_300 = arith.constant 1920 : i32
    %add3A_301 = arith.addi %mul3A_5, %add3A_300 : i32
    %broadcast_in_dim3A_302 = vector.broadcast %add3A_301 : i32 to vector<64x128xi32>
    %select_n3A_303 = arith.select %gt3A_298, %broadcast_in_dim3A_302, %select_n3A_286 : vector<64x128xi1>, vector<64x128xi32>
    %get3A_304 = arith.constant 0 : index
    %get3A_305 = arith.constant 2048 : index
    %get3A_306 = vector.load %arg12[%get3A_304, %get3A_305] : memref<64x5000xf32, #tpu.memory_space<vmem>>, vector<64x128xf32>
    %get3A_307 = arith.constant 0 : index
    %get3A_308 = arith.constant 2048 : index
    %get3A_309 = vector.load %arg14[%get3A_307, %get3A_308] : memref<8x5000xf32, #tpu.memory_space<vmem>>, vector<1x128xf32>
    %mul3A_310 = arith.constant 5.000000e-01 : f32
    %mul3A_311 = vector.broadcast %mul3A_310 : f32 to vector<1x128xf32>
    %mul3A_312 = arith.mulf %mul3A_311, %get3A_309 : vector<1x128xf32>
    %sub3A_313 = vector.broadcast %mul3A_312 : vector<1x128xf32> to vector<64x128xf32>
    %sub3A_314 = arith.subf %get3A_306, %sub3A_313 : vector<64x128xf32>
    %gt3A_315 = arith.cmpf ogt, %sub3A_314, %select_n3A_299 : vector<64x128xf32>
    %select_n3A_316 = arith.select %gt3A_315, %sub3A_314, %select_n3A_299 : vector<64x128xi1>, vector<64x128xf32>
    %add3A_317 = arith.constant 2048 : i32
    %add3A_318 = arith.addi %mul3A_5, %add3A_317 : i32
    %broadcast_in_dim3A_319 = vector.broadcast %add3A_318 : i32 to vector<64x128xi32>
    %select_n3A_320 = arith.select %gt3A_315, %broadcast_in_dim3A_319, %select_n3A_303 : vector<64x128xi1>, vector<64x128xi32>
    %get3A_321 = arith.constant 0 : index
    %get3A_322 = arith.constant 2176 : index
    %get3A_323 = vector.load %arg12[%get3A_321, %get3A_322] : memref<64x5000xf32, #tpu.memory_space<vmem>>, vector<64x128xf32>
    %get3A_324 = arith.constant 0 : index
    %get3A_325 = arith.constant 2176 : index
    %get3A_326 = vector.load %arg14[%get3A_324, %get3A_325] : memref<8x5000xf32, #tpu.memory_space<vmem>>, vector<1x128xf32>
    %mul3A_327 = arith.constant 5.000000e-01 : f32
    %mul3A_328 = vector.broadcast %mul3A_327 : f32 to vector<1x128xf32>
    %mul3A_329 = arith.mulf %mul3A_328, %get3A_326 : vector<1x128xf32>
    %sub3A_330 = vector.broadcast %mul3A_329 : vector<1x128xf32> to vector<64x128xf32>
    %sub3A_331 = arith.subf %get3A_323, %sub3A_330 : vector<64x128xf32>
    %gt3A_332 = arith.cmpf ogt, %sub3A_331, %select_n3A_316 : vector<64x128xf32>
    %select_n3A_333 = arith.select %gt3A_332, %sub3A_331, %select_n3A_316 : vector<64x128xi1>, vector<64x128xf32>
    %add3A_334 = arith.constant 2176 : i32
    %add3A_335 = arith.addi %mul3A_5, %add3A_334 : i32
    %broadcast_in_dim3A_336 = vector.broadcast %add3A_335 : i32 to vector<64x128xi32>
    %select_n3A_337 = arith.select %gt3A_332, %broadcast_in_dim3A_336, %select_n3A_320 : vector<64x128xi1>, vector<64x128xi32>
    %get3A_338 = arith.constant 0 : index
    %get3A_339 = arith.constant 2304 : index
    %get3A_340 = vector.load %arg12[%get3A_338, %get3A_339] : memref<64x5000xf32, #tpu.memory_space<vmem>>, vector<64x128xf32>
    %get3A_341 = arith.constant 0 : index
    %get3A_342 = arith.constant 2304 : index
    %get3A_343 = vector.load %arg14[%get3A_341, %get3A_342] : memref<8x5000xf32, #tpu.memory_space<vmem>>, vector<1x128xf32>
    %mul3A_344 = arith.constant 5.000000e-01 : f32
    %mul3A_345 = vector.broadcast %mul3A_344 : f32 to vector<1x128xf32>
    %mul3A_346 = arith.mulf %mul3A_345, %get3A_343 : vector<1x128xf32>
    %sub3A_347 = vector.broadcast %mul3A_346 : vector<1x128xf32> to vector<64x128xf32>
    %sub3A_348 = arith.subf %get3A_340, %sub3A_347 : vector<64x128xf32>
    %gt3A_349 = arith.cmpf ogt, %sub3A_348, %select_n3A_333 : vector<64x128xf32>
    %select_n3A_350 = arith.select %gt3A_349, %sub3A_348, %select_n3A_333 : vector<64x128xi1>, vector<64x128xf32>
    %add3A_351 = arith.constant 2304 : i32
    %add3A_352 = arith.addi %mul3A_5, %add3A_351 : i32
    %broadcast_in_dim3A_353 = vector.broadcast %add3A_352 : i32 to vector<64x128xi32>
    %select_n3A_354 = arith.select %gt3A_349, %broadcast_in_dim3A_353, %select_n3A_337 : vector<64x128xi1>, vector<64x128xi32>
    %get3A_355 = arith.constant 0 : index
    %get3A_356 = arith.constant 2432 : index
    %get3A_357 = vector.load %arg12[%get3A_355, %get3A_356] : memref<64x5000xf32, #tpu.memory_space<vmem>>, vector<64x128xf32>
    %get3A_358 = arith.constant 0 : index
    %get3A_359 = arith.constant 2432 : index
    %get3A_360 = vector.load %arg14[%get3A_358, %get3A_359] : memref<8x5000xf32, #tpu.memory_space<vmem>>, vector<1x128xf32>
    %mul3A_361 = arith.constant 5.000000e-01 : f32
    %mul3A_362 = vector.broadcast %mul3A_361 : f32 to vector<1x128xf32>
    %mul3A_363 = arith.mulf %mul3A_362, %get3A_360 : vector<1x128xf32>
    %sub3A_364 = vector.broadcast %mul3A_363 : vector<1x128xf32> to vector<64x128xf32>
    %sub3A_365 = arith.subf %get3A_357, %sub3A_364 : vector<64x128xf32>
    %gt3A_366 = arith.cmpf ogt, %sub3A_365, %select_n3A_350 : vector<64x128xf32>
    %select_n3A_367 = arith.select %gt3A_366, %sub3A_365, %select_n3A_350 : vector<64x128xi1>, vector<64x128xf32>
    %add3A_368 = arith.constant 2432 : i32
    %add3A_369 = arith.addi %mul3A_5, %add3A_368 : i32
    %broadcast_in_dim3A_370 = vector.broadcast %add3A_369 : i32 to vector<64x128xi32>
    %select_n3A_371 = arith.select %gt3A_366, %broadcast_in_dim3A_370, %select_n3A_354 : vector<64x128xi1>, vector<64x128xi32>
    %get3A_372 = arith.constant 0 : index
    %get3A_373 = arith.constant 2560 : index
    %get3A_374 = vector.load %arg12[%get3A_372, %get3A_373] : memref<64x5000xf32, #tpu.memory_space<vmem>>, vector<64x128xf32>
    %get3A_375 = arith.constant 0 : index
    %get3A_376 = arith.constant 2560 : index
    %get3A_377 = vector.load %arg14[%get3A_375, %get3A_376] : memref<8x5000xf32, #tpu.memory_space<vmem>>, vector<1x128xf32>
    %mul3A_378 = arith.constant 5.000000e-01 : f32
    %mul3A_379 = vector.broadcast %mul3A_378 : f32 to vector<1x128xf32>
    %mul3A_380 = arith.mulf %mul3A_379, %get3A_377 : vector<1x128xf32>
    %sub3A_381 = vector.broadcast %mul3A_380 : vector<1x128xf32> to vector<64x128xf32>
    %sub3A_382 = arith.subf %get3A_374, %sub3A_381 : vector<64x128xf32>
    %gt3A_383 = arith.cmpf ogt, %sub3A_382, %select_n3A_367 : vector<64x128xf32>
    %select_n3A_384 = arith.select %gt3A_383, %sub3A_382, %select_n3A_367 : vector<64x128xi1>, vector<64x128xf32>
    %add3A_385 = arith.constant 2560 : i32
    %add3A_386 = arith.addi %mul3A_5, %add3A_385 : i32
    %broadcast_in_dim3A_387 = vector.broadcast %add3A_386 : i32 to vector<64x128xi32>
    %select_n3A_388 = arith.select %gt3A_383, %broadcast_in_dim3A_387, %select_n3A_371 : vector<64x128xi1>, vector<64x128xi32>
    %get3A_389 = arith.constant 0 : index
    %get3A_390 = arith.constant 2688 : index
    %get3A_391 = vector.load %arg12[%get3A_389, %get3A_390] : memref<64x5000xf32, #tpu.memory_space<vmem>>, vector<64x128xf32>
    %get3A_392 = arith.constant 0 : index
    %get3A_393 = arith.constant 2688 : index
    %get3A_394 = vector.load %arg14[%get3A_392, %get3A_393] : memref<8x5000xf32, #tpu.memory_space<vmem>>, vector<1x128xf32>
    %mul3A_395 = arith.constant 5.000000e-01 : f32
    %mul3A_396 = vector.broadcast %mul3A_395 : f32 to vector<1x128xf32>
    %mul3A_397 = arith.mulf %mul3A_396, %get3A_394 : vector<1x128xf32>
    %sub3A_398 = vector.broadcast %mul3A_397 : vector<1x128xf32> to vector<64x128xf32>
    %sub3A_399 = arith.subf %get3A_391, %sub3A_398 : vector<64x128xf32>
    %gt3A_400 = arith.cmpf ogt, %sub3A_399, %select_n3A_384 : vector<64x128xf32>
    %select_n3A_401 = arith.select %gt3A_400, %sub3A_399, %select_n3A_384 : vector<64x128xi1>, vector<64x128xf32>
    %add3A_402 = arith.constant 2688 : i32
    %add3A_403 = arith.addi %mul3A_5, %add3A_402 : i32
    %broadcast_in_dim3A_404 = vector.broadcast %add3A_403 : i32 to vector<64x128xi32>
    %select_n3A_405 = arith.select %gt3A_400, %broadcast_in_dim3A_404, %select_n3A_388 : vector<64x128xi1>, vector<64x128xi32>
    %get3A_406 = arith.constant 0 : index
    %get3A_407 = arith.constant 2816 : index
    %get3A_408 = vector.load %arg12[%get3A_406, %get3A_407] : memref<64x5000xf32, #tpu.memory_space<vmem>>, vector<64x128xf32>
    %get3A_409 = arith.constant 0 : index
    %get3A_410 = arith.constant 2816 : index
    %get3A_411 = vector.load %arg14[%get3A_409, %get3A_410] : memref<8x5000xf32, #tpu.memory_space<vmem>>, vector<1x128xf32>
    %mul3A_412 = arith.constant 5.000000e-01 : f32
    %mul3A_413 = vector.broadcast %mul3A_412 : f32 to vector<1x128xf32>
    %mul3A_414 = arith.mulf %mul3A_413, %get3A_411 : vector<1x128xf32>
    %sub3A_415 = vector.broadcast %mul3A_414 : vector<1x128xf32> to vector<64x128xf32>
    %sub3A_416 = arith.subf %get3A_408, %sub3A_415 : vector<64x128xf32>
    %gt3A_417 = arith.cmpf ogt, %sub3A_416, %select_n3A_401 : vector<64x128xf32>
    %select_n3A_418 = arith.select %gt3A_417, %sub3A_416, %select_n3A_401 : vector<64x128xi1>, vector<64x128xf32>
    %add3A_419 = arith.constant 2816 : i32
    %add3A_420 = arith.addi %mul3A_5, %add3A_419 : i32
    %broadcast_in_dim3A_421 = vector.broadcast %add3A_420 : i32 to vector<64x128xi32>
    %select_n3A_422 = arith.select %gt3A_417, %broadcast_in_dim3A_421, %select_n3A_405 : vector<64x128xi1>, vector<64x128xi32>
    %get3A_423 = arith.constant 0 : index
    %get3A_424 = arith.constant 2944 : index
    %get3A_425 = vector.load %arg12[%get3A_423, %get3A_424] : memref<64x5000xf32, #tpu.memory_space<vmem>>, vector<64x128xf32>
    %get3A_426 = arith.constant 0 : index
    %get3A_427 = arith.constant 2944 : index
    %get3A_428 = vector.load %arg14[%get3A_426, %get3A_427] : memref<8x5000xf32, #tpu.memory_space<vmem>>, vector<1x128xf32>
    %mul3A_429 = arith.constant 5.000000e-01 : f32
    %mul3A_430 = vector.broadcast %mul3A_429 : f32 to vector<1x128xf32>
    %mul3A_431 = arith.mulf %mul3A_430, %get3A_428 : vector<1x128xf32>
    %sub3A_432 = vector.broadcast %mul3A_431 : vector<1x128xf32> to vector<64x128xf32>
    %sub3A_433 = arith.subf %get3A_425, %sub3A_432 : vector<64x128xf32>
    %gt3A_434 = arith.cmpf ogt, %sub3A_433, %select_n3A_418 : vector<64x128xf32>
    %select_n3A_435 = arith.select %gt3A_434, %sub3A_433, %select_n3A_418 : vector<64x128xi1>, vector<64x128xf32>
    %add3A_436 = arith.constant 2944 : i32
    %add3A_437 = arith.addi %mul3A_5, %add3A_436 : i32
    %broadcast_in_dim3A_438 = vector.broadcast %add3A_437 : i32 to vector<64x128xi32>
    %select_n3A_439 = arith.select %gt3A_434, %broadcast_in_dim3A_438, %select_n3A_422 : vector<64x128xi1>, vector<64x128xi32>
    %get3A_440 = arith.constant 0 : index
    %get3A_441 = arith.constant 3072 : index
    %get3A_442 = vector.load %arg12[%get3A_440, %get3A_441] : memref<64x5000xf32, #tpu.memory_space<vmem>>, vector<64x128xf32>
    %get3A_443 = arith.constant 0 : index
    %get3A_444 = arith.constant 3072 : index
    %get3A_445 = vector.load %arg14[%get3A_443, %get3A_444] : memref<8x5000xf32, #tpu.memory_space<vmem>>, vector<1x128xf32>
    %mul3A_446 = arith.constant 5.000000e-01 : f32
    %mul3A_447 = vector.broadcast %mul3A_446 : f32 to vector<1x128xf32>
    %mul3A_448 = arith.mulf %mul3A_447, %get3A_445 : vector<1x128xf32>
    %sub3A_449 = vector.broadcast %mul3A_448 : vector<1x128xf32> to vector<64x128xf32>
    %sub3A_450 = arith.subf %get3A_442, %sub3A_449 : vector<64x128xf32>
    %gt3A_451 = arith.cmpf ogt, %sub3A_450, %select_n3A_435 : vector<64x128xf32>
    %select_n3A_452 = arith.select %gt3A_451, %sub3A_450, %select_n3A_435 : vector<64x128xi1>, vector<64x128xf32>
    %add3A_453 = arith.constant 3072 : i32
    %add3A_454 = arith.addi %mul3A_5, %add3A_453 : i32
    %broadcast_in_dim3A_455 = vector.broadcast %add3A_454 : i32 to vector<64x128xi32>
    %select_n3A_456 = arith.select %gt3A_451, %broadcast_in_dim3A_455, %select_n3A_439 : vector<64x128xi1>, vector<64x128xi32>
    %get3A_457 = arith.constant 0 : index
    %get3A_458 = arith.constant 3200 : index
    %get3A_459 = vector.load %arg12[%get3A_457, %get3A_458] : memref<64x5000xf32, #tpu.memory_space<vmem>>, vector<64x128xf32>
    %get3A_460 = arith.constant 0 : index
    %get3A_461 = arith.constant 3200 : index
    %get3A_462 = vector.load %arg14[%get3A_460, %get3A_461] : memref<8x5000xf32, #tpu.memory_space<vmem>>, vector<1x128xf32>
    %mul3A_463 = arith.constant 5.000000e-01 : f32
    %mul3A_464 = vector.broadcast %mul3A_463 : f32 to vector<1x128xf32>
    %mul3A_465 = arith.mulf %mul3A_464, %get3A_462 : vector<1x128xf32>
    %sub3A_466 = vector.broadcast %mul3A_465 : vector<1x128xf32> to vector<64x128xf32>
    %sub3A_467 = arith.subf %get3A_459, %sub3A_466 : vector<64x128xf32>
    %gt3A_468 = arith.cmpf ogt, %sub3A_467, %select_n3A_452 : vector<64x128xf32>
    %select_n3A_469 = arith.select %gt3A_468, %sub3A_467, %select_n3A_452 : vector<64x128xi1>, vector<64x128xf32>
    %add3A_470 = arith.constant 3200 : i32
    %add3A_471 = arith.addi %mul3A_5, %add3A_470 : i32
    %broadcast_in_dim3A_472 = vector.broadcast %add3A_471 : i32 to vector<64x128xi32>
    %select_n3A_473 = arith.select %gt3A_468, %broadcast_in_dim3A_472, %select_n3A_456 : vector<64x128xi1>, vector<64x128xi32>
    %get3A_474 = arith.constant 0 : index
    %get3A_475 = arith.constant 3328 : index
    %get3A_476 = vector.load %arg12[%get3A_474, %get3A_475] : memref<64x5000xf32, #tpu.memory_space<vmem>>, vector<64x128xf32>
    %get3A_477 = arith.constant 0 : index
    %get3A_478 = arith.constant 3328 : index
    %get3A_479 = vector.load %arg14[%get3A_477, %get3A_478] : memref<8x5000xf32, #tpu.memory_space<vmem>>, vector<1x128xf32>
    %mul3A_480 = arith.constant 5.000000e-01 : f32
    %mul3A_481 = vector.broadcast %mul3A_480 : f32 to vector<1x128xf32>
    %mul3A_482 = arith.mulf %mul3A_481, %get3A_479 : vector<1x128xf32>
    %sub3A_483 = vector.broadcast %mul3A_482 : vector<1x128xf32> to vector<64x128xf32>
    %sub3A_484 = arith.subf %get3A_476, %sub3A_483 : vector<64x128xf32>
    %gt3A_485 = arith.cmpf ogt, %sub3A_484, %select_n3A_469 : vector<64x128xf32>
    %select_n3A_486 = arith.select %gt3A_485, %sub3A_484, %select_n3A_469 : vector<64x128xi1>, vector<64x128xf32>
    %add3A_487 = arith.constant 3328 : i32
    %add3A_488 = arith.addi %mul3A_5, %add3A_487 : i32
    %broadcast_in_dim3A_489 = vector.broadcast %add3A_488 : i32 to vector<64x128xi32>
    %select_n3A_490 = arith.select %gt3A_485, %broadcast_in_dim3A_489, %select_n3A_473 : vector<64x128xi1>, vector<64x128xi32>
    %get3A_491 = arith.constant 0 : index
    %get3A_492 = arith.constant 3456 : index
    %get3A_493 = vector.load %arg12[%get3A_491, %get3A_492] : memref<64x5000xf32, #tpu.memory_space<vmem>>, vector<64x128xf32>
    %get3A_494 = arith.constant 0 : index
    %get3A_495 = arith.constant 3456 : index
    %get3A_496 = vector.load %arg14[%get3A_494, %get3A_495] : memref<8x5000xf32, #tpu.memory_space<vmem>>, vector<1x128xf32>
    %mul3A_497 = arith.constant 5.000000e-01 : f32
    %mul3A_498 = vector.broadcast %mul3A_497 : f32 to vector<1x128xf32>
    %mul3A_499 = arith.mulf %mul3A_498, %get3A_496 : vector<1x128xf32>
    %sub3A_500 = vector.broadcast %mul3A_499 : vector<1x128xf32> to vector<64x128xf32>
    %sub3A_501 = arith.subf %get3A_493, %sub3A_500 : vector<64x128xf32>
    %gt3A_502 = arith.cmpf ogt, %sub3A_501, %select_n3A_486 : vector<64x128xf32>
    %select_n3A_503 = arith.select %gt3A_502, %sub3A_501, %select_n3A_486 : vector<64x128xi1>, vector<64x128xf32>
    %add3A_504 = arith.constant 3456 : i32
    %add3A_505 = arith.addi %mul3A_5, %add3A_504 : i32
    %broadcast_in_dim3A_506 = vector.broadcast %add3A_505 : i32 to vector<64x128xi32>
    %select_n3A_507 = arith.select %gt3A_502, %broadcast_in_dim3A_506, %select_n3A_490 : vector<64x128xi1>, vector<64x128xi32>
    %get3A_508 = arith.constant 0 : index
    %get3A_509 = arith.constant 3584 : index
    %get3A_510 = vector.load %arg12[%get3A_508, %get3A_509] : memref<64x5000xf32, #tpu.memory_space<vmem>>, vector<64x128xf32>
    %get3A_511 = arith.constant 0 : index
    %get3A_512 = arith.constant 3584 : index
    %get3A_513 = vector.load %arg14[%get3A_511, %get3A_512] : memref<8x5000xf32, #tpu.memory_space<vmem>>, vector<1x128xf32>
    %mul3A_514 = arith.constant 5.000000e-01 : f32
    %mul3A_515 = vector.broadcast %mul3A_514 : f32 to vector<1x128xf32>
    %mul3A_516 = arith.mulf %mul3A_515, %get3A_513 : vector<1x128xf32>
    %sub3A_517 = vector.broadcast %mul3A_516 : vector<1x128xf32> to vector<64x128xf32>
    %sub3A_518 = arith.subf %get3A_510, %sub3A_517 : vector<64x128xf32>
    %gt3A_519 = arith.cmpf ogt, %sub3A_518, %select_n3A_503 : vector<64x128xf32>
    %select_n3A_520 = arith.select %gt3A_519, %sub3A_518, %select_n3A_503 : vector<64x128xi1>, vector<64x128xf32>
    %add3A_521 = arith.constant 3584 : i32
    %add3A_522 = arith.addi %mul3A_5, %add3A_521 : i32
    %broadcast_in_dim3A_523 = vector.broadcast %add3A_522 : i32 to vector<64x128xi32>
    %select_n3A_524 = arith.select %gt3A_519, %broadcast_in_dim3A_523, %select_n3A_507 : vector<64x128xi1>, vector<64x128xi32>
    %get3A_525 = arith.constant 0 : index
    %get3A_526 = arith.constant 3712 : index
    %get3A_527 = vector.load %arg12[%get3A_525, %get3A_526] : memref<64x5000xf32, #tpu.memory_space<vmem>>, vector<64x128xf32>
    %get3A_528 = arith.constant 0 : index
    %get3A_529 = arith.constant 3712 : index
    %get3A_530 = vector.load %arg14[%get3A_528, %get3A_529] : memref<8x5000xf32, #tpu.memory_space<vmem>>, vector<1x128xf32>
    %mul3A_531 = arith.constant 5.000000e-01 : f32
    %mul3A_532 = vector.broadcast %mul3A_531 : f32 to vector<1x128xf32>
    %mul3A_533 = arith.mulf %mul3A_532, %get3A_530 : vector<1x128xf32>
    %sub3A_534 = vector.broadcast %mul3A_533 : vector<1x128xf32> to vector<64x128xf32>
    %sub3A_535 = arith.subf %get3A_527, %sub3A_534 : vector<64x128xf32>
    %gt3A_536 = arith.cmpf ogt, %sub3A_535, %select_n3A_520 : vector<64x128xf32>
    %select_n3A_537 = arith.select %gt3A_536, %sub3A_535, %select_n3A_520 : vector<64x128xi1>, vector<64x128xf32>
    %add3A_538 = arith.constant 3712 : i32
    %add3A_539 = arith.addi %mul3A_5, %add3A_538 : i32
    %broadcast_in_dim3A_540 = vector.broadcast %add3A_539 : i32 to vector<64x128xi32>
    %select_n3A_541 = arith.select %gt3A_536, %broadcast_in_dim3A_540, %select_n3A_524 : vector<64x128xi1>, vector<64x128xi32>
    %get3A_542 = arith.constant 0 : index
    %get3A_543 = arith.constant 3840 : index
    %get3A_544 = vector.load %arg12[%get3A_542, %get3A_543] : memref<64x5000xf32, #tpu.memory_space<vmem>>, vector<64x128xf32>
    %get3A_545 = arith.constant 0 : index
    %get3A_546 = arith.constant 3840 : index
    %get3A_547 = vector.load %arg14[%get3A_545, %get3A_546] : memref<8x5000xf32, #tpu.memory_space<vmem>>, vector<1x128xf32>
    %mul3A_548 = arith.constant 5.000000e-01 : f32
    %mul3A_549 = vector.broadcast %mul3A_548 : f32 to vector<1x128xf32>
    %mul3A_550 = arith.mulf %mul3A_549, %get3A_547 : vector<1x128xf32>
    %sub3A_551 = vector.broadcast %mul3A_550 : vector<1x128xf32> to vector<64x128xf32>
    %sub3A_552 = arith.subf %get3A_544, %sub3A_551 : vector<64x128xf32>
    %gt3A_553 = arith.cmpf ogt, %sub3A_552, %select_n3A_537 : vector<64x128xf32>
    %select_n3A_554 = arith.select %gt3A_553, %sub3A_552, %select_n3A_537 : vector<64x128xi1>, vector<64x128xf32>
    %add3A_555 = arith.constant 3840 : i32
    %add3A_556 = arith.addi %mul3A_5, %add3A_555 : i32
    %broadcast_in_dim3A_557 = vector.broadcast %add3A_556 : i32 to vector<64x128xi32>
    %select_n3A_558 = arith.select %gt3A_553, %broadcast_in_dim3A_557, %select_n3A_541 : vector<64x128xi1>, vector<64x128xi32>
    %get3A_559 = arith.constant 0 : index
    %get3A_560 = arith.constant 3968 : index
    %get3A_561 = vector.load %arg12[%get3A_559, %get3A_560] : memref<64x5000xf32, #tpu.memory_space<vmem>>, vector<64x128xf32>
    %get3A_562 = arith.constant 0 : index
    %get3A_563 = arith.constant 3968 : index
    %get3A_564 = vector.load %arg14[%get3A_562, %get3A_563] : memref<8x5000xf32, #tpu.memory_space<vmem>>, vector<1x128xf32>
    %mul3A_565 = arith.constant 5.000000e-01 : f32
    %mul3A_566 = vector.broadcast %mul3A_565 : f32 to vector<1x128xf32>
    %mul3A_567 = arith.mulf %mul3A_566, %get3A_564 : vector<1x128xf32>
    %sub3A_568 = vector.broadcast %mul3A_567 : vector<1x128xf32> to vector<64x128xf32>
    %sub3A_569 = arith.subf %get3A_561, %sub3A_568 : vector<64x128xf32>
    %gt3A_570 = arith.cmpf ogt, %sub3A_569, %select_n3A_554 : vector<64x128xf32>
    %select_n3A_571 = arith.select %gt3A_570, %sub3A_569, %select_n3A_554 : vector<64x128xi1>, vector<64x128xf32>
    %add3A_572 = arith.constant 3968 : i32
    %add3A_573 = arith.addi %mul3A_5, %add3A_572 : i32
    %broadcast_in_dim3A_574 = vector.broadcast %add3A_573 : i32 to vector<64x128xi32>
    %select_n3A_575 = arith.select %gt3A_570, %broadcast_in_dim3A_574, %select_n3A_558 : vector<64x128xi1>, vector<64x128xi32>
    %get3A_576 = arith.constant 0 : index
    %get3A_577 = arith.constant 4096 : index
    %get3A_578 = vector.load %arg12[%get3A_576, %get3A_577] : memref<64x5000xf32, #tpu.memory_space<vmem>>, vector<64x128xf32>
    %get3A_579 = arith.constant 0 : index
    %get3A_580 = arith.constant 4096 : index
    %get3A_581 = vector.load %arg14[%get3A_579, %get3A_580] : memref<8x5000xf32, #tpu.memory_space<vmem>>, vector<1x128xf32>
    %mul3A_582 = arith.constant 5.000000e-01 : f32
    %mul3A_583 = vector.broadcast %mul3A_582 : f32 to vector<1x128xf32>
    %mul3A_584 = arith.mulf %mul3A_583, %get3A_581 : vector<1x128xf32>
    %sub3A_585 = vector.broadcast %mul3A_584 : vector<1x128xf32> to vector<64x128xf32>
    %sub3A_586 = arith.subf %get3A_578, %sub3A_585 : vector<64x128xf32>
    %gt3A_587 = arith.cmpf ogt, %sub3A_586, %select_n3A_571 : vector<64x128xf32>
    %select_n3A_588 = arith.select %gt3A_587, %sub3A_586, %select_n3A_571 : vector<64x128xi1>, vector<64x128xf32>
    %add3A_589 = arith.constant 4096 : i32
    %add3A_590 = arith.addi %mul3A_5, %add3A_589 : i32
    %broadcast_in_dim3A_591 = vector.broadcast %add3A_590 : i32 to vector<64x128xi32>
    %select_n3A_592 = arith.select %gt3A_587, %broadcast_in_dim3A_591, %select_n3A_575 : vector<64x128xi1>, vector<64x128xi32>
    %get3A_593 = arith.constant 0 : index
    %get3A_594 = arith.constant 4224 : index
    %get3A_595 = vector.load %arg12[%get3A_593, %get3A_594] : memref<64x5000xf32, #tpu.memory_space<vmem>>, vector<64x128xf32>
    %get3A_596 = arith.constant 0 : index
    %get3A_597 = arith.constant 4224 : index
    %get3A_598 = vector.load %arg14[%get3A_596, %get3A_597] : memref<8x5000xf32, #tpu.memory_space<vmem>>, vector<1x128xf32>
    %mul3A_599 = arith.constant 5.000000e-01 : f32
    %mul3A_600 = vector.broadcast %mul3A_599 : f32 to vector<1x128xf32>
    %mul3A_601 = arith.mulf %mul3A_600, %get3A_598 : vector<1x128xf32>
    %sub3A_602 = vector.broadcast %mul3A_601 : vector<1x128xf32> to vector<64x128xf32>
    %sub3A_603 = arith.subf %get3A_595, %sub3A_602 : vector<64x128xf32>
    %gt3A_604 = arith.cmpf ogt, %sub3A_603, %select_n3A_588 : vector<64x128xf32>
    %select_n3A_605 = arith.select %gt3A_604, %sub3A_603, %select_n3A_588 : vector<64x128xi1>, vector<64x128xf32>
    %add3A_606 = arith.constant 4224 : i32
    %add3A_607 = arith.addi %mul3A_5, %add3A_606 : i32
    %broadcast_in_dim3A_608 = vector.broadcast %add3A_607 : i32 to vector<64x128xi32>
    %select_n3A_609 = arith.select %gt3A_604, %broadcast_in_dim3A_608, %select_n3A_592 : vector<64x128xi1>, vector<64x128xi32>
    %get3A_610 = arith.constant 0 : index
    %get3A_611 = arith.constant 4352 : index
    %get3A_612 = vector.load %arg12[%get3A_610, %get3A_611] : memref<64x5000xf32, #tpu.memory_space<vmem>>, vector<64x128xf32>
    %get3A_613 = arith.constant 0 : index
    %get3A_614 = arith.constant 4352 : index
    %get3A_615 = vector.load %arg14[%get3A_613, %get3A_614] : memref<8x5000xf32, #tpu.memory_space<vmem>>, vector<1x128xf32>
    %mul3A_616 = arith.constant 5.000000e-01 : f32
    %mul3A_617 = vector.broadcast %mul3A_616 : f32 to vector<1x128xf32>
    %mul3A_618 = arith.mulf %mul3A_617, %get3A_615 : vector<1x128xf32>
    %sub3A_619 = vector.broadcast %mul3A_618 : vector<1x128xf32> to vector<64x128xf32>
    %sub3A_620 = arith.subf %get3A_612, %sub3A_619 : vector<64x128xf32>
    %gt3A_621 = arith.cmpf ogt, %sub3A_620, %select_n3A_605 : vector<64x128xf32>
    %select_n3A_622 = arith.select %gt3A_621, %sub3A_620, %select_n3A_605 : vector<64x128xi1>, vector<64x128xf32>
    %add3A_623 = arith.constant 4352 : i32
    %add3A_624 = arith.addi %mul3A_5, %add3A_623 : i32
    %broadcast_in_dim3A_625 = vector.broadcast %add3A_624 : i32 to vector<64x128xi32>
    %select_n3A_626 = arith.select %gt3A_621, %broadcast_in_dim3A_625, %select_n3A_609 : vector<64x128xi1>, vector<64x128xi32>
    %get3A_627 = arith.constant 0 : index
    %get3A_628 = arith.constant 4480 : index
    %get3A_629 = vector.load %arg12[%get3A_627, %get3A_628] : memref<64x5000xf32, #tpu.memory_space<vmem>>, vector<64x128xf32>
    %get3A_630 = arith.constant 0 : index
    %get3A_631 = arith.constant 4480 : index
    %get3A_632 = vector.load %arg14[%get3A_630, %get3A_631] : memref<8x5000xf32, #tpu.memory_space<vmem>>, vector<1x128xf32>
    %mul3A_633 = arith.constant 5.000000e-01 : f32
    %mul3A_634 = vector.broadcast %mul3A_633 : f32 to vector<1x128xf32>
    %mul3A_635 = arith.mulf %mul3A_634, %get3A_632 : vector<1x128xf32>
    %sub3A_636 = vector.broadcast %mul3A_635 : vector<1x128xf32> to vector<64x128xf32>
    %sub3A_637 = arith.subf %get3A_629, %sub3A_636 : vector<64x128xf32>
    %gt3A_638 = arith.cmpf ogt, %sub3A_637, %select_n3A_622 : vector<64x128xf32>
    %select_n3A_639 = arith.select %gt3A_638, %sub3A_637, %select_n3A_622 : vector<64x128xi1>, vector<64x128xf32>
    %add3A_640 = arith.constant 4480 : i32
    %add3A_641 = arith.addi %mul3A_5, %add3A_640 : i32
    %broadcast_in_dim3A_642 = vector.broadcast %add3A_641 : i32 to vector<64x128xi32>
    %select_n3A_643 = arith.select %gt3A_638, %broadcast_in_dim3A_642, %select_n3A_626 : vector<64x128xi1>, vector<64x128xi32>
    %get3A_644 = arith.constant 0 : index
    %get3A_645 = arith.constant 4608 : index
    %get3A_646 = vector.load %arg12[%get3A_644, %get3A_645] : memref<64x5000xf32, #tpu.memory_space<vmem>>, vector<64x128xf32>
    %get3A_647 = arith.constant 0 : index
    %get3A_648 = arith.constant 4608 : index
    %get3A_649 = vector.load %arg14[%get3A_647, %get3A_648] : memref<8x5000xf32, #tpu.memory_space<vmem>>, vector<1x128xf32>
    %mul3A_650 = arith.constant 5.000000e-01 : f32
    %mul3A_651 = vector.broadcast %mul3A_650 : f32 to vector<1x128xf32>
    %mul3A_652 = arith.mulf %mul3A_651, %get3A_649 : vector<1x128xf32>
    %sub3A_653 = vector.broadcast %mul3A_652 : vector<1x128xf32> to vector<64x128xf32>
    %sub3A_654 = arith.subf %get3A_646, %sub3A_653 : vector<64x128xf32>
    %gt3A_655 = arith.cmpf ogt, %sub3A_654, %select_n3A_639 : vector<64x128xf32>
    %select_n3A_656 = arith.select %gt3A_655, %sub3A_654, %select_n3A_639 : vector<64x128xi1>, vector<64x128xf32>
    %add3A_657 = arith.constant 4608 : i32
    %add3A_658 = arith.addi %mul3A_5, %add3A_657 : i32
    %broadcast_in_dim3A_659 = vector.broadcast %add3A_658 : i32 to vector<64x128xi32>
    %select_n3A_660 = arith.select %gt3A_655, %broadcast_in_dim3A_659, %select_n3A_643 : vector<64x128xi1>, vector<64x128xi32>
    %get3A_661 = arith.constant 0 : index
    %get3A_662 = arith.constant 4736 : index
    %get3A_663 = vector.load %arg12[%get3A_661, %get3A_662] : memref<64x5000xf32, #tpu.memory_space<vmem>>, vector<64x128xf32>
    %get3A_664 = arith.constant 0 : index
    %get3A_665 = arith.constant 4736 : index
    %get3A_666 = vector.load %arg14[%get3A_664, %get3A_665] : memref<8x5000xf32, #tpu.memory_space<vmem>>, vector<1x128xf32>
    %mul3A_667 = arith.constant 5.000000e-01 : f32
    %mul3A_668 = vector.broadcast %mul3A_667 : f32 to vector<1x128xf32>
    %mul3A_669 = arith.mulf %mul3A_668, %get3A_666 : vector<1x128xf32>
    %sub3A_670 = vector.broadcast %mul3A_669 : vector<1x128xf32> to vector<64x128xf32>
    %sub3A_671 = arith.subf %get3A_663, %sub3A_670 : vector<64x128xf32>
    %gt3A_672 = arith.cmpf ogt, %sub3A_671, %select_n3A_656 : vector<64x128xf32>
    %select_n3A_673 = arith.select %gt3A_672, %sub3A_671, %select_n3A_656 : vector<64x128xi1>, vector<64x128xf32>
    %add3A_674 = arith.constant 4736 : i32
    %add3A_675 = arith.addi %mul3A_5, %add3A_674 : i32
    %broadcast_in_dim3A_676 = vector.broadcast %add3A_675 : i32 to vector<64x128xi32>
    %select_n3A_677 = arith.select %gt3A_672, %broadcast_in_dim3A_676, %select_n3A_660 : vector<64x128xi1>, vector<64x128xi32>
    %get3A_678 = arith.constant 0 : index
    %get3A_679 = arith.constant 4864 : index
    %get3A_680 = vector.load %arg12[%get3A_678, %get3A_679] : memref<64x5000xf32, #tpu.memory_space<vmem>>, vector<64x128xf32>
    %get3A_681 = arith.constant 0 : index
    %get3A_682 = arith.constant 4864 : index
    %get3A_683 = vector.load %arg14[%get3A_681, %get3A_682] : memref<8x5000xf32, #tpu.memory_space<vmem>>, vector<1x128xf32>
    %mul3A_684 = arith.constant 5.000000e-01 : f32
    %mul3A_685 = vector.broadcast %mul3A_684 : f32 to vector<1x128xf32>
    %mul3A_686 = arith.mulf %mul3A_685, %get3A_683 : vector<1x128xf32>
    %sub3A_687 = vector.broadcast %mul3A_686 : vector<1x128xf32> to vector<64x128xf32>
    %sub3A_688 = arith.subf %get3A_680, %sub3A_687 : vector<64x128xf32>
    %gt3A_689 = arith.cmpf ogt, %sub3A_688, %select_n3A_673 : vector<64x128xf32>
    %select_n3A_690 = arith.select %gt3A_689, %sub3A_688, %select_n3A_673 : vector<64x128xi1>, vector<64x128xf32>
    %add3A_691 = arith.constant 4864 : i32
    %add3A_692 = arith.addi %mul3A_5, %add3A_691 : i32
    %broadcast_in_dim3A_693 = vector.broadcast %add3A_692 : i32 to vector<64x128xi32>
    %select_n3A_694 = arith.select %gt3A_689, %broadcast_in_dim3A_693, %select_n3A_677 : vector<64x128xi1>, vector<64x128xi32>
    %get3A_695 = arith.constant 0 : index
    %get3A_696 = arith.constant 4872 : index
    %get3A_697 = vector.load %arg12[%get3A_695, %get3A_696] : memref<64x5000xf32, #tpu.memory_space<vmem>>, vector<64x128xf32>
    %get3A_698 = arith.constant 0 : index
    %get3A_699 = arith.constant 4872 : index
    %get3A_700 = vector.load %arg14[%get3A_698, %get3A_699] : memref<8x5000xf32, #tpu.memory_space<vmem>>, vector<1x128xf32>
    %mul3A_701 = arith.constant 5.000000e-01 : f32
    %mul3A_702 = vector.broadcast %mul3A_701 : f32 to vector<1x128xf32>
    %mul3A_703 = arith.mulf %mul3A_702, %get3A_700 : vector<1x128xf32>
    %sub3A_704 = vector.broadcast %mul3A_703 : vector<1x128xf32> to vector<64x128xf32>
    %sub3A_705 = arith.subf %get3A_697, %sub3A_704 : vector<64x128xf32>
    %gt3A_706 = arith.cmpf ogt, %sub3A_705, %select_n3A_690 : vector<64x128xf32>
    %select_n3A_707 = arith.select %gt3A_706, %sub3A_705, %select_n3A_690 : vector<64x128xi1>, vector<64x128xf32>
    %add3A_708 = arith.constant 4872 : i32
    %add3A_709 = arith.addi %mul3A_5, %add3A_708 : i32
    %broadcast_in_dim3A_710 = vector.broadcast %add3A_709 : i32 to vector<64x128xi32>
    %select_n3A_711 = arith.select %gt3A_706, %broadcast_in_dim3A_710, %select_n3A_694 : vector<64x128xi1>, vector<64x128xi32>
    %swap3A_712 = arith.constant 0 : index
    %swap3A_713 = arith.constant 0 : index
    %swap3A_714 = vector.load %arg8[%swap3A_712, %swap3A_713] : memref<64x128xf32, #tpu.memory_space<vmem>>, vector<64x128xf32>
    tpu.vector_store %arg8[%swap3A_712, %swap3A_713], %select_n3A_707 {strides = array<i32>} : memref<64x128xf32, #tpu.memory_space<vmem>>, vector<64x128xf32>,
    %swap3A_715 = arith.constant 0 : index
    %swap3A_716 = arith.constant 0 : index
    %swap3A_717 = vector.load %arg9[%swap3A_715, %swap3A_716] : memref<64x128xi32, #tpu.memory_space<vmem>>, vector<64x128xi32>
    tpu.vector_store %arg9[%swap3A_715, %swap3A_716], %select_n3A_711 {strides = array<i32>} : memref<64x128xi32, #tpu.memory_space<vmem>>, vector<64x128xi32>,
    %mul3A_718 = arith.constant 5000 : i32
    %mul3A_719 = arith.muli %arg0, %mul3A_718 : i32
    %add3A_720 = arith.constant 50000 : i32
    %add3A_721 = arith.addi %add3A_720, %mul3A_719 : i32
    %get3A_722 = arith.constant 0 : index
    %get3A_723 = arith.constant 0 : index
    %get3A_724 = vector.load %arg3[%get3A_722, %get3A_723] : memref<5000x128xf32, #tpu.memory_space<vmem>>, vector<5000x128xf32>
    %get3A_725 = arith.constant 0 : index
    %get3A_726 = arith.constant 0 : index
    %get3A_727 = vector.load %arg3[%get3A_725, %get3A_726] : memref<5000x128xf32, #tpu.memory_space<vmem>>, vector<5000x128xf32>
    %mul3A_728 = arith.mulf %get3A_724, %get3A_727 : vector<5000x128xf32>
    %swap3A_729 = arith.constant 0 : index
    %swap3A_730 = arith.constant 0 : index
    %swap3A_731 = vector.load %arg13[%swap3A_729, %swap3A_730] : memref<5000x128xf32, #tpu.memory_space<vmem>>, vector<5000x128xf32>
    tpu.vector_store %arg13[%swap3A_729, %swap3A_730], %mul3A_728 {strides = array<i32>} : memref<5000x128xf32, #tpu.memory_space<vmem>>, vector<5000x128xf32>,
    %get3A_732 = arith.constant 0 : index
    %get3A_733 = arith.constant 0 : index
    %get3A_734 = vector.load %arg3[%get3A_732, %get3A_733] : memref<5000x128xf32, #tpu.memory_space<vmem>>, vector<5000x128xf32>
    %dot_general3A_735 = arith.constant dense<0.000000e+00> : vector<64x5000xf32>
    %dot_general3A_736 = tpu.matmul %get3A_1, %get3A_734, %dot_general3A_735 {dimension_numbers = #tpu.dot_dimension_numbers<[1], [1], [0], [0], [0, 0, 1, 0], [], []>, transpose_lhs_hint = false} : vector<64x128xf32>, vector<5000x128xf32>, vector<64x5000xf32> -> vector<64x5000xf32>
    %swap3A_737 = arith.constant 0 : index
    %swap3A_738 = arith.constant 0 : index
    %swap3A_739 = vector.load %arg12[%swap3A_737, %swap3A_738] : memref<64x5000xf32, #tpu.memory_space<vmem>>, vector<64x5000xf32>
    tpu.vector_store %arg12[%swap3A_737, %swap3A_738], %dot_general3A_736 {strides = array<i32>} : memref<64x5000xf32, #tpu.memory_space<vmem>>, vector<64x5000xf32>,
    %get3A_740 = arith.constant 0 : index
    %get3A_741 = arith.constant 0 : index
    %get3A_742 = vector.load %arg13[%get3A_740, %get3A_741] : memref<5000x128xf32, #tpu.memory_space<vmem>>, vector<5000x128xf32>
    %dot_general3A_743 = arith.constant dense<0.000000e+00> : vector<8x5000xf32>
    %dot_general3A_744 = tpu.matmul %broadcast_in_dim3A_2, %get3A_742, %dot_general3A_743 {dimension_numbers = #tpu.dot_dimension_numbers<[1], [1], [0], [0], [0, 0, 1, 0], [], []>, transpose_lhs_hint = false} : vector<8x128xf32>, vector<5000x128xf32>, vector<8x5000xf32> -> vector<8x5000xf32>
    %swap3A_745 = arith.constant 0 : index
    %swap3A_746 = arith.constant 0 : index
    %swap3A_747 = vector.load %arg14[%swap3A_745, %swap3A_746] : memref<8x5000xf32, #tpu.memory_space<vmem>>, vector<8x5000xf32>
    tpu.vector_store %arg14[%swap3A_745, %swap3A_746], %dot_general3A_744 {strides = array<i32>} : memref<8x5000xf32, #tpu.memory_space<vmem>>, vector<8x5000xf32>,
    %get3A_748 = arith.constant 0 : index
    %get3A_749 = arith.constant 0 : index
    %get3A_750 = vector.load %arg8[%get3A_748, %get3A_749] : memref<64x128xf32, #tpu.memory_space<vmem>>, vector<64x128xf32>
    %get3A_751 = arith.constant 0 : index
    %get3A_752 = arith.constant 0 : index
    %get3A_753 = vector.load %arg9[%get3A_751, %get3A_752] : memref<64x128xi32, #tpu.memory_space<vmem>>, vector<64x128xi32>
    %get3A_754 = arith.constant 0 : index
    %get3A_755 = arith.constant 0 : index
    %get3A_756 = vector.load %arg12[%get3A_754, %get3A_755] : memref<64x5000xf32, #tpu.memory_space<vmem>>, vector<64x128xf32>
    %get3A_757 = arith.constant 0 : index
    %get3A_758 = arith.constant 0 : index
    %get3A_759 = vector.load %arg14[%get3A_757, %get3A_758] : memref<8x5000xf32, #tpu.memory_space<vmem>>, vector<1x128xf32>
    %mul3A_760 = arith.constant 5.000000e-01 : f32
    %mul3A_761 = vector.broadcast %mul3A_760 : f32 to vector<1x128xf32>
    %mul3A_762 = arith.mulf %mul3A_761, %get3A_759 : vector<1x128xf32>
    %sub3A_763 = vector.broadcast %mul3A_762 : vector<1x128xf32> to vector<64x128xf32>
    %sub3A_764 = arith.subf %get3A_756, %sub3A_763 : vector<64x128xf32>
    %gt3A_765 = arith.cmpf ogt, %sub3A_764, %get3A_750 : vector<64x128xf32>
    %select_n3A_766 = arith.select %gt3A_765, %sub3A_764, %get3A_750 : vector<64x128xi1>, vector<64x128xf32>
    %add3A_767 = arith.constant 0 : i32
    %add3A_768 = arith.addi %add3A_721, %add3A_767 : i32
    %broadcast_in_dim3A_769 = vector.broadcast %add3A_768 : i32 to vector<64x128xi32>
    %select_n3A_770 = arith.select %gt3A_765, %broadcast_in_dim3A_769, %get3A_753 : vector<64x128xi1>, vector<64x128xi32>
    %get3A_771 = arith.constant 0 : index
    %get3A_772 = arith.constant 128 : index
    %get3A_773 = vector.load %arg12[%get3A_771, %get3A_772] : memref<64x5000xf32, #tpu.memory_space<vmem>>, vector<64x128xf32>
    %get3A_774 = arith.constant 0 : index
    %get3A_775 = arith.constant 128 : index
    %get3A_776 = vector.load %arg14[%get3A_774, %get3A_775] : memref<8x5000xf32, #tpu.memory_space<vmem>>, vector<1x128xf32>
    %mul3A_777 = arith.constant 5.000000e-01 : f32
    %mul3A_778 = vector.broadcast %mul3A_777 : f32 to vector<1x128xf32>
    %mul3A_779 = arith.mulf %mul3A_778, %get3A_776 : vector<1x128xf32>
    %sub3A_780 = vector.broadcast %mul3A_779 : vector<1x128xf32> to vector<64x128xf32>
    %sub3A_781 = arith.subf %get3A_773, %sub3A_780 : vector<64x128xf32>
    %gt3A_782 = arith.cmpf ogt, %sub3A_781, %select_n3A_766 : vector<64x128xf32>
    %select_n3A_783 = arith.select %gt3A_782, %sub3A_781, %select_n3A_766 : vector<64x128xi1>, vector<64x128xf32>
    %add3A_784 = arith.constant 128 : i32
    %add3A_785 = arith.addi %add3A_721, %add3A_784 : i32
    %broadcast_in_dim3A_786 = vector.broadcast %add3A_785 : i32 to vector<64x128xi32>
    %select_n3A_787 = arith.select %gt3A_782, %broadcast_in_dim3A_786, %select_n3A_770 : vector<64x128xi1>, vector<64x128xi32>
    %get3A_788 = arith.constant 0 : index
    %get3A_789 = arith.constant 256 : index
    %get3A_790 = vector.load %arg12[%get3A_788, %get3A_789] : memref<64x5000xf32, #tpu.memory_space<vmem>>, vector<64x128xf32>
    %get3A_791 = arith.constant 0 : index
    %get3A_792 = arith.constant 256 : index
    %get3A_793 = vector.load %arg14[%get3A_791, %get3A_792] : memref<8x5000xf32, #tpu.memory_space<vmem>>, vector<1x128xf32>
    %mul3A_794 = arith.constant 5.000000e-01 : f32
    %mul3A_795 = vector.broadcast %mul3A_794 : f32 to vector<1x128xf32>
    %mul3A_796 = arith.mulf %mul3A_795, %get3A_793 : vector<1x128xf32>
    %sub3A_797 = vector.broadcast %mul3A_796 : vector<1x128xf32> to vector<64x128xf32>
    %sub3A_798 = arith.subf %get3A_790, %sub3A_797 : vector<64x128xf32>
    %gt3A_799 = arith.cmpf ogt, %sub3A_798, %select_n3A_783 : vector<64x128xf32>
    %select_n3A_800 = arith.select %gt3A_799, %sub3A_798, %select_n3A_783 : vector<64x128xi1>, vector<64x128xf32>
    %add3A_801 = arith.constant 256 : i32
    %add3A_802 = arith.addi %add3A_721, %add3A_801 : i32
    %broadcast_in_dim3A_803 = vector.broadcast %add3A_802 : i32 to vector<64x128xi32>
    %select_n3A_804 = arith.select %gt3A_799, %broadcast_in_dim3A_803, %select_n3A_787 : vector<64x128xi1>, vector<64x128xi32>
    %get3A_805 = arith.constant 0 : index
    %get3A_806 = arith.constant 384 : index
    %get3A_807 = vector.load %arg12[%get3A_805, %get3A_806] : memref<64x5000xf32, #tpu.memory_space<vmem>>, vector<64x128xf32>
    %get3A_808 = arith.constant 0 : index
    %get3A_809 = arith.constant 384 : index
    %get3A_810 = vector.load %arg14[%get3A_808, %get3A_809] : memref<8x5000xf32, #tpu.memory_space<vmem>>, vector<1x128xf32>
    %mul3A_811 = arith.constant 5.000000e-01 : f32
    %mul3A_812 = vector.broadcast %mul3A_811 : f32 to vector<1x128xf32>
    %mul3A_813 = arith.mulf %mul3A_812, %get3A_810 : vector<1x128xf32>
    %sub3A_814 = vector.broadcast %mul3A_813 : vector<1x128xf32> to vector<64x128xf32>
    %sub3A_815 = arith.subf %get3A_807, %sub3A_814 : vector<64x128xf32>
    %gt3A_816 = arith.cmpf ogt, %sub3A_815, %select_n3A_800 : vector<64x128xf32>
    %select_n3A_817 = arith.select %gt3A_816, %sub3A_815, %select_n3A_800 : vector<64x128xi1>, vector<64x128xf32>
    %add3A_818 = arith.constant 384 : i32
    %add3A_819 = arith.addi %add3A_721, %add3A_818 : i32
    %broadcast_in_dim3A_820 = vector.broadcast %add3A_819 : i32 to vector<64x128xi32>
    %select_n3A_821 = arith.select %gt3A_816, %broadcast_in_dim3A_820, %select_n3A_804 : vector<64x128xi1>, vector<64x128xi32>
    %get3A_822 = arith.constant 0 : index
    %get3A_823 = arith.constant 512 : index
    %get3A_824 = vector.load %arg12[%get3A_822, %get3A_823] : memref<64x5000xf32, #tpu.memory_space<vmem>>, vector<64x128xf32>
    %get3A_825 = arith.constant 0 : index
    %get3A_826 = arith.constant 512 : index
    %get3A_827 = vector.load %arg14[%get3A_825, %get3A_826] : memref<8x5000xf32, #tpu.memory_space<vmem>>, vector<1x128xf32>
    %mul3A_828 = arith.constant 5.000000e-01 : f32
    %mul3A_829 = vector.broadcast %mul3A_828 : f32 to vector<1x128xf32>
    %mul3A_830 = arith.mulf %mul3A_829, %get3A_827 : vector<1x128xf32>
    %sub3A_831 = vector.broadcast %mul3A_830 : vector<1x128xf32> to vector<64x128xf32>
    %sub3A_832 = arith.subf %get3A_824, %sub3A_831 : vector<64x128xf32>
    %gt3A_833 = arith.cmpf ogt, %sub3A_832, %select_n3A_817 : vector<64x128xf32>
    %select_n3A_834 = arith.select %gt3A_833, %sub3A_832, %select_n3A_817 : vector<64x128xi1>, vector<64x128xf32>
    %add3A_835 = arith.constant 512 : i32
    %add3A_836 = arith.addi %add3A_721, %add3A_835 : i32
    %broadcast_in_dim3A_837 = vector.broadcast %add3A_836 : i32 to vector<64x128xi32>
    %select_n3A_838 = arith.select %gt3A_833, %broadcast_in_dim3A_837, %select_n3A_821 : vector<64x128xi1>, vector<64x128xi32>
    %get3A_839 = arith.constant 0 : index
    %get3A_840 = arith.constant 640 : index
    %get3A_841 = vector.load %arg12[%get3A_839, %get3A_840] : memref<64x5000xf32, #tpu.memory_space<vmem>>, vector<64x128xf32>
    %get3A_842 = arith.constant 0 : index
    %get3A_843 = arith.constant 640 : index
    %get3A_844 = vector.load %arg14[%get3A_842, %get3A_843] : memref<8x5000xf32, #tpu.memory_space<vmem>>, vector<1x128xf32>
    %mul3A_845 = arith.constant 5.000000e-01 : f32
    %mul3A_846 = vector.broadcast %mul3A_845 : f32 to vector<1x128xf32>
    %mul3A_847 = arith.mulf %mul3A_846, %get3A_844 : vector<1x128xf32>
    %sub3A_848 = vector.broadcast %mul3A_847 : vector<1x128xf32> to vector<64x128xf32>
    %sub3A_849 = arith.subf %get3A_841, %sub3A_848 : vector<64x128xf32>
    %gt3A_850 = arith.cmpf ogt, %sub3A_849, %select_n3A_834 : vector<64x128xf32>
    %select_n3A_851 = arith.select %gt3A_850, %sub3A_849, %select_n3A_834 : vector<64x128xi1>, vector<64x128xf32>
    %add3A_852 = arith.constant 640 : i32
    %add3A_853 = arith.addi %add3A_721, %add3A_852 : i32
    %broadcast_in_dim3A_854 = vector.broadcast %add3A_853 : i32 to vector<64x128xi32>
    %select_n3A_855 = arith.select %gt3A_850, %broadcast_in_dim3A_854, %select_n3A_838 : vector<64x128xi1>, vector<64x128xi32>
    %get3A_856 = arith.constant 0 : index
    %get3A_857 = arith.constant 768 : index
    %get3A_858 = vector.load %arg12[%get3A_856, %get3A_857] : memref<64x5000xf32, #tpu.memory_space<vmem>>, vector<64x128xf32>
    %get3A_859 = arith.constant 0 : index
    %get3A_860 = arith.constant 768 : index
    %get3A_861 = vector.load %arg14[%get3A_859, %get3A_860] : memref<8x5000xf32, #tpu.memory_space<vmem>>, vector<1x128xf32>
    %mul3A_862 = arith.constant 5.000000e-01 : f32
    %mul3A_863 = vector.broadcast %mul3A_862 : f32 to vector<1x128xf32>
    %mul3A_864 = arith.mulf %mul3A_863, %get3A_861 : vector<1x128xf32>
    %sub3A_865 = vector.broadcast %mul3A_864 : vector<1x128xf32> to vector<64x128xf32>
    %sub3A_866 = arith.subf %get3A_858, %sub3A_865 : vector<64x128xf32>
    %gt3A_867 = arith.cmpf ogt, %sub3A_866, %select_n3A_851 : vector<64x128xf32>
    %select_n3A_868 = arith.select %gt3A_867, %sub3A_866, %select_n3A_851 : vector<64x128xi1>, vector<64x128xf32>
    %add3A_869 = arith.constant 768 : i32
    %add3A_870 = arith.addi %add3A_721, %add3A_869 : i32
    %broadcast_in_dim3A_871 = vector.broadcast %add3A_870 : i32 to vector<64x128xi32>
    %select_n3A_872 = arith.select %gt3A_867, %broadcast_in_dim3A_871, %select_n3A_855 : vector<64x128xi1>, vector<64x128xi32>
    %get3A_873 = arith.constant 0 : index
    %get3A_874 = arith.constant 896 : index
    %get3A_875 = vector.load %arg12[%get3A_873, %get3A_874] : memref<64x5000xf32, #tpu.memory_space<vmem>>, vector<64x128xf32>
    %get3A_876 = arith.constant 0 : index
    %get3A_877 = arith.constant 896 : index
    %get3A_878 = vector.load %arg14[%get3A_876, %get3A_877] : memref<8x5000xf32, #tpu.memory_space<vmem>>, vector<1x128xf32>
    %mul3A_879 = arith.constant 5.000000e-01 : f32
    %mul3A_880 = vector.broadcast %mul3A_879 : f32 to vector<1x128xf32>
    %mul3A_881 = arith.mulf %mul3A_880, %get3A_878 : vector<1x128xf32>
    %sub3A_882 = vector.broadcast %mul3A_881 : vector<1x128xf32> to vector<64x128xf32>
    %sub3A_883 = arith.subf %get3A_875, %sub3A_882 : vector<64x128xf32>
    %gt3A_884 = arith.cmpf ogt, %sub3A_883, %select_n3A_868 : vector<64x128xf32>
    %select_n3A_885 = arith.select %gt3A_884, %sub3A_883, %select_n3A_868 : vector<64x128xi1>, vector<64x128xf32>
    %add3A_886 = arith.constant 896 : i32
    %add3A_887 = arith.addi %add3A_721, %add3A_886 : i32
    %broadcast_in_dim3A_888 = vector.broadcast %add3A_887 : i32 to vector<64x128xi32>
    %select_n3A_889 = arith.select %gt3A_884, %broadcast_in_dim3A_888, %select_n3A_872 : vector<64x128xi1>, vector<64x128xi32>
    %get3A_890 = arith.constant 0 : index
    %get3A_891 = arith.constant 1024 : index
    %get3A_892 = vector.load %arg12[%get3A_890, %get3A_891] : memref<64x5000xf32, #tpu.memory_space<vmem>>, vector<64x128xf32>
    %get3A_893 = arith.constant 0 : index
    %get3A_894 = arith.constant 1024 : index
    %get3A_895 = vector.load %arg14[%get3A_893, %get3A_894] : memref<8x5000xf32, #tpu.memory_space<vmem>>, vector<1x128xf32>
    %mul3A_896 = arith.constant 5.000000e-01 : f32
    %mul3A_897 = vector.broadcast %mul3A_896 : f32 to vector<1x128xf32>
    %mul3A_898 = arith.mulf %mul3A_897, %get3A_895 : vector<1x128xf32>
    %sub3A_899 = vector.broadcast %mul3A_898 : vector<1x128xf32> to vector<64x128xf32>
    %sub3A_900 = arith.subf %get3A_892, %sub3A_899 : vector<64x128xf32>
    %gt3A_901 = arith.cmpf ogt, %sub3A_900, %select_n3A_885 : vector<64x128xf32>
    %select_n3A_902 = arith.select %gt3A_901, %sub3A_900, %select_n3A_885 : vector<64x128xi1>, vector<64x128xf32>
    %add3A_903 = arith.constant 1024 : i32
    %add3A_904 = arith.addi %add3A_721, %add3A_903 : i32
    %broadcast_in_dim3A_905 = vector.broadcast %add3A_904 : i32 to vector<64x128xi32>
    %select_n3A_906 = arith.select %gt3A_901, %broadcast_in_dim3A_905, %select_n3A_889 : vector<64x128xi1>, vector<64x128xi32>
    %get3A_907 = arith.constant 0 : index
    %get3A_908 = arith.constant 1152 : index
    %get3A_909 = vector.load %arg12[%get3A_907, %get3A_908] : memref<64x5000xf32, #tpu.memory_space<vmem>>, vector<64x128xf32>
    %get3A_910 = arith.constant 0 : index
    %get3A_911 = arith.constant 1152 : index
    %get3A_912 = vector.load %arg14[%get3A_910, %get3A_911] : memref<8x5000xf32, #tpu.memory_space<vmem>>, vector<1x128xf32>
    %mul3A_913 = arith.constant 5.000000e-01 : f32
    %mul3A_914 = vector.broadcast %mul3A_913 : f32 to vector<1x128xf32>
    %mul3A_915 = arith.mulf %mul3A_914, %get3A_912 : vector<1x128xf32>
    %sub3A_916 = vector.broadcast %mul3A_915 : vector<1x128xf32> to vector<64x128xf32>
    %sub3A_917 = arith.subf %get3A_909, %sub3A_916 : vector<64x128xf32>
    %gt3A_918 = arith.cmpf ogt, %sub3A_917, %select_n3A_902 : vector<64x128xf32>
    %select_n3A_919 = arith.select %gt3A_918, %sub3A_917, %select_n3A_902 : vector<64x128xi1>, vector<64x128xf32>
    %add3A_920 = arith.constant 1152 : i32
    %add3A_921 = arith.addi %add3A_721, %add3A_920 : i32
    %broadcast_in_dim3A_922 = vector.broadcast %add3A_921 : i32 to vector<64x128xi32>
    %select_n3A_923 = arith.select %gt3A_918, %broadcast_in_dim3A_922, %select_n3A_906 : vector<64x128xi1>, vector<64x128xi32>
    %get3A_924 = arith.constant 0 : index
    %get3A_925 = arith.constant 1280 : index
    %get3A_926 = vector.load %arg12[%get3A_924, %get3A_925] : memref<64x5000xf32, #tpu.memory_space<vmem>>, vector<64x128xf32>
    %get3A_927 = arith.constant 0 : index
    %get3A_928 = arith.constant 1280 : index
    %get3A_929 = vector.load %arg14[%get3A_927, %get3A_928] : memref<8x5000xf32, #tpu.memory_space<vmem>>, vector<1x128xf32>
    %mul3A_930 = arith.constant 5.000000e-01 : f32
    %mul3A_931 = vector.broadcast %mul3A_930 : f32 to vector<1x128xf32>
    %mul3A_932 = arith.mulf %mul3A_931, %get3A_929 : vector<1x128xf32>
    %sub3A_933 = vector.broadcast %mul3A_932 : vector<1x128xf32> to vector<64x128xf32>
    %sub3A_934 = arith.subf %get3A_926, %sub3A_933 : vector<64x128xf32>
    %gt3A_935 = arith.cmpf ogt, %sub3A_934, %select_n3A_919 : vector<64x128xf32>
    %select_n3A_936 = arith.select %gt3A_935, %sub3A_934, %select_n3A_919 : vector<64x128xi1>, vector<64x128xf32>
    %add3A_937 = arith.constant 1280 : i32
    %add3A_938 = arith.addi %add3A_721, %add3A_937 : i32
    %broadcast_in_dim3A_939 = vector.broadcast %add3A_938 : i32 to vector<64x128xi32>
    %select_n3A_940 = arith.select %gt3A_935, %broadcast_in_dim3A_939, %select_n3A_923 : vector<64x128xi1>, vector<64x128xi32>
    %get3A_941 = arith.constant 0 : index
    %get3A_942 = arith.constant 1408 : index
    %get3A_943 = vector.load %arg12[%get3A_941, %get3A_942] : memref<64x5000xf32, #tpu.memory_space<vmem>>, vector<64x128xf32>
    %get3A_944 = arith.constant 0 : index
    %get3A_945 = arith.constant 1408 : index
    %get3A_946 = vector.load %arg14[%get3A_944, %get3A_945] : memref<8x5000xf32, #tpu.memory_space<vmem>>, vector<1x128xf32>
    %mul3A_947 = arith.constant 5.000000e-01 : f32
    %mul3A_948 = vector.broadcast %mul3A_947 : f32 to vector<1x128xf32>
    %mul3A_949 = arith.mulf %mul3A_948, %get3A_946 : vector<1x128xf32>
    %sub3A_950 = vector.broadcast %mul3A_949 : vector<1x128xf32> to vector<64x128xf32>
    %sub3A_951 = arith.subf %get3A_943, %sub3A_950 : vector<64x128xf32>
    %gt3A_952 = arith.cmpf ogt, %sub3A_951, %select_n3A_936 : vector<64x128xf32>
    %select_n3A_953 = arith.select %gt3A_952, %sub3A_951, %select_n3A_936 : vector<64x128xi1>, vector<64x128xf32>
    %add3A_954 = arith.constant 1408 : i32
    %add3A_955 = arith.addi %add3A_721, %add3A_954 : i32
    %broadcast_in_dim3A_956 = vector.broadcast %add3A_955 : i32 to vector<64x128xi32>
    %select_n3A_957 = arith.select %gt3A_952, %broadcast_in_dim3A_956, %select_n3A_940 : vector<64x128xi1>, vector<64x128xi32>
    %get3A_958 = arith.constant 0 : index
    %get3A_959 = arith.constant 1536 : index
    %get3A_960 = vector.load %arg12[%get3A_958, %get3A_959] : memref<64x5000xf32, #tpu.memory_space<vmem>>, vector<64x128xf32>
    %get3A_961 = arith.constant 0 : index
    %get3A_962 = arith.constant 1536 : index
    %get3A_963 = vector.load %arg14[%get3A_961, %get3A_962] : memref<8x5000xf32, #tpu.memory_space<vmem>>, vector<1x128xf32>
    %mul3A_964 = arith.constant 5.000000e-01 : f32
    %mul3A_965 = vector.broadcast %mul3A_964 : f32 to vector<1x128xf32>
    %mul3A_966 = arith.mulf %mul3A_965, %get3A_963 : vector<1x128xf32>
    %sub3A_967 = vector.broadcast %mul3A_966 : vector<1x128xf32> to vector<64x128xf32>
    %sub3A_968 = arith.subf %get3A_960, %sub3A_967 : vector<64x128xf32>
    %gt3A_969 = arith.cmpf ogt, %sub3A_968, %select_n3A_953 : vector<64x128xf32>
    %select_n3A_970 = arith.select %gt3A_969, %sub3A_968, %select_n3A_953 : vector<64x128xi1>, vector<64x128xf32>
    %add3A_971 = arith.constant 1536 : i32
    %add3A_972 = arith.addi %add3A_721, %add3A_971 : i32
    %broadcast_in_dim3A_973 = vector.broadcast %add3A_972 : i32 to vector<64x128xi32>
    %select_n3A_974 = arith.select %gt3A_969, %broadcast_in_dim3A_973, %select_n3A_957 : vector<64x128xi1>, vector<64x128xi32>
    %get3A_975 = arith.constant 0 : index
    %get3A_976 = arith.constant 1664 : index
    %get3A_977 = vector.load %arg12[%get3A_975, %get3A_976] : memref<64x5000xf32, #tpu.memory_space<vmem>>, vector<64x128xf32>
    %get3A_978 = arith.constant 0 : index
    %get3A_979 = arith.constant 1664 : index
    %get3A_980 = vector.load %arg14[%get3A_978, %get3A_979] : memref<8x5000xf32, #tpu.memory_space<vmem>>, vector<1x128xf32>
    %mul3A_981 = arith.constant 5.000000e-01 : f32
    %mul3A_982 = vector.broadcast %mul3A_981 : f32 to vector<1x128xf32>
    %mul3A_983 = arith.mulf %mul3A_982, %get3A_980 : vector<1x128xf32>
    %sub3A_984 = vector.broadcast %mul3A_983 : vector<1x128xf32> to vector<64x128xf32>
    %sub3A_985 = arith.subf %get3A_977, %sub3A_984 : vector<64x128xf32>
    %gt3A_986 = arith.cmpf ogt, %sub3A_985, %select_n3A_970 : vector<64x128xf32>
    %select_n3A_987 = arith.select %gt3A_986, %sub3A_985, %select_n3A_970 : vector<64x128xi1>, vector<64x128xf32>
    %add3A_988 = arith.constant 1664 : i32
    %add3A_989 = arith.addi %add3A_721, %add3A_988 : i32
    %broadcast_in_dim3A_990 = vector.broadcast %add3A_989 : i32 to vector<64x128xi32>
    %select_n3A_991 = arith.select %gt3A_986, %broadcast_in_dim3A_990, %select_n3A_974 : vector<64x128xi1>, vector<64x128xi32>
    %get3A_992 = arith.constant 0 : index
    %get3A_993 = arith.constant 1792 : index
    %get3A_994 = vector.load %arg12[%get3A_992, %get3A_993] : memref<64x5000xf32, #tpu.memory_space<vmem>>, vector<64x128xf32>
    %get3A_995 = arith.constant 0 : index
    %get3A_996 = arith.constant 1792 : index
    %get3A_997 = vector.load %arg14[%get3A_995, %get3A_996] : memref<8x5000xf32, #tpu.memory_space<vmem>>, vector<1x128xf32>
    %mul3A_998 = arith.constant 5.000000e-01 : f32
    %mul3A_999 = vector.broadcast %mul3A_998 : f32 to vector<1x128xf32>
    %mul3A_1000 = arith.mulf %mul3A_999, %get3A_997 : vector<1x128xf32>
    %sub3A_1001 = vector.broadcast %mul3A_1000 : vector<1x128xf32> to vector<64x128xf32>
    %sub3A_1002 = arith.subf %get3A_994, %sub3A_1001 : vector<64x128xf32>
    %gt3A_1003 = arith.cmpf ogt, %sub3A_1002, %select_n3A_987 : vector<64x128xf32>
    %select_n3A_1004 = arith.select %gt3A_1003, %sub3A_1002, %select_n3A_987 : vector<64x128xi1>, vector<64x128xf32>
    %add3A_1005 = arith.constant 1792 : i32
    %add3A_1006 = arith.addi %add3A_721, %add3A_1005 : i32
    %broadcast_in_dim3A_1007 = vector.broadcast %add3A_1006 : i32 to vector<64x128xi32>
    %select_n3A_1008 = arith.select %gt3A_1003, %broadcast_in_dim3A_1007, %select_n3A_991 : vector<64x128xi1>, vector<64x128xi32>
    %get3A_1009 = arith.constant 0 : index
    %get3A_1010 = arith.constant 1920 : index
    %get3A_1011 = vector.load %arg12[%get3A_1009, %get3A_1010] : memref<64x5000xf32, #tpu.memory_space<vmem>>, vector<64x128xf32>
    %get3A_1012 = arith.constant 0 : index
    %get3A_1013 = arith.constant 1920 : index
    %get3A_1014 = vector.load %arg14[%get3A_1012, %get3A_1013] : memref<8x5000xf32, #tpu.memory_space<vmem>>, vector<1x128xf32>
    %mul3A_1015 = arith.constant 5.000000e-01 : f32
    %mul3A_1016 = vector.broadcast %mul3A_1015 : f32 to vector<1x128xf32>
    %mul3A_1017 = arith.mulf %mul3A_1016, %get3A_1014 : vector<1x128xf32>
    %sub3A_1018 = vector.broadcast %mul3A_1017 : vector<1x128xf32> to vector<64x128xf32>
    %sub3A_1019 = arith.subf %get3A_1011, %sub3A_1018 : vector<64x128xf32>
    %gt3A_1020 = arith.cmpf ogt, %sub3A_1019, %select_n3A_1004 : vector<64x128xf32>
    %select_n3A_1021 = arith.select %gt3A_1020, %sub3A_1019, %select_n3A_1004 : vector<64x128xi1>, vector<64x128xf32>
    %add3A_1022 = arith.constant 1920 : i32
    %add3A_1023 = arith.addi %add3A_721, %add3A_1022 : i32
    %broadcast_in_dim3A_1024 = vector.broadcast %add3A_1023 : i32 to vector<64x128xi32>
    %select_n3A_1025 = arith.select %gt3A_1020, %broadcast_in_dim3A_1024, %select_n3A_1008 : vector<64x128xi1>, vector<64x128xi32>
    %get3A_1026 = arith.constant 0 : index
    %get3A_1027 = arith.constant 2048 : index
    %get3A_1028 = vector.load %arg12[%get3A_1026, %get3A_1027] : memref<64x5000xf32, #tpu.memory_space<vmem>>, vector<64x128xf32>
    %get3A_1029 = arith.constant 0 : index
    %get3A_1030 = arith.constant 2048 : index
    %get3A_1031 = vector.load %arg14[%get3A_1029, %get3A_1030] : memref<8x5000xf32, #tpu.memory_space<vmem>>, vector<1x128xf32>
    %mul3A_1032 = arith.constant 5.000000e-01 : f32
    %mul3A_1033 = vector.broadcast %mul3A_1032 : f32 to vector<1x128xf32>
    %mul3A_1034 = arith.mulf %mul3A_1033, %get3A_1031 : vector<1x128xf32>
    %sub3A_1035 = vector.broadcast %mul3A_1034 : vector<1x128xf32> to vector<64x128xf32>
    %sub3A_1036 = arith.subf %get3A_1028, %sub3A_1035 : vector<64x128xf32>
    %gt3A_1037 = arith.cmpf ogt, %sub3A_1036, %select_n3A_1021 : vector<64x128xf32>
    %select_n3A_1038 = arith.select %gt3A_1037, %sub3A_1036, %select_n3A_1021 : vector<64x128xi1>, vector<64x128xf32>
    %add3A_1039 = arith.constant 2048 : i32
    %add3A_1040 = arith.addi %add3A_721, %add3A_1039 : i32
    %broadcast_in_dim3A_1041 = vector.broadcast %add3A_1040 : i32 to vector<64x128xi32>
    %select_n3A_1042 = arith.select %gt3A_1037, %broadcast_in_dim3A_1041, %select_n3A_1025 : vector<64x128xi1>, vector<64x128xi32>
    %get3A_1043 = arith.constant 0 : index
    %get3A_1044 = arith.constant 2176 : index
    %get3A_1045 = vector.load %arg12[%get3A_1043, %get3A_1044] : memref<64x5000xf32, #tpu.memory_space<vmem>>, vector<64x128xf32>
    %get3A_1046 = arith.constant 0 : index
    %get3A_1047 = arith.constant 2176 : index
    %get3A_1048 = vector.load %arg14[%get3A_1046, %get3A_1047] : memref<8x5000xf32, #tpu.memory_space<vmem>>, vector<1x128xf32>
    %mul3A_1049 = arith.constant 5.000000e-01 : f32
    %mul3A_1050 = vector.broadcast %mul3A_1049 : f32 to vector<1x128xf32>
    %mul3A_1051 = arith.mulf %mul3A_1050, %get3A_1048 : vector<1x128xf32>
    %sub3A_1052 = vector.broadcast %mul3A_1051 : vector<1x128xf32> to vector<64x128xf32>
    %sub3A_1053 = arith.subf %get3A_1045, %sub3A_1052 : vector<64x128xf32>
    %gt3A_1054 = arith.cmpf ogt, %sub3A_1053, %select_n3A_1038 : vector<64x128xf32>
    %select_n3A_1055 = arith.select %gt3A_1054, %sub3A_1053, %select_n3A_1038 : vector<64x128xi1>, vector<64x128xf32>
    %add3A_1056 = arith.constant 2176 : i32
    %add3A_1057 = arith.addi %add3A_721, %add3A_1056 : i32
    %broadcast_in_dim3A_1058 = vector.broadcast %add3A_1057 : i32 to vector<64x128xi32>
    %select_n3A_1059 = arith.select %gt3A_1054, %broadcast_in_dim3A_1058, %select_n3A_1042 : vector<64x128xi1>, vector<64x128xi32>
    %get3A_1060 = arith.constant 0 : index
    %get3A_1061 = arith.constant 2304 : index
    %get3A_1062 = vector.load %arg12[%get3A_1060, %get3A_1061] : memref<64x5000xf32, #tpu.memory_space<vmem>>, vector<64x128xf32>
    %get3A_1063 = arith.constant 0 : index
    %get3A_1064 = arith.constant 2304 : index
    %get3A_1065 = vector.load %arg14[%get3A_1063, %get3A_1064] : memref<8x5000xf32, #tpu.memory_space<vmem>>, vector<1x128xf32>
    %mul3A_1066 = arith.constant 5.000000e-01 : f32
    %mul3A_1067 = vector.broadcast %mul3A_1066 : f32 to vector<1x128xf32>
    %mul3A_1068 = arith.mulf %mul3A_1067, %get3A_1065 : vector<1x128xf32>
    %sub3A_1069 = vector.broadcast %mul3A_1068 : vector<1x128xf32> to vector<64x128xf32>
    %sub3A_1070 = arith.subf %get3A_1062, %sub3A_1069 : vector<64x128xf32>
    %gt3A_1071 = arith.cmpf ogt, %sub3A_1070, %select_n3A_1055 : vector<64x128xf32>
    %select_n3A_1072 = arith.select %gt3A_1071, %sub3A_1070, %select_n3A_1055 : vector<64x128xi1>, vector<64x128xf32>
    %add3A_1073 = arith.constant 2304 : i32
    %add3A_1074 = arith.addi %add3A_721, %add3A_1073 : i32
    %broadcast_in_dim3A_1075 = vector.broadcast %add3A_1074 : i32 to vector<64x128xi32>
    %select_n3A_1076 = arith.select %gt3A_1071, %broadcast_in_dim3A_1075, %select_n3A_1059 : vector<64x128xi1>, vector<64x128xi32>
    %get3A_1077 = arith.constant 0 : index
    %get3A_1078 = arith.constant 2432 : index
    %get3A_1079 = vector.load %arg12[%get3A_1077, %get3A_1078] : memref<64x5000xf32, #tpu.memory_space<vmem>>, vector<64x128xf32>
    %get3A_1080 = arith.constant 0 : index
    %get3A_1081 = arith.constant 2432 : index
    %get3A_1082 = vector.load %arg14[%get3A_1080, %get3A_1081] : memref<8x5000xf32, #tpu.memory_space<vmem>>, vector<1x128xf32>
    %mul3A_1083 = arith.constant 5.000000e-01 : f32
    %mul3A_1084 = vector.broadcast %mul3A_1083 : f32 to vector<1x128xf32>
    %mul3A_1085 = arith.mulf %mul3A_1084, %get3A_1082 : vector<1x128xf32>
    %sub3A_1086 = vector.broadcast %mul3A_1085 : vector<1x128xf32> to vector<64x128xf32>
    %sub3A_1087 = arith.subf %get3A_1079, %sub3A_1086 : vector<64x128xf32>
    %gt3A_1088 = arith.cmpf ogt, %sub3A_1087, %select_n3A_1072 : vector<64x128xf32>
    %select_n3A_1089 = arith.select %gt3A_1088, %sub3A_1087, %select_n3A_1072 : vector<64x128xi1>, vector<64x128xf32>
    %add3A_1090 = arith.constant 2432 : i32
    %add3A_1091 = arith.addi %add3A_721, %add3A_1090 : i32
    %broadcast_in_dim3A_1092 = vector.broadcast %add3A_1091 : i32 to vector<64x128xi32>
    %select_n3A_1093 = arith.select %gt3A_1088, %broadcast_in_dim3A_1092, %select_n3A_1076 : vector<64x128xi1>, vector<64x128xi32>
    %get3A_1094 = arith.constant 0 : index
    %get3A_1095 = arith.constant 2560 : index
    %get3A_1096 = vector.load %arg12[%get3A_1094, %get3A_1095] : memref<64x5000xf32, #tpu.memory_space<vmem>>, vector<64x128xf32>
    %get3A_1097 = arith.constant 0 : index
    %get3A_1098 = arith.constant 2560 : index
    %get3A_1099 = vector.load %arg14[%get3A_1097, %get3A_1098] : memref<8x5000xf32, #tpu.memory_space<vmem>>, vector<1x128xf32>
    %mul3A_1100 = arith.constant 5.000000e-01 : f32
    %mul3A_1101 = vector.broadcast %mul3A_1100 : f32 to vector<1x128xf32>
    %mul3A_1102 = arith.mulf %mul3A_1101, %get3A_1099 : vector<1x128xf32>
    %sub3A_1103 = vector.broadcast %mul3A_1102 : vector<1x128xf32> to vector<64x128xf32>
    %sub3A_1104 = arith.subf %get3A_1096, %sub3A_1103 : vector<64x128xf32>
    %gt3A_1105 = arith.cmpf ogt, %sub3A_1104, %select_n3A_1089 : vector<64x128xf32>
    %select_n3A_1106 = arith.select %gt3A_1105, %sub3A_1104, %select_n3A_1089 : vector<64x128xi1>, vector<64x128xf32>
    %add3A_1107 = arith.constant 2560 : i32
    %add3A_1108 = arith.addi %add3A_721, %add3A_1107 : i32
    %broadcast_in_dim3A_1109 = vector.broadcast %add3A_1108 : i32 to vector<64x128xi32>
    %select_n3A_1110 = arith.select %gt3A_1105, %broadcast_in_dim3A_1109, %select_n3A_1093 : vector<64x128xi1>, vector<64x128xi32>
    %get3A_1111 = arith.constant 0 : index
    %get3A_1112 = arith.constant 2688 : index
    %get3A_1113 = vector.load %arg12[%get3A_1111, %get3A_1112] : memref<64x5000xf32, #tpu.memory_space<vmem>>, vector<64x128xf32>
    %get3A_1114 = arith.constant 0 : index
    %get3A_1115 = arith.constant 2688 : index
    %get3A_1116 = vector.load %arg14[%get3A_1114, %get3A_1115] : memref<8x5000xf32, #tpu.memory_space<vmem>>, vector<1x128xf32>
    %mul3A_1117 = arith.constant 5.000000e-01 : f32
    %mul3A_1118 = vector.broadcast %mul3A_1117 : f32 to vector<1x128xf32>
    %mul3A_1119 = arith.mulf %mul3A_1118, %get3A_1116 : vector<1x128xf32>
    %sub3A_1120 = vector.broadcast %mul3A_1119 : vector<1x128xf32> to vector<64x128xf32>
    %sub3A_1121 = arith.subf %get3A_1113, %sub3A_1120 : vector<64x128xf32>
    %gt3A_1122 = arith.cmpf ogt, %sub3A_1121, %select_n3A_1106 : vector<64x128xf32>
    %select_n3A_1123 = arith.select %gt3A_1122, %sub3A_1121, %select_n3A_1106 : vector<64x128xi1>, vector<64x128xf32>
    %add3A_1124 = arith.constant 2688 : i32
    %add3A_1125 = arith.addi %add3A_721, %add3A_1124 : i32
    %broadcast_in_dim3A_1126 = vector.broadcast %add3A_1125 : i32 to vector<64x128xi32>
    %select_n3A_1127 = arith.select %gt3A_1122, %broadcast_in_dim3A_1126, %select_n3A_1110 : vector<64x128xi1>, vector<64x128xi32>
    %get3A_1128 = arith.constant 0 : index
    %get3A_1129 = arith.constant 2816 : index
    %get3A_1130 = vector.load %arg12[%get3A_1128, %get3A_1129] : memref<64x5000xf32, #tpu.memory_space<vmem>>, vector<64x128xf32>
    %get3A_1131 = arith.constant 0 : index
    %get3A_1132 = arith.constant 2816 : index
    %get3A_1133 = vector.load %arg14[%get3A_1131, %get3A_1132] : memref<8x5000xf32, #tpu.memory_space<vmem>>, vector<1x128xf32>
    %mul3A_1134 = arith.constant 5.000000e-01 : f32
    %mul3A_1135 = vector.broadcast %mul3A_1134 : f32 to vector<1x128xf32>
    %mul3A_1136 = arith.mulf %mul3A_1135, %get3A_1133 : vector<1x128xf32>
    %sub3A_1137 = vector.broadcast %mul3A_1136 : vector<1x128xf32> to vector<64x128xf32>
    %sub3A_1138 = arith.subf %get3A_1130, %sub3A_1137 : vector<64x128xf32>
    %gt3A_1139 = arith.cmpf ogt, %sub3A_1138, %select_n3A_1123 : vector<64x128xf32>
    %select_n3A_1140 = arith.select %gt3A_1139, %sub3A_1138, %select_n3A_1123 : vector<64x128xi1>, vector<64x128xf32>
    %add3A_1141 = arith.constant 2816 : i32
    %add3A_1142 = arith.addi %add3A_721, %add3A_1141 : i32
    %broadcast_in_dim3A_1143 = vector.broadcast %add3A_1142 : i32 to vector<64x128xi32>
    %select_n3A_1144 = arith.select %gt3A_1139, %broadcast_in_dim3A_1143, %select_n3A_1127 : vector<64x128xi1>, vector<64x128xi32>
    %get3A_1145 = arith.constant 0 : index
    %get3A_1146 = arith.constant 2944 : index
    %get3A_1147 = vector.load %arg12[%get3A_1145, %get3A_1146] : memref<64x5000xf32, #tpu.memory_space<vmem>>, vector<64x128xf32>
    %get3A_1148 = arith.constant 0 : index
    %get3A_1149 = arith.constant 2944 : index
    %get3A_1150 = vector.load %arg14[%get3A_1148, %get3A_1149] : memref<8x5000xf32, #tpu.memory_space<vmem>>, vector<1x128xf32>
    %mul3A_1151 = arith.constant 5.000000e-01 : f32
    %mul3A_1152 = vector.broadcast %mul3A_1151 : f32 to vector<1x128xf32>
    %mul3A_1153 = arith.mulf %mul3A_1152, %get3A_1150 : vector<1x128xf32>
    %sub3A_1154 = vector.broadcast %mul3A_1153 : vector<1x128xf32> to vector<64x128xf32>
    %sub3A_1155 = arith.subf %get3A_1147, %sub3A_1154 : vector<64x128xf32>
    %gt3A_1156 = arith.cmpf ogt, %sub3A_1155, %select_n3A_1140 : vector<64x128xf32>
    %select_n3A_1157 = arith.select %gt3A_1156, %sub3A_1155, %select_n3A_1140 : vector<64x128xi1>, vector<64x128xf32>
    %add3A_1158 = arith.constant 2944 : i32
    %add3A_1159 = arith.addi %add3A_721, %add3A_1158 : i32
    %broadcast_in_dim3A_1160 = vector.broadcast %add3A_1159 : i32 to vector<64x128xi32>
    %select_n3A_1161 = arith.select %gt3A_1156, %broadcast_in_dim3A_1160, %select_n3A_1144 : vector<64x128xi1>, vector<64x128xi32>
    %get3A_1162 = arith.constant 0 : index
    %get3A_1163 = arith.constant 3072 : index
    %get3A_1164 = vector.load %arg12[%get3A_1162, %get3A_1163] : memref<64x5000xf32, #tpu.memory_space<vmem>>, vector<64x128xf32>
    %get3A_1165 = arith.constant 0 : index
    %get3A_1166 = arith.constant 3072 : index
    %get3A_1167 = vector.load %arg14[%get3A_1165, %get3A_1166] : memref<8x5000xf32, #tpu.memory_space<vmem>>, vector<1x128xf32>
    %mul3A_1168 = arith.constant 5.000000e-01 : f32
    %mul3A_1169 = vector.broadcast %mul3A_1168 : f32 to vector<1x128xf32>
    %mul3A_1170 = arith.mulf %mul3A_1169, %get3A_1167 : vector<1x128xf32>
    %sub3A_1171 = vector.broadcast %mul3A_1170 : vector<1x128xf32> to vector<64x128xf32>
    %sub3A_1172 = arith.subf %get3A_1164, %sub3A_1171 : vector<64x128xf32>
    %gt3A_1173 = arith.cmpf ogt, %sub3A_1172, %select_n3A_1157 : vector<64x128xf32>
    %select_n3A_1174 = arith.select %gt3A_1173, %sub3A_1172, %select_n3A_1157 : vector<64x128xi1>, vector<64x128xf32>
    %add3A_1175 = arith.constant 3072 : i32
    %add3A_1176 = arith.addi %add3A_721, %add3A_1175 : i32
    %broadcast_in_dim3A_1177 = vector.broadcast %add3A_1176 : i32 to vector<64x128xi32>
    %select_n3A_1178 = arith.select %gt3A_1173, %broadcast_in_dim3A_1177, %select_n3A_1161 : vector<64x128xi1>, vector<64x128xi32>
    %get3A_1179 = arith.constant 0 : index
    %get3A_1180 = arith.constant 3200 : index
    %get3A_1181 = vector.load %arg12[%get3A_1179, %get3A_1180] : memref<64x5000xf32, #tpu.memory_space<vmem>>, vector<64x128xf32>
    %get3A_1182 = arith.constant 0 : index
    %get3A_1183 = arith.constant 3200 : index
    %get3A_1184 = vector.load %arg14[%get3A_1182, %get3A_1183] : memref<8x5000xf32, #tpu.memory_space<vmem>>, vector<1x128xf32>
    %mul3A_1185 = arith.constant 5.000000e-01 : f32
    %mul3A_1186 = vector.broadcast %mul3A_1185 : f32 to vector<1x128xf32>
    %mul3A_1187 = arith.mulf %mul3A_1186, %get3A_1184 : vector<1x128xf32>
    %sub3A_1188 = vector.broadcast %mul3A_1187 : vector<1x128xf32> to vector<64x128xf32>
    %sub3A_1189 = arith.subf %get3A_1181, %sub3A_1188 : vector<64x128xf32>
    %gt3A_1190 = arith.cmpf ogt, %sub3A_1189, %select_n3A_1174 : vector<64x128xf32>
    %select_n3A_1191 = arith.select %gt3A_1190, %sub3A_1189, %select_n3A_1174 : vector<64x128xi1>, vector<64x128xf32>
    %add3A_1192 = arith.constant 3200 : i32
    %add3A_1193 = arith.addi %add3A_721, %add3A_1192 : i32
    %broadcast_in_dim3A_1194 = vector.broadcast %add3A_1193 : i32 to vector<64x128xi32>
    %select_n3A_1195 = arith.select %gt3A_1190, %broadcast_in_dim3A_1194, %select_n3A_1178 : vector<64x128xi1>, vector<64x128xi32>
    %get3A_1196 = arith.constant 0 : index
    %get3A_1197 = arith.constant 3328 : index
    %get3A_1198 = vector.load %arg12[%get3A_1196, %get3A_1197] : memref<64x5000xf32, #tpu.memory_space<vmem>>, vector<64x128xf32>
    %get3A_1199 = arith.constant 0 : index
    %get3A_1200 = arith.constant 3328 : index
    %get3A_1201 = vector.load %arg14[%get3A_1199, %get3A_1200] : memref<8x5000xf32, #tpu.memory_space<vmem>>, vector<1x128xf32>
    %mul3A_1202 = arith.constant 5.000000e-01 : f32
    %mul3A_1203 = vector.broadcast %mul3A_1202 : f32 to vector<1x128xf32>
    %mul3A_1204 = arith.mulf %mul3A_1203, %get3A_1201 : vector<1x128xf32>
    %sub3A_1205 = vector.broadcast %mul3A_1204 : vector<1x128xf32> to vector<64x128xf32>
    %sub3A_1206 = arith.subf %get3A_1198, %sub3A_1205 : vector<64x128xf32>
    %gt3A_1207 = arith.cmpf ogt, %sub3A_1206, %select_n3A_1191 : vector<64x128xf32>
    %select_n3A_1208 = arith.select %gt3A_1207, %sub3A_1206, %select_n3A_1191 : vector<64x128xi1>, vector<64x128xf32>
    %add3A_1209 = arith.constant 3328 : i32
    %add3A_1210 = arith.addi %add3A_721, %add3A_1209 : i32
    %broadcast_in_dim3A_1211 = vector.broadcast %add3A_1210 : i32 to vector<64x128xi32>
    %select_n3A_1212 = arith.select %gt3A_1207, %broadcast_in_dim3A_1211, %select_n3A_1195 : vector<64x128xi1>, vector<64x128xi32>
    %get3A_1213 = arith.constant 0 : index
    %get3A_1214 = arith.constant 3456 : index
    %get3A_1215 = vector.load %arg12[%get3A_1213, %get3A_1214] : memref<64x5000xf32, #tpu.memory_space<vmem>>, vector<64x128xf32>
    %get3A_1216 = arith.constant 0 : index
    %get3A_1217 = arith.constant 3456 : index
    %get3A_1218 = vector.load %arg14[%get3A_1216, %get3A_1217] : memref<8x5000xf32, #tpu.memory_space<vmem>>, vector<1x128xf32>
    %mul3A_1219 = arith.constant 5.000000e-01 : f32
    %mul3A_1220 = vector.broadcast %mul3A_1219 : f32 to vector<1x128xf32>
    %mul3A_1221 = arith.mulf %mul3A_1220, %get3A_1218 : vector<1x128xf32>
    %sub3A_1222 = vector.broadcast %mul3A_1221 : vector<1x128xf32> to vector<64x128xf32>
    %sub3A_1223 = arith.subf %get3A_1215, %sub3A_1222 : vector<64x128xf32>
    %gt3A_1224 = arith.cmpf ogt, %sub3A_1223, %select_n3A_1208 : vector<64x128xf32>
    %select_n3A_1225 = arith.select %gt3A_1224, %sub3A_1223, %select_n3A_1208 : vector<64x128xi1>, vector<64x128xf32>
    %add3A_1226 = arith.constant 3456 : i32
    %add3A_1227 = arith.addi %add3A_721, %add3A_1226 : i32
    %broadcast_in_dim3A_1228 = vector.broadcast %add3A_1227 : i32 to vector<64x128xi32>
    %select_n3A_1229 = arith.select %gt3A_1224, %broadcast_in_dim3A_1228, %select_n3A_1212 : vector<64x128xi1>, vector<64x128xi32>
    %get3A_1230 = arith.constant 0 : index
    %get3A_1231 = arith.constant 3584 : index
    %get3A_1232 = vector.load %arg12[%get3A_1230, %get3A_1231] : memref<64x5000xf32, #tpu.memory_space<vmem>>, vector<64x128xf32>
    %get3A_1233 = arith.constant 0 : index
    %get3A_1234 = arith.constant 3584 : index
    %get3A_1235 = vector.load %arg14[%get3A_1233, %get3A_1234] : memref<8x5000xf32, #tpu.memory_space<vmem>>, vector<1x128xf32>
    %mul3A_1236 = arith.constant 5.000000e-01 : f32
    %mul3A_1237 = vector.broadcast %mul3A_1236 : f32 to vector<1x128xf32>
    %mul3A_1238 = arith.mulf %mul3A_1237, %get3A_1235 : vector<1x128xf32>
    %sub3A_1239 = vector.broadcast %mul3A_1238 : vector<1x128xf32> to vector<64x128xf32>
    %sub3A_1240 = arith.subf %get3A_1232, %sub3A_1239 : vector<64x128xf32>
    %gt3A_1241 = arith.cmpf ogt, %sub3A_1240, %select_n3A_1225 : vector<64x128xf32>
    %select_n3A_1242 = arith.select %gt3A_1241, %sub3A_1240, %select_n3A_1225 : vector<64x128xi1>, vector<64x128xf32>
    %add3A_1243 = arith.constant 3584 : i32
    %add3A_1244 = arith.addi %add3A_721, %add3A_1243 : i32
    %broadcast_in_dim3A_1245 = vector.broadcast %add3A_1244 : i32 to vector<64x128xi32>
    %select_n3A_1246 = arith.select %gt3A_1241, %broadcast_in_dim3A_1245, %select_n3A_1229 : vector<64x128xi1>, vector<64x128xi32>
    %get3A_1247 = arith.constant 0 : index
    %get3A_1248 = arith.constant 3712 : index
    %get3A_1249 = vector.load %arg12[%get3A_1247, %get3A_1248] : memref<64x5000xf32, #tpu.memory_space<vmem>>, vector<64x128xf32>
    %get3A_1250 = arith.constant 0 : index
    %get3A_1251 = arith.constant 3712 : index
    %get3A_1252 = vector.load %arg14[%get3A_1250, %get3A_1251] : memref<8x5000xf32, #tpu.memory_space<vmem>>, vector<1x128xf32>
    %mul3A_1253 = arith.constant 5.000000e-01 : f32
    %mul3A_1254 = vector.broadcast %mul3A_1253 : f32 to vector<1x128xf32>
    %mul3A_1255 = arith.mulf %mul3A_1254, %get3A_1252 : vector<1x128xf32>
    %sub3A_1256 = vector.broadcast %mul3A_1255 : vector<1x128xf32> to vector<64x128xf32>
    %sub3A_1257 = arith.subf %get3A_1249, %sub3A_1256 : vector<64x128xf32>
    %gt3A_1258 = arith.cmpf ogt, %sub3A_1257, %select_n3A_1242 : vector<64x128xf32>
    %select_n3A_1259 = arith.select %gt3A_1258, %sub3A_1257, %select_n3A_1242 : vector<64x128xi1>, vector<64x128xf32>
    %add3A_1260 = arith.constant 3712 : i32
    %add3A_1261 = arith.addi %add3A_721, %add3A_1260 : i32
    %broadcast_in_dim3A_1262 = vector.broadcast %add3A_1261 : i32 to vector<64x128xi32>
    %select_n3A_1263 = arith.select %gt3A_1258, %broadcast_in_dim3A_1262, %select_n3A_1246 : vector<64x128xi1>, vector<64x128xi32>
    %get3A_1264 = arith.constant 0 : index
    %get3A_1265 = arith.constant 3840 : index
    %get3A_1266 = vector.load %arg12[%get3A_1264, %get3A_1265] : memref<64x5000xf32, #tpu.memory_space<vmem>>, vector<64x128xf32>
    %get3A_1267 = arith.constant 0 : index
    %get3A_1268 = arith.constant 3840 : index
    %get3A_1269 = vector.load %arg14[%get3A_1267, %get3A_1268] : memref<8x5000xf32, #tpu.memory_space<vmem>>, vector<1x128xf32>
    %mul3A_1270 = arith.constant 5.000000e-01 : f32
    %mul3A_1271 = vector.broadcast %mul3A_1270 : f32 to vector<1x128xf32>
    %mul3A_1272 = arith.mulf %mul3A_1271, %get3A_1269 : vector<1x128xf32>
    %sub3A_1273 = vector.broadcast %mul3A_1272 : vector<1x128xf32> to vector<64x128xf32>
    %sub3A_1274 = arith.subf %get3A_1266, %sub3A_1273 : vector<64x128xf32>
    %gt3A_1275 = arith.cmpf ogt, %sub3A_1274, %select_n3A_1259 : vector<64x128xf32>
    %select_n3A_1276 = arith.select %gt3A_1275, %sub3A_1274, %select_n3A_1259 : vector<64x128xi1>, vector<64x128xf32>
    %add3A_1277 = arith.constant 3840 : i32
    %add3A_1278 = arith.addi %add3A_721, %add3A_1277 : i32
    %broadcast_in_dim3A_1279 = vector.broadcast %add3A_1278 : i32 to vector<64x128xi32>
    %select_n3A_1280 = arith.select %gt3A_1275, %broadcast_in_dim3A_1279, %select_n3A_1263 : vector<64x128xi1>, vector<64x128xi32>
    %get3A_1281 = arith.constant 0 : index
    %get3A_1282 = arith.constant 3968 : index
    %get3A_1283 = vector.load %arg12[%get3A_1281, %get3A_1282] : memref<64x5000xf32, #tpu.memory_space<vmem>>, vector<64x128xf32>
    %get3A_1284 = arith.constant 0 : index
    %get3A_1285 = arith.constant 3968 : index
    %get3A_1286 = vector.load %arg14[%get3A_1284, %get3A_1285] : memref<8x5000xf32, #tpu.memory_space<vmem>>, vector<1x128xf32>
    %mul3A_1287 = arith.constant 5.000000e-01 : f32
    %mul3A_1288 = vector.broadcast %mul3A_1287 : f32 to vector<1x128xf32>
    %mul3A_1289 = arith.mulf %mul3A_1288, %get3A_1286 : vector<1x128xf32>
    %sub3A_1290 = vector.broadcast %mul3A_1289 : vector<1x128xf32> to vector<64x128xf32>
    %sub3A_1291 = arith.subf %get3A_1283, %sub3A_1290 : vector<64x128xf32>
    %gt3A_1292 = arith.cmpf ogt, %sub3A_1291, %select_n3A_1276 : vector<64x128xf32>
    %select_n3A_1293 = arith.select %gt3A_1292, %sub3A_1291, %select_n3A_1276 : vector<64x128xi1>, vector<64x128xf32>
    %add3A_1294 = arith.constant 3968 : i32
    %add3A_1295 = arith.addi %add3A_721, %add3A_1294 : i32
    %broadcast_in_dim3A_1296 = vector.broadcast %add3A_1295 : i32 to vector<64x128xi32>
    %select_n3A_1297 = arith.select %gt3A_1292, %broadcast_in_dim3A_1296, %select_n3A_1280 : vector<64x128xi1>, vector<64x128xi32>
    %get3A_1298 = arith.constant 0 : index
    %get3A_1299 = arith.constant 4096 : index
    %get3A_1300 = vector.load %arg12[%get3A_1298, %get3A_1299] : memref<64x5000xf32, #tpu.memory_space<vmem>>, vector<64x128xf32>
    %get3A_1301 = arith.constant 0 : index
    %get3A_1302 = arith.constant 4096 : index
    %get3A_1303 = vector.load %arg14[%get3A_1301, %get3A_1302] : memref<8x5000xf32, #tpu.memory_space<vmem>>, vector<1x128xf32>
    %mul3A_1304 = arith.constant 5.000000e-01 : f32
    %mul3A_1305 = vector.broadcast %mul3A_1304 : f32 to vector<1x128xf32>
    %mul3A_1306 = arith.mulf %mul3A_1305, %get3A_1303 : vector<1x128xf32>
    %sub3A_1307 = vector.broadcast %mul3A_1306 : vector<1x128xf32> to vector<64x128xf32>
    %sub3A_1308 = arith.subf %get3A_1300, %sub3A_1307 : vector<64x128xf32>
    %gt3A_1309 = arith.cmpf ogt, %sub3A_1308, %select_n3A_1293 : vector<64x128xf32>
    %select_n3A_1310 = arith.select %gt3A_1309, %sub3A_1308, %select_n3A_1293 : vector<64x128xi1>, vector<64x128xf32>
    %add3A_1311 = arith.constant 4096 : i32
    %add3A_1312 = arith.addi %add3A_721, %add3A_1311 : i32
    %broadcast_in_dim3A_1313 = vector.broadcast %add3A_1312 : i32 to vector<64x128xi32>
    %select_n3A_1314 = arith.select %gt3A_1309, %broadcast_in_dim3A_1313, %select_n3A_1297 : vector<64x128xi1>, vector<64x128xi32>
    %get3A_1315 = arith.constant 0 : index
    %get3A_1316 = arith.constant 4224 : index
    %get3A_1317 = vector.load %arg12[%get3A_1315, %get3A_1316] : memref<64x5000xf32, #tpu.memory_space<vmem>>, vector<64x128xf32>
    %get3A_1318 = arith.constant 0 : index
    %get3A_1319 = arith.constant 4224 : index
    %get3A_1320 = vector.load %arg14[%get3A_1318, %get3A_1319] : memref<8x5000xf32, #tpu.memory_space<vmem>>, vector<1x128xf32>
    %mul3A_1321 = arith.constant 5.000000e-01 : f32
    %mul3A_1322 = vector.broadcast %mul3A_1321 : f32 to vector<1x128xf32>
    %mul3A_1323 = arith.mulf %mul3A_1322, %get3A_1320 : vector<1x128xf32>
    %sub3A_1324 = vector.broadcast %mul3A_1323 : vector<1x128xf32> to vector<64x128xf32>
    %sub3A_1325 = arith.subf %get3A_1317, %sub3A_1324 : vector<64x128xf32>
    %gt3A_1326 = arith.cmpf ogt, %sub3A_1325, %select_n3A_1310 : vector<64x128xf32>
    %select_n3A_1327 = arith.select %gt3A_1326, %sub3A_1325, %select_n3A_1310 : vector<64x128xi1>, vector<64x128xf32>
    %add3A_1328 = arith.constant 4224 : i32
    %add3A_1329 = arith.addi %add3A_721, %add3A_1328 : i32
    %broadcast_in_dim3A_1330 = vector.broadcast %add3A_1329 : i32 to vector<64x128xi32>
    %select_n3A_1331 = arith.select %gt3A_1326, %broadcast_in_dim3A_1330, %select_n3A_1314 : vector<64x128xi1>, vector<64x128xi32>
    %get3A_1332 = arith.constant 0 : index
    %get3A_1333 = arith.constant 4352 : index
    %get3A_1334 = vector.load %arg12[%get3A_1332, %get3A_1333] : memref<64x5000xf32, #tpu.memory_space<vmem>>, vector<64x128xf32>
    %get3A_1335 = arith.constant 0 : index
    %get3A_1336 = arith.constant 4352 : index
    %get3A_1337 = vector.load %arg14[%get3A_1335, %get3A_1336] : memref<8x5000xf32, #tpu.memory_space<vmem>>, vector<1x128xf32>
    %mul3A_1338 = arith.constant 5.000000e-01 : f32
    %mul3A_1339 = vector.broadcast %mul3A_1338 : f32 to vector<1x128xf32>
    %mul3A_1340 = arith.mulf %mul3A_1339, %get3A_1337 : vector<1x128xf32>
    %sub3A_1341 = vector.broadcast %mul3A_1340 : vector<1x128xf32> to vector<64x128xf32>
    %sub3A_1342 = arith.subf %get3A_1334, %sub3A_1341 : vector<64x128xf32>
    %gt3A_1343 = arith.cmpf ogt, %sub3A_1342, %select_n3A_1327 : vector<64x128xf32>
    %select_n3A_1344 = arith.select %gt3A_1343, %sub3A_1342, %select_n3A_1327 : vector<64x128xi1>, vector<64x128xf32>
    %add3A_1345 = arith.constant 4352 : i32
    %add3A_1346 = arith.addi %add3A_721, %add3A_1345 : i32
    %broadcast_in_dim3A_1347 = vector.broadcast %add3A_1346 : i32 to vector<64x128xi32>
    %select_n3A_1348 = arith.select %gt3A_1343, %broadcast_in_dim3A_1347, %select_n3A_1331 : vector<64x128xi1>, vector<64x128xi32>
    %get3A_1349 = arith.constant 0 : index
    %get3A_1350 = arith.constant 4480 : index
    %get3A_1351 = vector.load %arg12[%get3A_1349, %get3A_1350] : memref<64x5000xf32, #tpu.memory_space<vmem>>, vector<64x128xf32>
    %get3A_1352 = arith.constant 0 : index
    %get3A_1353 = arith.constant 4480 : index
    %get3A_1354 = vector.load %arg14[%get3A_1352, %get3A_1353] : memref<8x5000xf32, #tpu.memory_space<vmem>>, vector<1x128xf32>
    %mul3A_1355 = arith.constant 5.000000e-01 : f32
    %mul3A_1356 = vector.broadcast %mul3A_1355 : f32 to vector<1x128xf32>
    %mul3A_1357 = arith.mulf %mul3A_1356, %get3A_1354 : vector<1x128xf32>
    %sub3A_1358 = vector.broadcast %mul3A_1357 : vector<1x128xf32> to vector<64x128xf32>
    %sub3A_1359 = arith.subf %get3A_1351, %sub3A_1358 : vector<64x128xf32>
    %gt3A_1360 = arith.cmpf ogt, %sub3A_1359, %select_n3A_1344 : vector<64x128xf32>
    %select_n3A_1361 = arith.select %gt3A_1360, %sub3A_1359, %select_n3A_1344 : vector<64x128xi1>, vector<64x128xf32>
    %add3A_1362 = arith.constant 4480 : i32
    %add3A_1363 = arith.addi %add3A_721, %add3A_1362 : i32
    %broadcast_in_dim3A_1364 = vector.broadcast %add3A_1363 : i32 to vector<64x128xi32>
    %select_n3A_1365 = arith.select %gt3A_1360, %broadcast_in_dim3A_1364, %select_n3A_1348 : vector<64x128xi1>, vector<64x128xi32>
    %get3A_1366 = arith.constant 0 : index
    %get3A_1367 = arith.constant 4608 : index
    %get3A_1368 = vector.load %arg12[%get3A_1366, %get3A_1367] : memref<64x5000xf32, #tpu.memory_space<vmem>>, vector<64x128xf32>
    %get3A_1369 = arith.constant 0 : index
    %get3A_1370 = arith.constant 4608 : index
    %get3A_1371 = vector.load %arg14[%get3A_1369, %get3A_1370] : memref<8x5000xf32, #tpu.memory_space<vmem>>, vector<1x128xf32>
    %mul3A_1372 = arith.constant 5.000000e-01 : f32
    %mul3A_1373 = vector.broadcast %mul3A_1372 : f32 to vector<1x128xf32>
    %mul3A_1374 = arith.mulf %mul3A_1373, %get3A_1371 : vector<1x128xf32>
    %sub3A_1375 = vector.broadcast %mul3A_1374 : vector<1x128xf32> to vector<64x128xf32>
    %sub3A_1376 = arith.subf %get3A_1368, %sub3A_1375 : vector<64x128xf32>
    %gt3A_1377 = arith.cmpf ogt, %sub3A_1376, %select_n3A_1361 : vector<64x128xf32>
    %select_n3A_1378 = arith.select %gt3A_1377, %sub3A_1376, %select_n3A_1361 : vector<64x128xi1>, vector<64x128xf32>
    %add3A_1379 = arith.constant 4608 : i32
    %add3A_1380 = arith.addi %add3A_721, %add3A_1379 : i32
    %broadcast_in_dim3A_1381 = vector.broadcast %add3A_1380 : i32 to vector<64x128xi32>
    %select_n3A_1382 = arith.select %gt3A_1377, %broadcast_in_dim3A_1381, %select_n3A_1365 : vector<64x128xi1>, vector<64x128xi32>
    %get3A_1383 = arith.constant 0 : index
    %get3A_1384 = arith.constant 4736 : index
    %get3A_1385 = vector.load %arg12[%get3A_1383, %get3A_1384] : memref<64x5000xf32, #tpu.memory_space<vmem>>, vector<64x128xf32>
    %get3A_1386 = arith.constant 0 : index
    %get3A_1387 = arith.constant 4736 : index
    %get3A_1388 = vector.load %arg14[%get3A_1386, %get3A_1387] : memref<8x5000xf32, #tpu.memory_space<vmem>>, vector<1x128xf32>
    %mul3A_1389 = arith.constant 5.000000e-01 : f32
    %mul3A_1390 = vector.broadcast %mul3A_1389 : f32 to vector<1x128xf32>
    %mul3A_1391 = arith.mulf %mul3A_1390, %get3A_1388 : vector<1x128xf32>
    %sub3A_1392 = vector.broadcast %mul3A_1391 : vector<1x128xf32> to vector<64x128xf32>
    %sub3A_1393 = arith.subf %get3A_1385, %sub3A_1392 : vector<64x128xf32>
    %gt3A_1394 = arith.cmpf ogt, %sub3A_1393, %select_n3A_1378 : vector<64x128xf32>
    %select_n3A_1395 = arith.select %gt3A_1394, %sub3A_1393, %select_n3A_1378 : vector<64x128xi1>, vector<64x128xf32>
    %add3A_1396 = arith.constant 4736 : i32
    %add3A_1397 = arith.addi %add3A_721, %add3A_1396 : i32
    %broadcast_in_dim3A_1398 = vector.broadcast %add3A_1397 : i32 to vector<64x128xi32>
    %select_n3A_1399 = arith.select %gt3A_1394, %broadcast_in_dim3A_1398, %select_n3A_1382 : vector<64x128xi1>, vector<64x128xi32>
    %get3A_1400 = arith.constant 0 : index
    %get3A_1401 = arith.constant 4864 : index
    %get3A_1402 = vector.load %arg12[%get3A_1400, %get3A_1401] : memref<64x5000xf32, #tpu.memory_space<vmem>>, vector<64x128xf32>
    %get3A_1403 = arith.constant 0 : index
    %get3A_1404 = arith.constant 4864 : index
    %get3A_1405 = vector.load %arg14[%get3A_1403, %get3A_1404] : memref<8x5000xf32, #tpu.memory_space<vmem>>, vector<1x128xf32>
    %mul3A_1406 = arith.constant 5.000000e-01 : f32
    %mul3A_1407 = vector.broadcast %mul3A_1406 : f32 to vector<1x128xf32>
    %mul3A_1408 = arith.mulf %mul3A_1407, %get3A_1405 : vector<1x128xf32>
    %sub3A_1409 = vector.broadcast %mul3A_1408 : vector<1x128xf32> to vector<64x128xf32>
    %sub3A_1410 = arith.subf %get3A_1402, %sub3A_1409 : vector<64x128xf32>
    %gt3A_1411 = arith.cmpf ogt, %sub3A_1410, %select_n3A_1395 : vector<64x128xf32>
    %select_n3A_1412 = arith.select %gt3A_1411, %sub3A_1410, %select_n3A_1395 : vector<64x128xi1>, vector<64x128xf32>
    %add3A_1413 = arith.constant 4864 : i32
    %add3A_1414 = arith.addi %add3A_721, %add3A_1413 : i32
    %broadcast_in_dim3A_1415 = vector.broadcast %add3A_1414 : i32 to vector<64x128xi32>
    %select_n3A_1416 = arith.select %gt3A_1411, %broadcast_in_dim3A_1415, %select_n3A_1399 : vector<64x128xi1>, vector<64x128xi32>
    %get3A_1417 = arith.constant 0 : index
    %get3A_1418 = arith.constant 4872 : index
    %get3A_1419 = vector.load %arg12[%get3A_1417, %get3A_1418] : memref<64x5000xf32, #tpu.memory_space<vmem>>, vector<64x128xf32>
    %get3A_1420 = arith.constant 0 : index
    %get3A_1421 = arith.constant 4872 : index
    %get3A_1422 = vector.load %arg14[%get3A_1420, %get3A_1421] : memref<8x5000xf32, #tpu.memory_space<vmem>>, vector<1x128xf32>
    %mul3A_1423 = arith.constant 5.000000e-01 : f32
    %mul3A_1424 = vector.broadcast %mul3A_1423 : f32 to vector<1x128xf32>
    %mul3A_1425 = arith.mulf %mul3A_1424, %get3A_1422 : vector<1x128xf32>
    %sub3A_1426 = vector.broadcast %mul3A_1425 : vector<1x128xf32> to vector<64x128xf32>
    %sub3A_1427 = arith.subf %get3A_1419, %sub3A_1426 : vector<64x128xf32>
    %gt3A_1428 = arith.cmpf ogt, %sub3A_1427, %select_n3A_1412 : vector<64x128xf32>
    %select_n3A_1429 = arith.select %gt3A_1428, %sub3A_1427, %select_n3A_1412 : vector<64x128xi1>, vector<64x128xf32>
    %add3A_1430 = arith.constant 4872 : i32
    %add3A_1431 = arith.addi %add3A_721, %add3A_1430 : i32
    %broadcast_in_dim3A_1432 = vector.broadcast %add3A_1431 : i32 to vector<64x128xi32>
    %select_n3A_1433 = arith.select %gt3A_1428, %broadcast_in_dim3A_1432, %select_n3A_1416 : vector<64x128xi1>, vector<64x128xi32>
    %swap3A_1434 = arith.constant 0 : index
    %swap3A_1435 = arith.constant 0 : index
    %swap3A_1436 = vector.load %arg8[%swap3A_1434, %swap3A_1435] : memref<64x128xf32, #tpu.memory_space<vmem>>, vector<64x128xf32>
    tpu.vector_store %arg8[%swap3A_1434, %swap3A_1435], %select_n3A_1429 {strides = array<i32>} : memref<64x128xf32, #tpu.memory_space<vmem>>, vector<64x128xf32>,
    %swap3A_1437 = arith.constant 0 : index
    %swap3A_1438 = arith.constant 0 : index
    %swap3A_1439 = vector.load %arg9[%swap3A_1437, %swap3A_1438] : memref<64x128xi32, #tpu.memory_space<vmem>>, vector<64x128xi32>
    tpu.vector_store %arg9[%swap3A_1437, %swap3A_1438], %select_n3A_1433 {strides = array<i32>} : memref<64x128xi32, #tpu.memory_space<vmem>>, vector<64x128xi32>,
    %mul3A_1440 = arith.constant 5000 : i32
    %mul3A_1441 = arith.muli %arg0, %mul3A_1440 : i32
    %get3A_1442 = arith.constant 0 : index
    %get3A_1443 = arith.constant 0 : index
    %get3A_1444 = vector.load %arg4[%get3A_1442, %get3A_1443] : memref<5000x128xf32, #tpu.memory_space<vmem>>, vector<5000x128xf32>
    %get3A_1445 = arith.constant 0 : index
    %get3A_1446 = arith.constant 0 : index
    %get3A_1447 = vector.load %arg4[%get3A_1445, %get3A_1446] : memref<5000x128xf32, #tpu.memory_space<vmem>>, vector<5000x128xf32>
    %mul3A_1448 = arith.mulf %get3A_1444, %get3A_1447 : vector<5000x128xf32>
    %swap3A_1449 = arith.constant 0 : index
    %swap3A_1450 = arith.constant 0 : index
    %swap3A_1451 = vector.load %arg13[%swap3A_1449, %swap3A_1450] : memref<5000x128xf32, #tpu.memory_space<vmem>>, vector<5000x128xf32>
    tpu.vector_store %arg13[%swap3A_1449, %swap3A_1450], %mul3A_1448 {strides = array<i32>} : memref<5000x128xf32, #tpu.memory_space<vmem>>, vector<5000x128xf32>,
    %get3A_1452 = arith.constant 0 : index
    %get3A_1453 = arith.constant 0 : index
    %get3A_1454 = vector.load %arg4[%get3A_1452, %get3A_1453] : memref<5000x128xf32, #tpu.memory_space<vmem>>, vector<5000x128xf32>
    %dot_general3A_1455 = arith.constant dense<0.000000e+00> : vector<64x5000xf32>
    %dot_general3A_1456 = tpu.matmul %get3A_1, %get3A_1454, %dot_general3A_1455 {dimension_numbers = #tpu.dot_dimension_numbers<[1], [1], [0], [0], [0, 0, 1, 0], [], []>, transpose_lhs_hint = false} : vector<64x128xf32>, vector<5000x128xf32>, vector<64x5000xf32> -> vector<64x5000xf32>
    %swap3A_1457 = arith.constant 0 : index
    %swap3A_1458 = arith.constant 0 : index
    %swap3A_1459 = vector.load %arg12[%swap3A_1457, %swap3A_1458] : memref<64x5000xf32, #tpu.memory_space<vmem>>, vector<64x5000xf32>
    tpu.vector_store %arg12[%swap3A_1457, %swap3A_1458], %dot_general3A_1456 {strides = array<i32>} : memref<64x5000xf32, #tpu.memory_space<vmem>>, vector<64x5000xf32>,
    %get3A_1460 = arith.constant 0 : index
    %get3A_1461 = arith.constant 0 : index
    %get3A_1462 = vector.load %arg13[%get3A_1460, %get3A_1461] : memref<5000x128xf32, #tpu.memory_space<vmem>>, vector<5000x128xf32>
    %dot_general3A_1463 = arith.constant dense<0.000000e+00> : vector<8x5000xf32>
    %dot_general3A_1464 = tpu.matmul %broadcast_in_dim3A_2, %get3A_1462, %dot_general3A_1463 {dimension_numbers = #tpu.dot_dimension_numbers<[1], [1], [0], [0], [0, 0, 1, 0], [], []>, transpose_lhs_hint = false} : vector<8x128xf32>, vector<5000x128xf32>, vector<8x5000xf32> -> vector<8x5000xf32>
    %swap3A_1465 = arith.constant 0 : index
    %swap3A_1466 = arith.constant 0 : index
    %swap3A_1467 = vector.load %arg14[%swap3A_1465, %swap3A_1466] : memref<8x5000xf32, #tpu.memory_space<vmem>>, vector<8x5000xf32>
    tpu.vector_store %arg14[%swap3A_1465, %swap3A_1466], %dot_general3A_1464 {strides = array<i32>} : memref<8x5000xf32, #tpu.memory_space<vmem>>, vector<8x5000xf32>,
    %get3A_1468 = arith.constant 0 : index
    %get3A_1469 = arith.constant 0 : index
    %get3A_1470 = vector.load %arg10[%get3A_1468, %get3A_1469] : memref<64x128xf32, #tpu.memory_space<vmem>>, vector<64x128xf32>
    %get3A_1471 = arith.constant 0 : index
    %get3A_1472 = arith.constant 0 : index
    %get3A_1473 = vector.load %arg11[%get3A_1471, %get3A_1472] : memref<64x128xi32, #tpu.memory_space<vmem>>, vector<64x128xi32>
    %get3A_1474 = arith.constant 0 : index
    %get3A_1475 = arith.constant 0 : index
    %get3A_1476 = vector.load %arg12[%get3A_1474, %get3A_1475] : memref<64x5000xf32, #tpu.memory_space<vmem>>, vector<64x128xf32>
    %get3A_1477 = arith.constant 0 : index
    %get3A_1478 = arith.constant 0 : index
    %get3A_1479 = vector.load %arg14[%get3A_1477, %get3A_1478] : memref<8x5000xf32, #tpu.memory_space<vmem>>, vector<1x128xf32>
    %mul3A_1480 = arith.constant 5.000000e-01 : f32
    %mul3A_1481 = vector.broadcast %mul3A_1480 : f32 to vector<1x128xf32>
    %mul3A_1482 = arith.mulf %mul3A_1481, %get3A_1479 : vector<1x128xf32>
    %sub3A_1483 = vector.broadcast %mul3A_1482 : vector<1x128xf32> to vector<64x128xf32>
    %sub3A_1484 = arith.subf %get3A_1476, %sub3A_1483 : vector<64x128xf32>
    %gt3A_1485 = arith.cmpf ogt, %sub3A_1484, %get3A_1470 : vector<64x128xf32>
    %select_n3A_1486 = arith.select %gt3A_1485, %sub3A_1484, %get3A_1470 : vector<64x128xi1>, vector<64x128xf32>
    %add3A_1487 = arith.constant 0 : i32
    %add3A_1488 = arith.addi %mul3A_1441, %add3A_1487 : i32
    %broadcast_in_dim3A_1489 = vector.broadcast %add3A_1488 : i32 to vector<64x128xi32>
    %select_n3A_1490 = arith.select %gt3A_1485, %broadcast_in_dim3A_1489, %get3A_1473 : vector<64x128xi1>, vector<64x128xi32>
    %get3A_1491 = arith.constant 0 : index
    %get3A_1492 = arith.constant 128 : index
    %get3A_1493 = vector.load %arg12[%get3A_1491, %get3A_1492] : memref<64x5000xf32, #tpu.memory_space<vmem>>, vector<64x128xf32>
    %get3A_1494 = arith.constant 0 : index
    %get3A_1495 = arith.constant 128 : index
    %get3A_1496 = vector.load %arg14[%get3A_1494, %get3A_1495] : memref<8x5000xf32, #tpu.memory_space<vmem>>, vector<1x128xf32>
    %mul3A_1497 = arith.constant 5.000000e-01 : f32
    %mul3A_1498 = vector.broadcast %mul3A_1497 : f32 to vector<1x128xf32>
    %mul3A_1499 = arith.mulf %mul3A_1498, %get3A_1496 : vector<1x128xf32>
    %sub3A_1500 = vector.broadcast %mul3A_1499 : vector<1x128xf32> to vector<64x128xf32>
    %sub3A_1501 = arith.subf %get3A_1493, %sub3A_1500 : vector<64x128xf32>
    %gt3A_1502 = arith.cmpf ogt, %sub3A_1501, %select_n3A_1486 : vector<64x128xf32>
    %select_n3A_1503 = arith.select %gt3A_1502, %sub3A_1501, %select_n3A_1486 : vector<64x128xi1>, vector<64x128xf32>
    %add3A_1504 = arith.constant 128 : i32
    %add3A_1505 = arith.addi %mul3A_1441, %add3A_1504 : i32
    %broadcast_in_dim3A_1506 = vector.broadcast %add3A_1505 : i32 to vector<64x128xi32>
    %select_n3A_1507 = arith.select %gt3A_1502, %broadcast_in_dim3A_1506, %select_n3A_1490 : vector<64x128xi1>, vector<64x128xi32>
    %get3A_1508 = arith.constant 0 : index
    %get3A_1509 = arith.constant 256 : index
    %get3A_1510 = vector.load %arg12[%get3A_1508, %get3A_1509] : memref<64x5000xf32, #tpu.memory_space<vmem>>, vector<64x128xf32>
    %get3A_1511 = arith.constant 0 : index
    %get3A_1512 = arith.constant 256 : index
    %get3A_1513 = vector.load %arg14[%get3A_1511, %get3A_1512] : memref<8x5000xf32, #tpu.memory_space<vmem>>, vector<1x128xf32>
    %mul3A_1514 = arith.constant 5.000000e-01 : f32
    %mul3A_1515 = vector.broadcast %mul3A_1514 : f32 to vector<1x128xf32>
    %mul3A_1516 = arith.mulf %mul3A_1515, %get3A_1513 : vector<1x128xf32>
    %sub3A_1517 = vector.broadcast %mul3A_1516 : vector<1x128xf32> to vector<64x128xf32>
    %sub3A_1518 = arith.subf %get3A_1510, %sub3A_1517 : vector<64x128xf32>
    %gt3A_1519 = arith.cmpf ogt, %sub3A_1518, %select_n3A_1503 : vector<64x128xf32>
    %select_n3A_1520 = arith.select %gt3A_1519, %sub3A_1518, %select_n3A_1503 : vector<64x128xi1>, vector<64x128xf32>
    %add3A_1521 = arith.constant 256 : i32
    %add3A_1522 = arith.addi %mul3A_1441, %add3A_1521 : i32
    %broadcast_in_dim3A_1523 = vector.broadcast %add3A_1522 : i32 to vector<64x128xi32>
    %select_n3A_1524 = arith.select %gt3A_1519, %broadcast_in_dim3A_1523, %select_n3A_1507 : vector<64x128xi1>, vector<64x128xi32>
    %get3A_1525 = arith.constant 0 : index
    %get3A_1526 = arith.constant 384 : index
    %get3A_1527 = vector.load %arg12[%get3A_1525, %get3A_1526] : memref<64x5000xf32, #tpu.memory_space<vmem>>, vector<64x128xf32>
    %get3A_1528 = arith.constant 0 : index
    %get3A_1529 = arith.constant 384 : index
    %get3A_1530 = vector.load %arg14[%get3A_1528, %get3A_1529] : memref<8x5000xf32, #tpu.memory_space<vmem>>, vector<1x128xf32>
    %mul3A_1531 = arith.constant 5.000000e-01 : f32
    %mul3A_1532 = vector.broadcast %mul3A_1531 : f32 to vector<1x128xf32>
    %mul3A_1533 = arith.mulf %mul3A_1532, %get3A_1530 : vector<1x128xf32>
    %sub3A_1534 = vector.broadcast %mul3A_1533 : vector<1x128xf32> to vector<64x128xf32>
    %sub3A_1535 = arith.subf %get3A_1527, %sub3A_1534 : vector<64x128xf32>
    %gt3A_1536 = arith.cmpf ogt, %sub3A_1535, %select_n3A_1520 : vector<64x128xf32>
    %select_n3A_1537 = arith.select %gt3A_1536, %sub3A_1535, %select_n3A_1520 : vector<64x128xi1>, vector<64x128xf32>
    %add3A_1538 = arith.constant 384 : i32
    %add3A_1539 = arith.addi %mul3A_1441, %add3A_1538 : i32
    %broadcast_in_dim3A_1540 = vector.broadcast %add3A_1539 : i32 to vector<64x128xi32>
    %select_n3A_1541 = arith.select %gt3A_1536, %broadcast_in_dim3A_1540, %select_n3A_1524 : vector<64x128xi1>, vector<64x128xi32>
    %get3A_1542 = arith.constant 0 : index
    %get3A_1543 = arith.constant 512 : index
    %get3A_1544 = vector.load %arg12[%get3A_1542, %get3A_1543] : memref<64x5000xf32, #tpu.memory_space<vmem>>, vector<64x128xf32>
    %get3A_1545 = arith.constant 0 : index
    %get3A_1546 = arith.constant 512 : index
    %get3A_1547 = vector.load %arg14[%get3A_1545, %get3A_1546] : memref<8x5000xf32, #tpu.memory_space<vmem>>, vector<1x128xf32>
    %mul3A_1548 = arith.constant 5.000000e-01 : f32
    %mul3A_1549 = vector.broadcast %mul3A_1548 : f32 to vector<1x128xf32>
    %mul3A_1550 = arith.mulf %mul3A_1549, %get3A_1547 : vector<1x128xf32>
    %sub3A_1551 = vector.broadcast %mul3A_1550 : vector<1x128xf32> to vector<64x128xf32>
    %sub3A_1552 = arith.subf %get3A_1544, %sub3A_1551 : vector<64x128xf32>
    %gt3A_1553 = arith.cmpf ogt, %sub3A_1552, %select_n3A_1537 : vector<64x128xf32>
    %select_n3A_1554 = arith.select %gt3A_1553, %sub3A_1552, %select_n3A_1537 : vector<64x128xi1>, vector<64x128xf32>
    %add3A_1555 = arith.constant 512 : i32
    %add3A_1556 = arith.addi %mul3A_1441, %add3A_1555 : i32
    %broadcast_in_dim3A_1557 = vector.broadcast %add3A_1556 : i32 to vector<64x128xi32>
    %select_n3A_1558 = arith.select %gt3A_1553, %broadcast_in_dim3A_1557, %select_n3A_1541 : vector<64x128xi1>, vector<64x128xi32>
    %get3A_1559 = arith.constant 0 : index
    %get3A_1560 = arith.constant 640 : index
    %get3A_1561 = vector.load %arg12[%get3A_1559, %get3A_1560] : memref<64x5000xf32, #tpu.memory_space<vmem>>, vector<64x128xf32>
    %get3A_1562 = arith.constant 0 : index
    %get3A_1563 = arith.constant 640 : index
    %get3A_1564 = vector.load %arg14[%get3A_1562, %get3A_1563] : memref<8x5000xf32, #tpu.memory_space<vmem>>, vector<1x128xf32>
    %mul3A_1565 = arith.constant 5.000000e-01 : f32
    %mul3A_1566 = vector.broadcast %mul3A_1565 : f32 to vector<1x128xf32>
    %mul3A_1567 = arith.mulf %mul3A_1566, %get3A_1564 : vector<1x128xf32>
    %sub3A_1568 = vector.broadcast %mul3A_1567 : vector<1x128xf32> to vector<64x128xf32>
    %sub3A_1569 = arith.subf %get3A_1561, %sub3A_1568 : vector<64x128xf32>
    %gt3A_1570 = arith.cmpf ogt, %sub3A_1569, %select_n3A_1554 : vector<64x128xf32>
    %select_n3A_1571 = arith.select %gt3A_1570, %sub3A_1569, %select_n3A_1554 : vector<64x128xi1>, vector<64x128xf32>
    %add3A_1572 = arith.constant 640 : i32
    %add3A_1573 = arith.addi %mul3A_1441, %add3A_1572 : i32
    %broadcast_in_dim3A_1574 = vector.broadcast %add3A_1573 : i32 to vector<64x128xi32>
    %select_n3A_1575 = arith.select %gt3A_1570, %broadcast_in_dim3A_1574, %select_n3A_1558 : vector<64x128xi1>, vector<64x128xi32>
    %get3A_1576 = arith.constant 0 : index
    %get3A_1577 = arith.constant 768 : index
    %get3A_1578 = vector.load %arg12[%get3A_1576, %get3A_1577] : memref<64x5000xf32, #tpu.memory_space<vmem>>, vector<64x128xf32>
    %get3A_1579 = arith.constant 0 : index
    %get3A_1580 = arith.constant 768 : index
    %get3A_1581 = vector.load %arg14[%get3A_1579, %get3A_1580] : memref<8x5000xf32, #tpu.memory_space<vmem>>, vector<1x128xf32>
    %mul3A_1582 = arith.constant 5.000000e-01 : f32
    %mul3A_1583 = vector.broadcast %mul3A_1582 : f32 to vector<1x128xf32>
    %mul3A_1584 = arith.mulf %mul3A_1583, %get3A_1581 : vector<1x128xf32>
    %sub3A_1585 = vector.broadcast %mul3A_1584 : vector<1x128xf32> to vector<64x128xf32>
    %sub3A_1586 = arith.subf %get3A_1578, %sub3A_1585 : vector<64x128xf32>
    %gt3A_1587 = arith.cmpf ogt, %sub3A_1586, %select_n3A_1571 : vector<64x128xf32>
    %select_n3A_1588 = arith.select %gt3A_1587, %sub3A_1586, %select_n3A_1571 : vector<64x128xi1>, vector<64x128xf32>
    %add3A_1589 = arith.constant 768 : i32
    %add3A_1590 = arith.addi %mul3A_1441, %add3A_1589 : i32
    %broadcast_in_dim3A_1591 = vector.broadcast %add3A_1590 : i32 to vector<64x128xi32>
    %select_n3A_1592 = arith.select %gt3A_1587, %broadcast_in_dim3A_1591, %select_n3A_1575 : vector<64x128xi1>, vector<64x128xi32>
    %get3A_1593 = arith.constant 0 : index
    %get3A_1594 = arith.constant 896 : index
    %get3A_1595 = vector.load %arg12[%get3A_1593, %get3A_1594] : memref<64x5000xf32, #tpu.memory_space<vmem>>, vector<64x128xf32>
    %get3A_1596 = arith.constant 0 : index
    %get3A_1597 = arith.constant 896 : index
    %get3A_1598 = vector.load %arg14[%get3A_1596, %get3A_1597] : memref<8x5000xf32, #tpu.memory_space<vmem>>, vector<1x128xf32>
    %mul3A_1599 = arith.constant 5.000000e-01 : f32
    %mul3A_1600 = vector.broadcast %mul3A_1599 : f32 to vector<1x128xf32>
    %mul3A_1601 = arith.mulf %mul3A_1600, %get3A_1598 : vector<1x128xf32>
    %sub3A_1602 = vector.broadcast %mul3A_1601 : vector<1x128xf32> to vector<64x128xf32>
    %sub3A_1603 = arith.subf %get3A_1595, %sub3A_1602 : vector<64x128xf32>
    %gt3A_1604 = arith.cmpf ogt, %sub3A_1603, %select_n3A_1588 : vector<64x128xf32>
    %select_n3A_1605 = arith.select %gt3A_1604, %sub3A_1603, %select_n3A_1588 : vector<64x128xi1>, vector<64x128xf32>
    %add3A_1606 = arith.constant 896 : i32
    %add3A_1607 = arith.addi %mul3A_1441, %add3A_1606 : i32
    %broadcast_in_dim3A_1608 = vector.broadcast %add3A_1607 : i32 to vector<64x128xi32>
    %select_n3A_1609 = arith.select %gt3A_1604, %broadcast_in_dim3A_1608, %select_n3A_1592 : vector<64x128xi1>, vector<64x128xi32>
    %get3A_1610 = arith.constant 0 : index
    %get3A_1611 = arith.constant 1024 : index
    %get3A_1612 = vector.load %arg12[%get3A_1610, %get3A_1611] : memref<64x5000xf32, #tpu.memory_space<vmem>>, vector<64x128xf32>
    %get3A_1613 = arith.constant 0 : index
    %get3A_1614 = arith.constant 1024 : index
    %get3A_1615 = vector.load %arg14[%get3A_1613, %get3A_1614] : memref<8x5000xf32, #tpu.memory_space<vmem>>, vector<1x128xf32>
    %mul3A_1616 = arith.constant 5.000000e-01 : f32
    %mul3A_1617 = vector.broadcast %mul3A_1616 : f32 to vector<1x128xf32>
    %mul3A_1618 = arith.mulf %mul3A_1617, %get3A_1615 : vector<1x128xf32>
    %sub3A_1619 = vector.broadcast %mul3A_1618 : vector<1x128xf32> to vector<64x128xf32>
    %sub3A_1620 = arith.subf %get3A_1612, %sub3A_1619 : vector<64x128xf32>
    %gt3A_1621 = arith.cmpf ogt, %sub3A_1620, %select_n3A_1605 : vector<64x128xf32>
    %select_n3A_1622 = arith.select %gt3A_1621, %sub3A_1620, %select_n3A_1605 : vector<64x128xi1>, vector<64x128xf32>
    %add3A_1623 = arith.constant 1024 : i32
    %add3A_1624 = arith.addi %mul3A_1441, %add3A_1623 : i32
    %broadcast_in_dim3A_1625 = vector.broadcast %add3A_1624 : i32 to vector<64x128xi32>
    %select_n3A_1626 = arith.select %gt3A_1621, %broadcast_in_dim3A_1625, %select_n3A_1609 : vector<64x128xi1>, vector<64x128xi32>
    %get3A_1627 = arith.constant 0 : index
    %get3A_1628 = arith.constant 1152 : index
    %get3A_1629 = vector.load %arg12[%get3A_1627, %get3A_1628] : memref<64x5000xf32, #tpu.memory_space<vmem>>, vector<64x128xf32>
    %get3A_1630 = arith.constant 0 : index
    %get3A_1631 = arith.constant 1152 : index
    %get3A_1632 = vector.load %arg14[%get3A_1630, %get3A_1631] : memref<8x5000xf32, #tpu.memory_space<vmem>>, vector<1x128xf32>
    %mul3A_1633 = arith.constant 5.000000e-01 : f32
    %mul3A_1634 = vector.broadcast %mul3A_1633 : f32 to vector<1x128xf32>
    %mul3A_1635 = arith.mulf %mul3A_1634, %get3A_1632 : vector<1x128xf32>
    %sub3A_1636 = vector.broadcast %mul3A_1635 : vector<1x128xf32> to vector<64x128xf32>
    %sub3A_1637 = arith.subf %get3A_1629, %sub3A_1636 : vector<64x128xf32>
    %gt3A_1638 = arith.cmpf ogt, %sub3A_1637, %select_n3A_1622 : vector<64x128xf32>
    %select_n3A_1639 = arith.select %gt3A_1638, %sub3A_1637, %select_n3A_1622 : vector<64x128xi1>, vector<64x128xf32>
    %add3A_1640 = arith.constant 1152 : i32
    %add3A_1641 = arith.addi %mul3A_1441, %add3A_1640 : i32
    %broadcast_in_dim3A_1642 = vector.broadcast %add3A_1641 : i32 to vector<64x128xi32>
    %select_n3A_1643 = arith.select %gt3A_1638, %broadcast_in_dim3A_1642, %select_n3A_1626 : vector<64x128xi1>, vector<64x128xi32>
    %get3A_1644 = arith.constant 0 : index
    %get3A_1645 = arith.constant 1280 : index
    %get3A_1646 = vector.load %arg12[%get3A_1644, %get3A_1645] : memref<64x5000xf32, #tpu.memory_space<vmem>>, vector<64x128xf32>
    %get3A_1647 = arith.constant 0 : index
    %get3A_1648 = arith.constant 1280 : index
    %get3A_1649 = vector.load %arg14[%get3A_1647, %get3A_1648] : memref<8x5000xf32, #tpu.memory_space<vmem>>, vector<1x128xf32>
    %mul3A_1650 = arith.constant 5.000000e-01 : f32
    %mul3A_1651 = vector.broadcast %mul3A_1650 : f32 to vector<1x128xf32>
    %mul3A_1652 = arith.mulf %mul3A_1651, %get3A_1649 : vector<1x128xf32>
    %sub3A_1653 = vector.broadcast %mul3A_1652 : vector<1x128xf32> to vector<64x128xf32>
    %sub3A_1654 = arith.subf %get3A_1646, %sub3A_1653 : vector<64x128xf32>
    %gt3A_1655 = arith.cmpf ogt, %sub3A_1654, %select_n3A_1639 : vector<64x128xf32>
    %select_n3A_1656 = arith.select %gt3A_1655, %sub3A_1654, %select_n3A_1639 : vector<64x128xi1>, vector<64x128xf32>
    %add3A_1657 = arith.constant 1280 : i32
    %add3A_1658 = arith.addi %mul3A_1441, %add3A_1657 : i32
    %broadcast_in_dim3A_1659 = vector.broadcast %add3A_1658 : i32 to vector<64x128xi32>
    %select_n3A_1660 = arith.select %gt3A_1655, %broadcast_in_dim3A_1659, %select_n3A_1643 : vector<64x128xi1>, vector<64x128xi32>
    %get3A_1661 = arith.constant 0 : index
    %get3A_1662 = arith.constant 1408 : index
    %get3A_1663 = vector.load %arg12[%get3A_1661, %get3A_1662] : memref<64x5000xf32, #tpu.memory_space<vmem>>, vector<64x128xf32>
    %get3A_1664 = arith.constant 0 : index
    %get3A_1665 = arith.constant 1408 : index
    %get3A_1666 = vector.load %arg14[%get3A_1664, %get3A_1665] : memref<8x5000xf32, #tpu.memory_space<vmem>>, vector<1x128xf32>
    %mul3A_1667 = arith.constant 5.000000e-01 : f32
    %mul3A_1668 = vector.broadcast %mul3A_1667 : f32 to vector<1x128xf32>
    %mul3A_1669 = arith.mulf %mul3A_1668, %get3A_1666 : vector<1x128xf32>
    %sub3A_1670 = vector.broadcast %mul3A_1669 : vector<1x128xf32> to vector<64x128xf32>
    %sub3A_1671 = arith.subf %get3A_1663, %sub3A_1670 : vector<64x128xf32>
    %gt3A_1672 = arith.cmpf ogt, %sub3A_1671, %select_n3A_1656 : vector<64x128xf32>
    %select_n3A_1673 = arith.select %gt3A_1672, %sub3A_1671, %select_n3A_1656 : vector<64x128xi1>, vector<64x128xf32>
    %add3A_1674 = arith.constant 1408 : i32
    %add3A_1675 = arith.addi %mul3A_1441, %add3A_1674 : i32
    %broadcast_in_dim3A_1676 = vector.broadcast %add3A_1675 : i32 to vector<64x128xi32>
    %select_n3A_1677 = arith.select %gt3A_1672, %broadcast_in_dim3A_1676, %select_n3A_1660 : vector<64x128xi1>, vector<64x128xi32>
    %get3A_1678 = arith.constant 0 : index
    %get3A_1679 = arith.constant 1536 : index
    %get3A_1680 = vector.load %arg12[%get3A_1678, %get3A_1679] : memref<64x5000xf32, #tpu.memory_space<vmem>>, vector<64x128xf32>
    %get3A_1681 = arith.constant 0 : index
    %get3A_1682 = arith.constant 1536 : index
    %get3A_1683 = vector.load %arg14[%get3A_1681, %get3A_1682] : memref<8x5000xf32, #tpu.memory_space<vmem>>, vector<1x128xf32>
    %mul3A_1684 = arith.constant 5.000000e-01 : f32
    %mul3A_1685 = vector.broadcast %mul3A_1684 : f32 to vector<1x128xf32>
    %mul3A_1686 = arith.mulf %mul3A_1685, %get3A_1683 : vector<1x128xf32>
    %sub3A_1687 = vector.broadcast %mul3A_1686 : vector<1x128xf32> to vector<64x128xf32>
    %sub3A_1688 = arith.subf %get3A_1680, %sub3A_1687 : vector<64x128xf32>
    %gt3A_1689 = arith.cmpf ogt, %sub3A_1688, %select_n3A_1673 : vector<64x128xf32>
    %select_n3A_1690 = arith.select %gt3A_1689, %sub3A_1688, %select_n3A_1673 : vector<64x128xi1>, vector<64x128xf32>
    %add3A_1691 = arith.constant 1536 : i32
    %add3A_1692 = arith.addi %mul3A_1441, %add3A_1691 : i32
    %broadcast_in_dim3A_1693 = vector.broadcast %add3A_1692 : i32 to vector<64x128xi32>
    %select_n3A_1694 = arith.select %gt3A_1689, %broadcast_in_dim3A_1693, %select_n3A_1677 : vector<64x128xi1>, vector<64x128xi32>
    %get3A_1695 = arith.constant 0 : index
    %get3A_1696 = arith.constant 1664 : index
    %get3A_1697 = vector.load %arg12[%get3A_1695, %get3A_1696] : memref<64x5000xf32, #tpu.memory_space<vmem>>, vector<64x128xf32>
    %get3A_1698 = arith.constant 0 : index
    %get3A_1699 = arith.constant 1664 : index
    %get3A_1700 = vector.load %arg14[%get3A_1698, %get3A_1699] : memref<8x5000xf32, #tpu.memory_space<vmem>>, vector<1x128xf32>
    %mul3A_1701 = arith.constant 5.000000e-01 : f32
    %mul3A_1702 = vector.broadcast %mul3A_1701 : f32 to vector<1x128xf32>
    %mul3A_1703 = arith.mulf %mul3A_1702, %get3A_1700 : vector<1x128xf32>
    %sub3A_1704 = vector.broadcast %mul3A_1703 : vector<1x128xf32> to vector<64x128xf32>
    %sub3A_1705 = arith.subf %get3A_1697, %sub3A_1704 : vector<64x128xf32>
    %gt3A_1706 = arith.cmpf ogt, %sub3A_1705, %select_n3A_1690 : vector<64x128xf32>
    %select_n3A_1707 = arith.select %gt3A_1706, %sub3A_1705, %select_n3A_1690 : vector<64x128xi1>, vector<64x128xf32>
    %add3A_1708 = arith.constant 1664 : i32
    %add3A_1709 = arith.addi %mul3A_1441, %add3A_1708 : i32
    %broadcast_in_dim3A_1710 = vector.broadcast %add3A_1709 : i32 to vector<64x128xi32>
    %select_n3A_1711 = arith.select %gt3A_1706, %broadcast_in_dim3A_1710, %select_n3A_1694 : vector<64x128xi1>, vector<64x128xi32>
    %get3A_1712 = arith.constant 0 : index
    %get3A_1713 = arith.constant 1792 : index
    %get3A_1714 = vector.load %arg12[%get3A_1712, %get3A_1713] : memref<64x5000xf32, #tpu.memory_space<vmem>>, vector<64x128xf32>
    %get3A_1715 = arith.constant 0 : index
    %get3A_1716 = arith.constant 1792 : index
    %get3A_1717 = vector.load %arg14[%get3A_1715, %get3A_1716] : memref<8x5000xf32, #tpu.memory_space<vmem>>, vector<1x128xf32>
    %mul3A_1718 = arith.constant 5.000000e-01 : f32
    %mul3A_1719 = vector.broadcast %mul3A_1718 : f32 to vector<1x128xf32>
    %mul3A_1720 = arith.mulf %mul3A_1719, %get3A_1717 : vector<1x128xf32>
    %sub3A_1721 = vector.broadcast %mul3A_1720 : vector<1x128xf32> to vector<64x128xf32>
    %sub3A_1722 = arith.subf %get3A_1714, %sub3A_1721 : vector<64x128xf32>
    %gt3A_1723 = arith.cmpf ogt, %sub3A_1722, %select_n3A_1707 : vector<64x128xf32>
    %select_n3A_1724 = arith.select %gt3A_1723, %sub3A_1722, %select_n3A_1707 : vector<64x128xi1>, vector<64x128xf32>
    %add3A_1725 = arith.constant 1792 : i32
    %add3A_1726 = arith.addi %mul3A_1441, %add3A_1725 : i32
    %broadcast_in_dim3A_1727 = vector.broadcast %add3A_1726 : i32 to vector<64x128xi32>
    %select_n3A_1728 = arith.select %gt3A_1723, %broadcast_in_dim3A_1727, %select_n3A_1711 : vector<64x128xi1>, vector<64x128xi32>
    %get3A_1729 = arith.constant 0 : index
    %get3A_1730 = arith.constant 1920 : index
    %get3A_1731 = vector.load %arg12[%get3A_1729, %get3A_1730] : memref<64x5000xf32, #tpu.memory_space<vmem>>, vector<64x128xf32>
    %get3A_1732 = arith.constant 0 : index
    %get3A_1733 = arith.constant 1920 : index
    %get3A_1734 = vector.load %arg14[%get3A_1732, %get3A_1733] : memref<8x5000xf32, #tpu.memory_space<vmem>>, vector<1x128xf32>
    %mul3A_1735 = arith.constant 5.000000e-01 : f32
    %mul3A_1736 = vector.broadcast %mul3A_1735 : f32 to vector<1x128xf32>
    %mul3A_1737 = arith.mulf %mul3A_1736, %get3A_1734 : vector<1x128xf32>
    %sub3A_1738 = vector.broadcast %mul3A_1737 : vector<1x128xf32> to vector<64x128xf32>
    %sub3A_1739 = arith.subf %get3A_1731, %sub3A_1738 : vector<64x128xf32>
    %gt3A_1740 = arith.cmpf ogt, %sub3A_1739, %select_n3A_1724 : vector<64x128xf32>
    %select_n3A_1741 = arith.select %gt3A_1740, %sub3A_1739, %select_n3A_1724 : vector<64x128xi1>, vector<64x128xf32>
    %add3A_1742 = arith.constant 1920 : i32
    %add3A_1743 = arith.addi %mul3A_1441, %add3A_1742 : i32
    %broadcast_in_dim3A_1744 = vector.broadcast %add3A_1743 : i32 to vector<64x128xi32>
    %select_n3A_1745 = arith.select %gt3A_1740, %broadcast_in_dim3A_1744, %select_n3A_1728 : vector<64x128xi1>, vector<64x128xi32>
    %get3A_1746 = arith.constant 0 : index
    %get3A_1747 = arith.constant 2048 : index
    %get3A_1748 = vector.load %arg12[%get3A_1746, %get3A_1747] : memref<64x5000xf32, #tpu.memory_space<vmem>>, vector<64x128xf32>
    %get3A_1749 = arith.constant 0 : index
    %get3A_1750 = arith.constant 2048 : index
    %get3A_1751 = vector.load %arg14[%get3A_1749, %get3A_1750] : memref<8x5000xf32, #tpu.memory_space<vmem>>, vector<1x128xf32>
    %mul3A_1752 = arith.constant 5.000000e-01 : f32
    %mul3A_1753 = vector.broadcast %mul3A_1752 : f32 to vector<1x128xf32>
    %mul3A_1754 = arith.mulf %mul3A_1753, %get3A_1751 : vector<1x128xf32>
    %sub3A_1755 = vector.broadcast %mul3A_1754 : vector<1x128xf32> to vector<64x128xf32>
    %sub3A_1756 = arith.subf %get3A_1748, %sub3A_1755 : vector<64x128xf32>
    %gt3A_1757 = arith.cmpf ogt, %sub3A_1756, %select_n3A_1741 : vector<64x128xf32>
    %select_n3A_1758 = arith.select %gt3A_1757, %sub3A_1756, %select_n3A_1741 : vector<64x128xi1>, vector<64x128xf32>
    %add3A_1759 = arith.constant 2048 : i32
    %add3A_1760 = arith.addi %mul3A_1441, %add3A_1759 : i32
    %broadcast_in_dim3A_1761 = vector.broadcast %add3A_1760 : i32 to vector<64x128xi32>
    %select_n3A_1762 = arith.select %gt3A_1757, %broadcast_in_dim3A_1761, %select_n3A_1745 : vector<64x128xi1>, vector<64x128xi32>
    %get3A_1763 = arith.constant 0 : index
    %get3A_1764 = arith.constant 2176 : index
    %get3A_1765 = vector.load %arg12[%get3A_1763, %get3A_1764] : memref<64x5000xf32, #tpu.memory_space<vmem>>, vector<64x128xf32>
    %get3A_1766 = arith.constant 0 : index
    %get3A_1767 = arith.constant 2176 : index
    %get3A_1768 = vector.load %arg14[%get3A_1766, %get3A_1767] : memref<8x5000xf32, #tpu.memory_space<vmem>>, vector<1x128xf32>
    %mul3A_1769 = arith.constant 5.000000e-01 : f32
    %mul3A_1770 = vector.broadcast %mul3A_1769 : f32 to vector<1x128xf32>
    %mul3A_1771 = arith.mulf %mul3A_1770, %get3A_1768 : vector<1x128xf32>
    %sub3A_1772 = vector.broadcast %mul3A_1771 : vector<1x128xf32> to vector<64x128xf32>
    %sub3A_1773 = arith.subf %get3A_1765, %sub3A_1772 : vector<64x128xf32>
    %gt3A_1774 = arith.cmpf ogt, %sub3A_1773, %select_n3A_1758 : vector<64x128xf32>
    %select_n3A_1775 = arith.select %gt3A_1774, %sub3A_1773, %select_n3A_1758 : vector<64x128xi1>, vector<64x128xf32>
    %add3A_1776 = arith.constant 2176 : i32
    %add3A_1777 = arith.addi %mul3A_1441, %add3A_1776 : i32
    %broadcast_in_dim3A_1778 = vector.broadcast %add3A_1777 : i32 to vector<64x128xi32>
    %select_n3A_1779 = arith.select %gt3A_1774, %broadcast_in_dim3A_1778, %select_n3A_1762 : vector<64x128xi1>, vector<64x128xi32>
    %get3A_1780 = arith.constant 0 : index
    %get3A_1781 = arith.constant 2304 : index
    %get3A_1782 = vector.load %arg12[%get3A_1780, %get3A_1781] : memref<64x5000xf32, #tpu.memory_space<vmem>>, vector<64x128xf32>
    %get3A_1783 = arith.constant 0 : index
    %get3A_1784 = arith.constant 2304 : index
    %get3A_1785 = vector.load %arg14[%get3A_1783, %get3A_1784] : memref<8x5000xf32, #tpu.memory_space<vmem>>, vector<1x128xf32>
    %mul3A_1786 = arith.constant 5.000000e-01 : f32
    %mul3A_1787 = vector.broadcast %mul3A_1786 : f32 to vector<1x128xf32>
    %mul3A_1788 = arith.mulf %mul3A_1787, %get3A_1785 : vector<1x128xf32>
    %sub3A_1789 = vector.broadcast %mul3A_1788 : vector<1x128xf32> to vector<64x128xf32>
    %sub3A_1790 = arith.subf %get3A_1782, %sub3A_1789 : vector<64x128xf32>
    %gt3A_1791 = arith.cmpf ogt, %sub3A_1790, %select_n3A_1775 : vector<64x128xf32>
    %select_n3A_1792 = arith.select %gt3A_1791, %sub3A_1790, %select_n3A_1775 : vector<64x128xi1>, vector<64x128xf32>
    %add3A_1793 = arith.constant 2304 : i32
    %add3A_1794 = arith.addi %mul3A_1441, %add3A_1793 : i32
    %broadcast_in_dim3A_1795 = vector.broadcast %add3A_1794 : i32 to vector<64x128xi32>
    %select_n3A_1796 = arith.select %gt3A_1791, %broadcast_in_dim3A_1795, %select_n3A_1779 : vector<64x128xi1>, vector<64x128xi32>
    %get3A_1797 = arith.constant 0 : index
    %get3A_1798 = arith.constant 2432 : index
    %get3A_1799 = vector.load %arg12[%get3A_1797, %get3A_1798] : memref<64x5000xf32, #tpu.memory_space<vmem>>, vector<64x128xf32>
    %get3A_1800 = arith.constant 0 : index
    %get3A_1801 = arith.constant 2432 : index
    %get3A_1802 = vector.load %arg14[%get3A_1800, %get3A_1801] : memref<8x5000xf32, #tpu.memory_space<vmem>>, vector<1x128xf32>
    %mul3A_1803 = arith.constant 5.000000e-01 : f32
    %mul3A_1804 = vector.broadcast %mul3A_1803 : f32 to vector<1x128xf32>
    %mul3A_1805 = arith.mulf %mul3A_1804, %get3A_1802 : vector<1x128xf32>
    %sub3A_1806 = vector.broadcast %mul3A_1805 : vector<1x128xf32> to vector<64x128xf32>
    %sub3A_1807 = arith.subf %get3A_1799, %sub3A_1806 : vector<64x128xf32>
    %gt3A_1808 = arith.cmpf ogt, %sub3A_1807, %select_n3A_1792 : vector<64x128xf32>
    %select_n3A_1809 = arith.select %gt3A_1808, %sub3A_1807, %select_n3A_1792 : vector<64x128xi1>, vector<64x128xf32>
    %add3A_1810 = arith.constant 2432 : i32
    %add3A_1811 = arith.addi %mul3A_1441, %add3A_1810 : i32
    %broadcast_in_dim3A_1812 = vector.broadcast %add3A_1811 : i32 to vector<64x128xi32>
    %select_n3A_1813 = arith.select %gt3A_1808, %broadcast_in_dim3A_1812, %select_n3A_1796 : vector<64x128xi1>, vector<64x128xi32>
    %get3A_1814 = arith.constant 0 : index
    %get3A_1815 = arith.constant 2560 : index
    %get3A_1816 = vector.load %arg12[%get3A_1814, %get3A_1815] : memref<64x5000xf32, #tpu.memory_space<vmem>>, vector<64x128xf32>
    %get3A_1817 = arith.constant 0 : index
    %get3A_1818 = arith.constant 2560 : index
    %get3A_1819 = vector.load %arg14[%get3A_1817, %get3A_1818] : memref<8x5000xf32, #tpu.memory_space<vmem>>, vector<1x128xf32>
    %mul3A_1820 = arith.constant 5.000000e-01 : f32
    %mul3A_1821 = vector.broadcast %mul3A_1820 : f32 to vector<1x128xf32>
    %mul3A_1822 = arith.mulf %mul3A_1821, %get3A_1819 : vector<1x128xf32>
    %sub3A_1823 = vector.broadcast %mul3A_1822 : vector<1x128xf32> to vector<64x128xf32>
    %sub3A_1824 = arith.subf %get3A_1816, %sub3A_1823 : vector<64x128xf32>
    %gt3A_1825 = arith.cmpf ogt, %sub3A_1824, %select_n3A_1809 : vector<64x128xf32>
    %select_n3A_1826 = arith.select %gt3A_1825, %sub3A_1824, %select_n3A_1809 : vector<64x128xi1>, vector<64x128xf32>
    %add3A_1827 = arith.constant 2560 : i32
    %add3A_1828 = arith.addi %mul3A_1441, %add3A_1827 : i32
    %broadcast_in_dim3A_1829 = vector.broadcast %add3A_1828 : i32 to vector<64x128xi32>
    %select_n3A_1830 = arith.select %gt3A_1825, %broadcast_in_dim3A_1829, %select_n3A_1813 : vector<64x128xi1>, vector<64x128xi32>
    %get3A_1831 = arith.constant 0 : index
    %get3A_1832 = arith.constant 2688 : index
    %get3A_1833 = vector.load %arg12[%get3A_1831, %get3A_1832] : memref<64x5000xf32, #tpu.memory_space<vmem>>, vector<64x128xf32>
    %get3A_1834 = arith.constant 0 : index
    %get3A_1835 = arith.constant 2688 : index
    %get3A_1836 = vector.load %arg14[%get3A_1834, %get3A_1835] : memref<8x5000xf32, #tpu.memory_space<vmem>>, vector<1x128xf32>
    %mul3A_1837 = arith.constant 5.000000e-01 : f32
    %mul3A_1838 = vector.broadcast %mul3A_1837 : f32 to vector<1x128xf32>
    %mul3A_1839 = arith.mulf %mul3A_1838, %get3A_1836 : vector<1x128xf32>
    %sub3A_1840 = vector.broadcast %mul3A_1839 : vector<1x128xf32> to vector<64x128xf32>
    %sub3A_1841 = arith.subf %get3A_1833, %sub3A_1840 : vector<64x128xf32>
    %gt3A_1842 = arith.cmpf ogt, %sub3A_1841, %select_n3A_1826 : vector<64x128xf32>
    %select_n3A_1843 = arith.select %gt3A_1842, %sub3A_1841, %select_n3A_1826 : vector<64x128xi1>, vector<64x128xf32>
    %add3A_1844 = arith.constant 2688 : i32
    %add3A_1845 = arith.addi %mul3A_1441, %add3A_1844 : i32
    %broadcast_in_dim3A_1846 = vector.broadcast %add3A_1845 : i32 to vector<64x128xi32>
    %select_n3A_1847 = arith.select %gt3A_1842, %broadcast_in_dim3A_1846, %select_n3A_1830 : vector<64x128xi1>, vector<64x128xi32>
    %get3A_1848 = arith.constant 0 : index
    %get3A_1849 = arith.constant 2816 : index
    %get3A_1850 = vector.load %arg12[%get3A_1848, %get3A_1849] : memref<64x5000xf32, #tpu.memory_space<vmem>>, vector<64x128xf32>
    %get3A_1851 = arith.constant 0 : index
    %get3A_1852 = arith.constant 2816 : index
    %get3A_1853 = vector.load %arg14[%get3A_1851, %get3A_1852] : memref<8x5000xf32, #tpu.memory_space<vmem>>, vector<1x128xf32>
    %mul3A_1854 = arith.constant 5.000000e-01 : f32
    %mul3A_1855 = vector.broadcast %mul3A_1854 : f32 to vector<1x128xf32>
    %mul3A_1856 = arith.mulf %mul3A_1855, %get3A_1853 : vector<1x128xf32>
    %sub3A_1857 = vector.broadcast %mul3A_1856 : vector<1x128xf32> to vector<64x128xf32>
    %sub3A_1858 = arith.subf %get3A_1850, %sub3A_1857 : vector<64x128xf32>
    %gt3A_1859 = arith.cmpf ogt, %sub3A_1858, %select_n3A_1843 : vector<64x128xf32>
    %select_n3A_1860 = arith.select %gt3A_1859, %sub3A_1858, %select_n3A_1843 : vector<64x128xi1>, vector<64x128xf32>
    %add3A_1861 = arith.constant 2816 : i32
    %add3A_1862 = arith.addi %mul3A_1441, %add3A_1861 : i32
    %broadcast_in_dim3A_1863 = vector.broadcast %add3A_1862 : i32 to vector<64x128xi32>
    %select_n3A_1864 = arith.select %gt3A_1859, %broadcast_in_dim3A_1863, %select_n3A_1847 : vector<64x128xi1>, vector<64x128xi32>
    %get3A_1865 = arith.constant 0 : index
    %get3A_1866 = arith.constant 2944 : index
    %get3A_1867 = vector.load %arg12[%get3A_1865, %get3A_1866] : memref<64x5000xf32, #tpu.memory_space<vmem>>, vector<64x128xf32>
    %get3A_1868 = arith.constant 0 : index
    %get3A_1869 = arith.constant 2944 : index
    %get3A_1870 = vector.load %arg14[%get3A_1868, %get3A_1869] : memref<8x5000xf32, #tpu.memory_space<vmem>>, vector<1x128xf32>
    %mul3A_1871 = arith.constant 5.000000e-01 : f32
    %mul3A_1872 = vector.broadcast %mul3A_1871 : f32 to vector<1x128xf32>
    %mul3A_1873 = arith.mulf %mul3A_1872, %get3A_1870 : vector<1x128xf32>
    %sub3A_1874 = vector.broadcast %mul3A_1873 : vector<1x128xf32> to vector<64x128xf32>
    %sub3A_1875 = arith.subf %get3A_1867, %sub3A_1874 : vector<64x128xf32>
    %gt3A_1876 = arith.cmpf ogt, %sub3A_1875, %select_n3A_1860 : vector<64x128xf32>
    %select_n3A_1877 = arith.select %gt3A_1876, %sub3A_1875, %select_n3A_1860 : vector<64x128xi1>, vector<64x128xf32>
    %add3A_1878 = arith.constant 2944 : i32
    %add3A_1879 = arith.addi %mul3A_1441, %add3A_1878 : i32
    %broadcast_in_dim3A_1880 = vector.broadcast %add3A_1879 : i32 to vector<64x128xi32>
    %select_n3A_1881 = arith.select %gt3A_1876, %broadcast_in_dim3A_1880, %select_n3A_1864 : vector<64x128xi1>, vector<64x128xi32>
    %get3A_1882 = arith.constant 0 : index
    %get3A_1883 = arith.constant 3072 : index
    %get3A_1884 = vector.load %arg12[%get3A_1882, %get3A_1883] : memref<64x5000xf32, #tpu.memory_space<vmem>>, vector<64x128xf32>
    %get3A_1885 = arith.constant 0 : index
    %get3A_1886 = arith.constant 3072 : index
    %get3A_1887 = vector.load %arg14[%get3A_1885, %get3A_1886] : memref<8x5000xf32, #tpu.memory_space<vmem>>, vector<1x128xf32>
    %mul3A_1888 = arith.constant 5.000000e-01 : f32
    %mul3A_1889 = vector.broadcast %mul3A_1888 : f32 to vector<1x128xf32>
    %mul3A_1890 = arith.mulf %mul3A_1889, %get3A_1887 : vector<1x128xf32>
    %sub3A_1891 = vector.broadcast %mul3A_1890 : vector<1x128xf32> to vector<64x128xf32>
    %sub3A_1892 = arith.subf %get3A_1884, %sub3A_1891 : vector<64x128xf32>
    %gt3A_1893 = arith.cmpf ogt, %sub3A_1892, %select_n3A_1877 : vector<64x128xf32>
    %select_n3A_1894 = arith.select %gt3A_1893, %sub3A_1892, %select_n3A_1877 : vector<64x128xi1>, vector<64x128xf32>
    %add3A_1895 = arith.constant 3072 : i32
    %add3A_1896 = arith.addi %mul3A_1441, %add3A_1895 : i32
    %broadcast_in_dim3A_1897 = vector.broadcast %add3A_1896 : i32 to vector<64x128xi32>
    %select_n3A_1898 = arith.select %gt3A_1893, %broadcast_in_dim3A_1897, %select_n3A_1881 : vector<64x128xi1>, vector<64x128xi32>
    %get3A_1899 = arith.constant 0 : index
    %get3A_1900 = arith.constant 3200 : index
    %get3A_1901 = vector.load %arg12[%get3A_1899, %get3A_1900] : memref<64x5000xf32, #tpu.memory_space<vmem>>, vector<64x128xf32>
    %get3A_1902 = arith.constant 0 : index
    %get3A_1903 = arith.constant 3200 : index
    %get3A_1904 = vector.load %arg14[%get3A_1902, %get3A_1903] : memref<8x5000xf32, #tpu.memory_space<vmem>>, vector<1x128xf32>
    %mul3A_1905 = arith.constant 5.000000e-01 : f32
    %mul3A_1906 = vector.broadcast %mul3A_1905 : f32 to vector<1x128xf32>
    %mul3A_1907 = arith.mulf %mul3A_1906, %get3A_1904 : vector<1x128xf32>
    %sub3A_1908 = vector.broadcast %mul3A_1907 : vector<1x128xf32> to vector<64x128xf32>
    %sub3A_1909 = arith.subf %get3A_1901, %sub3A_1908 : vector<64x128xf32>
    %gt3A_1910 = arith.cmpf ogt, %sub3A_1909, %select_n3A_1894 : vector<64x128xf32>
    %select_n3A_1911 = arith.select %gt3A_1910, %sub3A_1909, %select_n3A_1894 : vector<64x128xi1>, vector<64x128xf32>
    %add3A_1912 = arith.constant 3200 : i32
    %add3A_1913 = arith.addi %mul3A_1441, %add3A_1912 : i32
    %broadcast_in_dim3A_1914 = vector.broadcast %add3A_1913 : i32 to vector<64x128xi32>
    %select_n3A_1915 = arith.select %gt3A_1910, %broadcast_in_dim3A_1914, %select_n3A_1898 : vector<64x128xi1>, vector<64x128xi32>
    %get3A_1916 = arith.constant 0 : index
    %get3A_1917 = arith.constant 3328 : index
    %get3A_1918 = vector.load %arg12[%get3A_1916, %get3A_1917] : memref<64x5000xf32, #tpu.memory_space<vmem>>, vector<64x128xf32>
    %get3A_1919 = arith.constant 0 : index
    %get3A_1920 = arith.constant 3328 : index
    %get3A_1921 = vector.load %arg14[%get3A_1919, %get3A_1920] : memref<8x5000xf32, #tpu.memory_space<vmem>>, vector<1x128xf32>
    %mul3A_1922 = arith.constant 5.000000e-01 : f32
    %mul3A_1923 = vector.broadcast %mul3A_1922 : f32 to vector<1x128xf32>
    %mul3A_1924 = arith.mulf %mul3A_1923, %get3A_1921 : vector<1x128xf32>
    %sub3A_1925 = vector.broadcast %mul3A_1924 : vector<1x128xf32> to vector<64x128xf32>
    %sub3A_1926 = arith.subf %get3A_1918, %sub3A_1925 : vector<64x128xf32>
    %gt3A_1927 = arith.cmpf ogt, %sub3A_1926, %select_n3A_1911 : vector<64x128xf32>
    %select_n3A_1928 = arith.select %gt3A_1927, %sub3A_1926, %select_n3A_1911 : vector<64x128xi1>, vector<64x128xf32>
    %add3A_1929 = arith.constant 3328 : i32
    %add3A_1930 = arith.addi %mul3A_1441, %add3A_1929 : i32
    %broadcast_in_dim3A_1931 = vector.broadcast %add3A_1930 : i32 to vector<64x128xi32>
    %select_n3A_1932 = arith.select %gt3A_1927, %broadcast_in_dim3A_1931, %select_n3A_1915 : vector<64x128xi1>, vector<64x128xi32>
    %get3A_1933 = arith.constant 0 : index
    %get3A_1934 = arith.constant 3456 : index
    %get3A_1935 = vector.load %arg12[%get3A_1933, %get3A_1934] : memref<64x5000xf32, #tpu.memory_space<vmem>>, vector<64x128xf32>
    %get3A_1936 = arith.constant 0 : index
    %get3A_1937 = arith.constant 3456 : index
    %get3A_1938 = vector.load %arg14[%get3A_1936, %get3A_1937] : memref<8x5000xf32, #tpu.memory_space<vmem>>, vector<1x128xf32>
    %mul3A_1939 = arith.constant 5.000000e-01 : f32
    %mul3A_1940 = vector.broadcast %mul3A_1939 : f32 to vector<1x128xf32>
    %mul3A_1941 = arith.mulf %mul3A_1940, %get3A_1938 : vector<1x128xf32>
    %sub3A_1942 = vector.broadcast %mul3A_1941 : vector<1x128xf32> to vector<64x128xf32>
    %sub3A_1943 = arith.subf %get3A_1935, %sub3A_1942 : vector<64x128xf32>
    %gt3A_1944 = arith.cmpf ogt, %sub3A_1943, %select_n3A_1928 : vector<64x128xf32>
    %select_n3A_1945 = arith.select %gt3A_1944, %sub3A_1943, %select_n3A_1928 : vector<64x128xi1>, vector<64x128xf32>
    %add3A_1946 = arith.constant 3456 : i32
    %add3A_1947 = arith.addi %mul3A_1441, %add3A_1946 : i32
    %broadcast_in_dim3A_1948 = vector.broadcast %add3A_1947 : i32 to vector<64x128xi32>
    %select_n3A_1949 = arith.select %gt3A_1944, %broadcast_in_dim3A_1948, %select_n3A_1932 : vector<64x128xi1>, vector<64x128xi32>
    %get3A_1950 = arith.constant 0 : index
    %get3A_1951 = arith.constant 3584 : index
    %get3A_1952 = vector.load %arg12[%get3A_1950, %get3A_1951] : memref<64x5000xf32, #tpu.memory_space<vmem>>, vector<64x128xf32>
    %get3A_1953 = arith.constant 0 : index
    %get3A_1954 = arith.constant 3584 : index
    %get3A_1955 = vector.load %arg14[%get3A_1953, %get3A_1954] : memref<8x5000xf32, #tpu.memory_space<vmem>>, vector<1x128xf32>
    %mul3A_1956 = arith.constant 5.000000e-01 : f32
    %mul3A_1957 = vector.broadcast %mul3A_1956 : f32 to vector<1x128xf32>
    %mul3A_1958 = arith.mulf %mul3A_1957, %get3A_1955 : vector<1x128xf32>
    %sub3A_1959 = vector.broadcast %mul3A_1958 : vector<1x128xf32> to vector<64x128xf32>
    %sub3A_1960 = arith.subf %get3A_1952, %sub3A_1959 : vector<64x128xf32>
    %gt3A_1961 = arith.cmpf ogt, %sub3A_1960, %select_n3A_1945 : vector<64x128xf32>
    %select_n3A_1962 = arith.select %gt3A_1961, %sub3A_1960, %select_n3A_1945 : vector<64x128xi1>, vector<64x128xf32>
    %add3A_1963 = arith.constant 3584 : i32
    %add3A_1964 = arith.addi %mul3A_1441, %add3A_1963 : i32
    %broadcast_in_dim3A_1965 = vector.broadcast %add3A_1964 : i32 to vector<64x128xi32>
    %select_n3A_1966 = arith.select %gt3A_1961, %broadcast_in_dim3A_1965, %select_n3A_1949 : vector<64x128xi1>, vector<64x128xi32>
    %get3A_1967 = arith.constant 0 : index
    %get3A_1968 = arith.constant 3712 : index
    %get3A_1969 = vector.load %arg12[%get3A_1967, %get3A_1968] : memref<64x5000xf32, #tpu.memory_space<vmem>>, vector<64x128xf32>
    %get3A_1970 = arith.constant 0 : index
    %get3A_1971 = arith.constant 3712 : index
    %get3A_1972 = vector.load %arg14[%get3A_1970, %get3A_1971] : memref<8x5000xf32, #tpu.memory_space<vmem>>, vector<1x128xf32>
    %mul3A_1973 = arith.constant 5.000000e-01 : f32
    %mul3A_1974 = vector.broadcast %mul3A_1973 : f32 to vector<1x128xf32>
    %mul3A_1975 = arith.mulf %mul3A_1974, %get3A_1972 : vector<1x128xf32>
    %sub3A_1976 = vector.broadcast %mul3A_1975 : vector<1x128xf32> to vector<64x128xf32>
    %sub3A_1977 = arith.subf %get3A_1969, %sub3A_1976 : vector<64x128xf32>
    %gt3A_1978 = arith.cmpf ogt, %sub3A_1977, %select_n3A_1962 : vector<64x128xf32>
    %select_n3A_1979 = arith.select %gt3A_1978, %sub3A_1977, %select_n3A_1962 : vector<64x128xi1>, vector<64x128xf32>
    %add3A_1980 = arith.constant 3712 : i32
    %add3A_1981 = arith.addi %mul3A_1441, %add3A_1980 : i32
    %broadcast_in_dim3A_1982 = vector.broadcast %add3A_1981 : i32 to vector<64x128xi32>
    %select_n3A_1983 = arith.select %gt3A_1978, %broadcast_in_dim3A_1982, %select_n3A_1966 : vector<64x128xi1>, vector<64x128xi32>
    %get3A_1984 = arith.constant 0 : index
    %get3A_1985 = arith.constant 3840 : index
    %get3A_1986 = vector.load %arg12[%get3A_1984, %get3A_1985] : memref<64x5000xf32, #tpu.memory_space<vmem>>, vector<64x128xf32>
    %get3A_1987 = arith.constant 0 : index
    %get3A_1988 = arith.constant 3840 : index
    %get3A_1989 = vector.load %arg14[%get3A_1987, %get3A_1988] : memref<8x5000xf32, #tpu.memory_space<vmem>>, vector<1x128xf32>
    %mul3A_1990 = arith.constant 5.000000e-01 : f32
    %mul3A_1991 = vector.broadcast %mul3A_1990 : f32 to vector<1x128xf32>
    %mul3A_1992 = arith.mulf %mul3A_1991, %get3A_1989 : vector<1x128xf32>
    %sub3A_1993 = vector.broadcast %mul3A_1992 : vector<1x128xf32> to vector<64x128xf32>
    %sub3A_1994 = arith.subf %get3A_1986, %sub3A_1993 : vector<64x128xf32>
    %gt3A_1995 = arith.cmpf ogt, %sub3A_1994, %select_n3A_1979 : vector<64x128xf32>
    %select_n3A_1996 = arith.select %gt3A_1995, %sub3A_1994, %select_n3A_1979 : vector<64x128xi1>, vector<64x128xf32>
    %add3A_1997 = arith.constant 3840 : i32
    %add3A_1998 = arith.addi %mul3A_1441, %add3A_1997 : i32
    %broadcast_in_dim3A_1999 = vector.broadcast %add3A_1998 : i32 to vector<64x128xi32>
    %select_n3A_2000 = arith.select %gt3A_1995, %broadcast_in_dim3A_1999, %select_n3A_1983 : vector<64x128xi1>, vector<64x128xi32>
    %get3A_2001 = arith.constant 0 : index
    %get3A_2002 = arith.constant 3968 : index
    %get3A_2003 = vector.load %arg12[%get3A_2001, %get3A_2002] : memref<64x5000xf32, #tpu.memory_space<vmem>>, vector<64x128xf32>
    %get3A_2004 = arith.constant 0 : index
    %get3A_2005 = arith.constant 3968 : index
    %get3A_2006 = vector.load %arg14[%get3A_2004, %get3A_2005] : memref<8x5000xf32, #tpu.memory_space<vmem>>, vector<1x128xf32>
    %mul3A_2007 = arith.constant 5.000000e-01 : f32
    %mul3A_2008 = vector.broadcast %mul3A_2007 : f32 to vector<1x128xf32>
    %mul3A_2009 = arith.mulf %mul3A_2008, %get3A_2006 : vector<1x128xf32>
    %sub3A_2010 = vector.broadcast %mul3A_2009 : vector<1x128xf32> to vector<64x128xf32>
    %sub3A_2011 = arith.subf %get3A_2003, %sub3A_2010 : vector<64x128xf32>
    %gt3A_2012 = arith.cmpf ogt, %sub3A_2011, %select_n3A_1996 : vector<64x128xf32>
    %select_n3A_2013 = arith.select %gt3A_2012, %sub3A_2011, %select_n3A_1996 : vector<64x128xi1>, vector<64x128xf32>
    %add3A_2014 = arith.constant 3968 : i32
    %add3A_2015 = arith.addi %mul3A_1441, %add3A_2014 : i32
    %broadcast_in_dim3A_2016 = vector.broadcast %add3A_2015 : i32 to vector<64x128xi32>
    %select_n3A_2017 = arith.select %gt3A_2012, %broadcast_in_dim3A_2016, %select_n3A_2000 : vector<64x128xi1>, vector<64x128xi32>
    %get3A_2018 = arith.constant 0 : index
    %get3A_2019 = arith.constant 4096 : index
    %get3A_2020 = vector.load %arg12[%get3A_2018, %get3A_2019] : memref<64x5000xf32, #tpu.memory_space<vmem>>, vector<64x128xf32>
    %get3A_2021 = arith.constant 0 : index
    %get3A_2022 = arith.constant 4096 : index
    %get3A_2023 = vector.load %arg14[%get3A_2021, %get3A_2022] : memref<8x5000xf32, #tpu.memory_space<vmem>>, vector<1x128xf32>
    %mul3A_2024 = arith.constant 5.000000e-01 : f32
    %mul3A_2025 = vector.broadcast %mul3A_2024 : f32 to vector<1x128xf32>
    %mul3A_2026 = arith.mulf %mul3A_2025, %get3A_2023 : vector<1x128xf32>
    %sub3A_2027 = vector.broadcast %mul3A_2026 : vector<1x128xf32> to vector<64x128xf32>
    %sub3A_2028 = arith.subf %get3A_2020, %sub3A_2027 : vector<64x128xf32>
    %gt3A_2029 = arith.cmpf ogt, %sub3A_2028, %select_n3A_2013 : vector<64x128xf32>
    %select_n3A_2030 = arith.select %gt3A_2029, %sub3A_2028, %select_n3A_2013 : vector<64x128xi1>, vector<64x128xf32>
    %add3A_2031 = arith.constant 4096 : i32
    %add3A_2032 = arith.addi %mul3A_1441, %add3A_2031 : i32
    %broadcast_in_dim3A_2033 = vector.broadcast %add3A_2032 : i32 to vector<64x128xi32>
    %select_n3A_2034 = arith.select %gt3A_2029, %broadcast_in_dim3A_2033, %select_n3A_2017 : vector<64x128xi1>, vector<64x128xi32>
    %get3A_2035 = arith.constant 0 : index
    %get3A_2036 = arith.constant 4224 : index
    %get3A_2037 = vector.load %arg12[%get3A_2035, %get3A_2036] : memref<64x5000xf32, #tpu.memory_space<vmem>>, vector<64x128xf32>
    %get3A_2038 = arith.constant 0 : index
    %get3A_2039 = arith.constant 4224 : index
    %get3A_2040 = vector.load %arg14[%get3A_2038, %get3A_2039] : memref<8x5000xf32, #tpu.memory_space<vmem>>, vector<1x128xf32>
    %mul3A_2041 = arith.constant 5.000000e-01 : f32
    %mul3A_2042 = vector.broadcast %mul3A_2041 : f32 to vector<1x128xf32>
    %mul3A_2043 = arith.mulf %mul3A_2042, %get3A_2040 : vector<1x128xf32>
    %sub3A_2044 = vector.broadcast %mul3A_2043 : vector<1x128xf32> to vector<64x128xf32>
    %sub3A_2045 = arith.subf %get3A_2037, %sub3A_2044 : vector<64x128xf32>
    %gt3A_2046 = arith.cmpf ogt, %sub3A_2045, %select_n3A_2030 : vector<64x128xf32>
    %select_n3A_2047 = arith.select %gt3A_2046, %sub3A_2045, %select_n3A_2030 : vector<64x128xi1>, vector<64x128xf32>
    %add3A_2048 = arith.constant 4224 : i32
    %add3A_2049 = arith.addi %mul3A_1441, %add3A_2048 : i32
    %broadcast_in_dim3A_2050 = vector.broadcast %add3A_2049 : i32 to vector<64x128xi32>
    %select_n3A_2051 = arith.select %gt3A_2046, %broadcast_in_dim3A_2050, %select_n3A_2034 : vector<64x128xi1>, vector<64x128xi32>
    %get3A_2052 = arith.constant 0 : index
    %get3A_2053 = arith.constant 4352 : index
    %get3A_2054 = vector.load %arg12[%get3A_2052, %get3A_2053] : memref<64x5000xf32, #tpu.memory_space<vmem>>, vector<64x128xf32>
    %get3A_2055 = arith.constant 0 : index
    %get3A_2056 = arith.constant 4352 : index
    %get3A_2057 = vector.load %arg14[%get3A_2055, %get3A_2056] : memref<8x5000xf32, #tpu.memory_space<vmem>>, vector<1x128xf32>
    %mul3A_2058 = arith.constant 5.000000e-01 : f32
    %mul3A_2059 = vector.broadcast %mul3A_2058 : f32 to vector<1x128xf32>
    %mul3A_2060 = arith.mulf %mul3A_2059, %get3A_2057 : vector<1x128xf32>
    %sub3A_2061 = vector.broadcast %mul3A_2060 : vector<1x128xf32> to vector<64x128xf32>
    %sub3A_2062 = arith.subf %get3A_2054, %sub3A_2061 : vector<64x128xf32>
    %gt3A_2063 = arith.cmpf ogt, %sub3A_2062, %select_n3A_2047 : vector<64x128xf32>
    %select_n3A_2064 = arith.select %gt3A_2063, %sub3A_2062, %select_n3A_2047 : vector<64x128xi1>, vector<64x128xf32>
    %add3A_2065 = arith.constant 4352 : i32
    %add3A_2066 = arith.addi %mul3A_1441, %add3A_2065 : i32
    %broadcast_in_dim3A_2067 = vector.broadcast %add3A_2066 : i32 to vector<64x128xi32>
    %select_n3A_2068 = arith.select %gt3A_2063, %broadcast_in_dim3A_2067, %select_n3A_2051 : vector<64x128xi1>, vector<64x128xi32>
    %get3A_2069 = arith.constant 0 : index
    %get3A_2070 = arith.constant 4480 : index
    %get3A_2071 = vector.load %arg12[%get3A_2069, %get3A_2070] : memref<64x5000xf32, #tpu.memory_space<vmem>>, vector<64x128xf32>
    %get3A_2072 = arith.constant 0 : index
    %get3A_2073 = arith.constant 4480 : index
    %get3A_2074 = vector.load %arg14[%get3A_2072, %get3A_2073] : memref<8x5000xf32, #tpu.memory_space<vmem>>, vector<1x128xf32>
    %mul3A_2075 = arith.constant 5.000000e-01 : f32
    %mul3A_2076 = vector.broadcast %mul3A_2075 : f32 to vector<1x128xf32>
    %mul3A_2077 = arith.mulf %mul3A_2076, %get3A_2074 : vector<1x128xf32>
    %sub3A_2078 = vector.broadcast %mul3A_2077 : vector<1x128xf32> to vector<64x128xf32>
    %sub3A_2079 = arith.subf %get3A_2071, %sub3A_2078 : vector<64x128xf32>
    %gt3A_2080 = arith.cmpf ogt, %sub3A_2079, %select_n3A_2064 : vector<64x128xf32>
    %select_n3A_2081 = arith.select %gt3A_2080, %sub3A_2079, %select_n3A_2064 : vector<64x128xi1>, vector<64x128xf32>
    %add3A_2082 = arith.constant 4480 : i32
    %add3A_2083 = arith.addi %mul3A_1441, %add3A_2082 : i32
    %broadcast_in_dim3A_2084 = vector.broadcast %add3A_2083 : i32 to vector<64x128xi32>
    %select_n3A_2085 = arith.select %gt3A_2080, %broadcast_in_dim3A_2084, %select_n3A_2068 : vector<64x128xi1>, vector<64x128xi32>
    %get3A_2086 = arith.constant 0 : index
    %get3A_2087 = arith.constant 4608 : index
    %get3A_2088 = vector.load %arg12[%get3A_2086, %get3A_2087] : memref<64x5000xf32, #tpu.memory_space<vmem>>, vector<64x128xf32>
    %get3A_2089 = arith.constant 0 : index
    %get3A_2090 = arith.constant 4608 : index
    %get3A_2091 = vector.load %arg14[%get3A_2089, %get3A_2090] : memref<8x5000xf32, #tpu.memory_space<vmem>>, vector<1x128xf32>
    %mul3A_2092 = arith.constant 5.000000e-01 : f32
    %mul3A_2093 = vector.broadcast %mul3A_2092 : f32 to vector<1x128xf32>
    %mul3A_2094 = arith.mulf %mul3A_2093, %get3A_2091 : vector<1x128xf32>
    %sub3A_2095 = vector.broadcast %mul3A_2094 : vector<1x128xf32> to vector<64x128xf32>
    %sub3A_2096 = arith.subf %get3A_2088, %sub3A_2095 : vector<64x128xf32>
    %gt3A_2097 = arith.cmpf ogt, %sub3A_2096, %select_n3A_2081 : vector<64x128xf32>
    %select_n3A_2098 = arith.select %gt3A_2097, %sub3A_2096, %select_n3A_2081 : vector<64x128xi1>, vector<64x128xf32>
    %add3A_2099 = arith.constant 4608 : i32
    %add3A_2100 = arith.addi %mul3A_1441, %add3A_2099 : i32
    %broadcast_in_dim3A_2101 = vector.broadcast %add3A_2100 : i32 to vector<64x128xi32>
    %select_n3A_2102 = arith.select %gt3A_2097, %broadcast_in_dim3A_2101, %select_n3A_2085 : vector<64x128xi1>, vector<64x128xi32>
    %get3A_2103 = arith.constant 0 : index
    %get3A_2104 = arith.constant 4736 : index
    %get3A_2105 = vector.load %arg12[%get3A_2103, %get3A_2104] : memref<64x5000xf32, #tpu.memory_space<vmem>>, vector<64x128xf32>
    %get3A_2106 = arith.constant 0 : index
    %get3A_2107 = arith.constant 4736 : index
    %get3A_2108 = vector.load %arg14[%get3A_2106, %get3A_2107] : memref<8x5000xf32, #tpu.memory_space<vmem>>, vector<1x128xf32>
    %mul3A_2109 = arith.constant 5.000000e-01 : f32
    %mul3A_2110 = vector.broadcast %mul3A_2109 : f32 to vector<1x128xf32>
    %mul3A_2111 = arith.mulf %mul3A_2110, %get3A_2108 : vector<1x128xf32>
    %sub3A_2112 = vector.broadcast %mul3A_2111 : vector<1x128xf32> to vector<64x128xf32>
    %sub3A_2113 = arith.subf %get3A_2105, %sub3A_2112 : vector<64x128xf32>
    %gt3A_2114 = arith.cmpf ogt, %sub3A_2113, %select_n3A_2098 : vector<64x128xf32>
    %select_n3A_2115 = arith.select %gt3A_2114, %sub3A_2113, %select_n3A_2098 : vector<64x128xi1>, vector<64x128xf32>
    %add3A_2116 = arith.constant 4736 : i32
    %add3A_2117 = arith.addi %mul3A_1441, %add3A_2116 : i32
    %broadcast_in_dim3A_2118 = vector.broadcast %add3A_2117 : i32 to vector<64x128xi32>
    %select_n3A_2119 = arith.select %gt3A_2114, %broadcast_in_dim3A_2118, %select_n3A_2102 : vector<64x128xi1>, vector<64x128xi32>
    %get3A_2120 = arith.constant 0 : index
    %get3A_2121 = arith.constant 4864 : index
    %get3A_2122 = vector.load %arg12[%get3A_2120, %get3A_2121] : memref<64x5000xf32, #tpu.memory_space<vmem>>, vector<64x128xf32>
    %get3A_2123 = arith.constant 0 : index
    %get3A_2124 = arith.constant 4864 : index
    %get3A_2125 = vector.load %arg14[%get3A_2123, %get3A_2124] : memref<8x5000xf32, #tpu.memory_space<vmem>>, vector<1x128xf32>
    %mul3A_2126 = arith.constant 5.000000e-01 : f32
    %mul3A_2127 = vector.broadcast %mul3A_2126 : f32 to vector<1x128xf32>
    %mul3A_2128 = arith.mulf %mul3A_2127, %get3A_2125 : vector<1x128xf32>
    %sub3A_2129 = vector.broadcast %mul3A_2128 : vector<1x128xf32> to vector<64x128xf32>
    %sub3A_2130 = arith.subf %get3A_2122, %sub3A_2129 : vector<64x128xf32>
    %gt3A_2131 = arith.cmpf ogt, %sub3A_2130, %select_n3A_2115 : vector<64x128xf32>
    %select_n3A_2132 = arith.select %gt3A_2131, %sub3A_2130, %select_n3A_2115 : vector<64x128xi1>, vector<64x128xf32>
    %add3A_2133 = arith.constant 4864 : i32
    %add3A_2134 = arith.addi %mul3A_1441, %add3A_2133 : i32
    %broadcast_in_dim3A_2135 = vector.broadcast %add3A_2134 : i32 to vector<64x128xi32>
    %select_n3A_2136 = arith.select %gt3A_2131, %broadcast_in_dim3A_2135, %select_n3A_2119 : vector<64x128xi1>, vector<64x128xi32>
    %get3A_2137 = arith.constant 0 : index
    %get3A_2138 = arith.constant 4872 : index
    %get3A_2139 = vector.load %arg12[%get3A_2137, %get3A_2138] : memref<64x5000xf32, #tpu.memory_space<vmem>>, vector<64x128xf32>
    %get3A_2140 = arith.constant 0 : index
    %get3A_2141 = arith.constant 4872 : index
    %get3A_2142 = vector.load %arg14[%get3A_2140, %get3A_2141] : memref<8x5000xf32, #tpu.memory_space<vmem>>, vector<1x128xf32>
    %mul3A_2143 = arith.constant 5.000000e-01 : f32
    %mul3A_2144 = vector.broadcast %mul3A_2143 : f32 to vector<1x128xf32>
    %mul3A_2145 = arith.mulf %mul3A_2144, %get3A_2142 : vector<1x128xf32>
    %sub3A_2146 = vector.broadcast %mul3A_2145 : vector<1x128xf32> to vector<64x128xf32>
    %sub3A_2147 = arith.subf %get3A_2139, %sub3A_2146 : vector<64x128xf32>
    %gt3A_2148 = arith.cmpf ogt, %sub3A_2147, %select_n3A_2132 : vector<64x128xf32>
    %select_n3A_2149 = arith.select %gt3A_2148, %sub3A_2147, %select_n3A_2132 : vector<64x128xi1>, vector<64x128xf32>
    %add3A_2150 = arith.constant 4872 : i32
    %add3A_2151 = arith.addi %mul3A_1441, %add3A_2150 : i32
    %broadcast_in_dim3A_2152 = vector.broadcast %add3A_2151 : i32 to vector<64x128xi32>
    %select_n3A_2153 = arith.select %gt3A_2148, %broadcast_in_dim3A_2152, %select_n3A_2136 : vector<64x128xi1>, vector<64x128xi32>
    %swap3A_2154 = arith.constant 0 : index
    %swap3A_2155 = arith.constant 0 : index
    %swap3A_2156 = vector.load %arg10[%swap3A_2154, %swap3A_2155] : memref<64x128xf32, #tpu.memory_space<vmem>>, vector<64x128xf32>
    tpu.vector_store %arg10[%swap3A_2154, %swap3A_2155], %select_n3A_2149 {strides = array<i32>} : memref<64x128xf32, #tpu.memory_space<vmem>>, vector<64x128xf32>,
    %swap3A_2157 = arith.constant 0 : index
    %swap3A_2158 = arith.constant 0 : index
    %swap3A_2159 = vector.load %arg11[%swap3A_2157, %swap3A_2158] : memref<64x128xi32, #tpu.memory_space<vmem>>, vector<64x128xi32>
    tpu.vector_store %arg11[%swap3A_2157, %swap3A_2158], %select_n3A_2153 {strides = array<i32>} : memref<64x128xi32, #tpu.memory_space<vmem>>, vector<64x128xi32>,
    %mul3A_2160 = arith.constant 5000 : i32
    %mul3A_2161 = arith.muli %arg0, %mul3A_2160 : i32
    %add3A_2162 = arith.constant 50000 : i32
    %add3A_2163 = arith.addi %add3A_2162, %mul3A_2161 : i32
    %get3A_2164 = arith.constant 0 : index
    %get3A_2165 = arith.constant 0 : index
    %get3A_2166 = vector.load %arg5[%get3A_2164, %get3A_2165] : memref<5000x128xf32, #tpu.memory_space<vmem>>, vector<5000x128xf32>
    %get3A_2167 = arith.constant 0 : index
    %get3A_2168 = arith.constant 0 : index
    %get3A_2169 = vector.load %arg5[%get3A_2167, %get3A_2168] : memref<5000x128xf32, #tpu.memory_space<vmem>>, vector<5000x128xf32>
    %mul3A_2170 = arith.mulf %get3A_2166, %get3A_2169 : vector<5000x128xf32>
    %swap3A_2171 = arith.constant 0 : index
    %swap3A_2172 = arith.constant 0 : index
    %swap3A_2173 = vector.load %arg13[%swap3A_2171, %swap3A_2172] : memref<5000x128xf32, #tpu.memory_space<vmem>>, vector<5000x128xf32>
    tpu.vector_store %arg13[%swap3A_2171, %swap3A_2172], %mul3A_2170 {strides = array<i32>} : memref<5000x128xf32, #tpu.memory_space<vmem>>, vector<5000x128xf32>,
    %get3A_2174 = arith.constant 0 : index
    %get3A_2175 = arith.constant 0 : index
    %get3A_2176 = vector.load %arg5[%get3A_2174, %get3A_2175] : memref<5000x128xf32, #tpu.memory_space<vmem>>, vector<5000x128xf32>
    %dot_general3A_2177 = arith.constant dense<0.000000e+00> : vector<64x5000xf32>
    %dot_general3A_2178 = tpu.matmul %get3A_1, %get3A_2176, %dot_general3A_2177 {dimension_numbers = #tpu.dot_dimension_numbers<[1], [1], [0], [0], [0, 0, 1, 0], [], []>, transpose_lhs_hint = false} : vector<64x128xf32>, vector<5000x128xf32>, vector<64x5000xf32> -> vector<64x5000xf32>
    %swap3A_2179 = arith.constant 0 : index
    %swap3A_2180 = arith.constant 0 : index
    %swap3A_2181 = vector.load %arg12[%swap3A_2179, %swap3A_2180] : memref<64x5000xf32, #tpu.memory_space<vmem>>, vector<64x5000xf32>
    tpu.vector_store %arg12[%swap3A_2179, %swap3A_2180], %dot_general3A_2178 {strides = array<i32>} : memref<64x5000xf32, #tpu.memory_space<vmem>>, vector<64x5000xf32>,
    %get3A_2182 = arith.constant 0 : index
    %get3A_2183 = arith.constant 0 : index
    %get3A_2184 = vector.load %arg13[%get3A_2182, %get3A_2183] : memref<5000x128xf32, #tpu.memory_space<vmem>>, vector<5000x128xf32>
    %dot_general3A_2185 = arith.constant dense<0.000000e+00> : vector<8x5000xf32>
    %dot_general3A_2186 = tpu.matmul %broadcast_in_dim3A_2, %get3A_2184, %dot_general3A_2185 {dimension_numbers = #tpu.dot_dimension_numbers<[1], [1], [0], [0], [0, 0, 1, 0], [], []>, transpose_lhs_hint = false} : vector<8x128xf32>, vector<5000x128xf32>, vector<8x5000xf32> -> vector<8x5000xf32>
    %swap3A_2187 = arith.constant 0 : index
    %swap3A_2188 = arith.constant 0 : index
    %swap3A_2189 = vector.load %arg14[%swap3A_2187, %swap3A_2188] : memref<8x5000xf32, #tpu.memory_space<vmem>>, vector<8x5000xf32>
    tpu.vector_store %arg14[%swap3A_2187, %swap3A_2188], %dot_general3A_2186 {strides = array<i32>} : memref<8x5000xf32, #tpu.memory_space<vmem>>, vector<8x5000xf32>,
    %get3A_2190 = arith.constant 0 : index
    %get3A_2191 = arith.constant 0 : index
    %get3A_2192 = vector.load %arg10[%get3A_2190, %get3A_2191] : memref<64x128xf32, #tpu.memory_space<vmem>>, vector<64x128xf32>
    %get3A_2193 = arith.constant 0 : index
    %get3A_2194 = arith.constant 0 : index
    %get3A_2195 = vector.load %arg11[%get3A_2193, %get3A_2194] : memref<64x128xi32, #tpu.memory_space<vmem>>, vector<64x128xi32>
    %get3A_2196 = arith.constant 0 : index
    %get3A_2197 = arith.constant 0 : index
    %get3A_2198 = vector.load %arg12[%get3A_2196, %get3A_2197] : memref<64x5000xf32, #tpu.memory_space<vmem>>, vector<64x128xf32>
    %get3A_2199 = arith.constant 0 : index
    %get3A_2200 = arith.constant 0 : index
    %get3A_2201 = vector.load %arg14[%get3A_2199, %get3A_2200] : memref<8x5000xf32, #tpu.memory_space<vmem>>, vector<1x128xf32>
    %mul3A_2202 = arith.constant 5.000000e-01 : f32
    %mul3A_2203 = vector.broadcast %mul3A_2202 : f32 to vector<1x128xf32>
    %mul3A_2204 = arith.mulf %mul3A_2203, %get3A_2201 : vector<1x128xf32>
    %sub3A_2205 = vector.broadcast %mul3A_2204 : vector<1x128xf32> to vector<64x128xf32>
    %sub3A_2206 = arith.subf %get3A_2198, %sub3A_2205 : vector<64x128xf32>
    %gt3A_2207 = arith.cmpf ogt, %sub3A_2206, %get3A_2192 : vector<64x128xf32>
    %select_n3A_2208 = arith.select %gt3A_2207, %sub3A_2206, %get3A_2192 : vector<64x128xi1>, vector<64x128xf32>
    %add3A_2209 = arith.constant 0 : i32
    %add3A_2210 = arith.addi %add3A_2163, %add3A_2209 : i32
    %broadcast_in_dim3A_2211 = vector.broadcast %add3A_2210 : i32 to vector<64x128xi32>
    %select_n3A_2212 = arith.select %gt3A_2207, %broadcast_in_dim3A_2211, %get3A_2195 : vector<64x128xi1>, vector<64x128xi32>
    %get3A_2213 = arith.constant 0 : index
    %get3A_2214 = arith.constant 128 : index
    %get3A_2215 = vector.load %arg12[%get3A_2213, %get3A_2214] : memref<64x5000xf32, #tpu.memory_space<vmem>>, vector<64x128xf32>
    %get3A_2216 = arith.constant 0 : index
    %get3A_2217 = arith.constant 128 : index
    %get3A_2218 = vector.load %arg14[%get3A_2216, %get3A_2217] : memref<8x5000xf32, #tpu.memory_space<vmem>>, vector<1x128xf32>
    %mul3A_2219 = arith.constant 5.000000e-01 : f32
    %mul3A_2220 = vector.broadcast %mul3A_2219 : f32 to vector<1x128xf32>
    %mul3A_2221 = arith.mulf %mul3A_2220, %get3A_2218 : vector<1x128xf32>
    %sub3A_2222 = vector.broadcast %mul3A_2221 : vector<1x128xf32> to vector<64x128xf32>
    %sub3A_2223 = arith.subf %get3A_2215, %sub3A_2222 : vector<64x128xf32>
    %gt3A_2224 = arith.cmpf ogt, %sub3A_2223, %select_n3A_2208 : vector<64x128xf32>
    %select_n3A_2225 = arith.select %gt3A_2224, %sub3A_2223, %select_n3A_2208 : vector<64x128xi1>, vector<64x128xf32>
    %add3A_2226 = arith.constant 128 : i32
    %add3A_2227 = arith.addi %add3A_2163, %add3A_2226 : i32
    %broadcast_in_dim3A_2228 = vector.broadcast %add3A_2227 : i32 to vector<64x128xi32>
    %select_n3A_2229 = arith.select %gt3A_2224, %broadcast_in_dim3A_2228, %select_n3A_2212 : vector<64x128xi1>, vector<64x128xi32>
    %get3A_2230 = arith.constant 0 : index
    %get3A_2231 = arith.constant 256 : index
    %get3A_2232 = vector.load %arg12[%get3A_2230, %get3A_2231] : memref<64x5000xf32, #tpu.memory_space<vmem>>, vector<64x128xf32>
    %get3A_2233 = arith.constant 0 : index
    %get3A_2234 = arith.constant 256 : index
    %get3A_2235 = vector.load %arg14[%get3A_2233, %get3A_2234] : memref<8x5000xf32, #tpu.memory_space<vmem>>, vector<1x128xf32>
    %mul3A_2236 = arith.constant 5.000000e-01 : f32
    %mul3A_2237 = vector.broadcast %mul3A_2236 : f32 to vector<1x128xf32>
    %mul3A_2238 = arith.mulf %mul3A_2237, %get3A_2235 : vector<1x128xf32>
    %sub3A_2239 = vector.broadcast %mul3A_2238 : vector<1x128xf32> to vector<64x128xf32>
    %sub3A_2240 = arith.subf %get3A_2232, %sub3A_2239 : vector<64x128xf32>
    %gt3A_2241 = arith.cmpf ogt, %sub3A_2240, %select_n3A_2225 : vector<64x128xf32>
    %select_n3A_2242 = arith.select %gt3A_2241, %sub3A_2240, %select_n3A_2225 : vector<64x128xi1>, vector<64x128xf32>
    %add3A_2243 = arith.constant 256 : i32
    %add3A_2244 = arith.addi %add3A_2163, %add3A_2243 : i32
    %broadcast_in_dim3A_2245 = vector.broadcast %add3A_2244 : i32 to vector<64x128xi32>
    %select_n3A_2246 = arith.select %gt3A_2241, %broadcast_in_dim3A_2245, %select_n3A_2229 : vector<64x128xi1>, vector<64x128xi32>
    %get3A_2247 = arith.constant 0 : index
    %get3A_2248 = arith.constant 384 : index
    %get3A_2249 = vector.load %arg12[%get3A_2247, %get3A_2248] : memref<64x5000xf32, #tpu.memory_space<vmem>>, vector<64x128xf32>
    %get3A_2250 = arith.constant 0 : index
    %get3A_2251 = arith.constant 384 : index
    %get3A_2252 = vector.load %arg14[%get3A_2250, %get3A_2251] : memref<8x5000xf32, #tpu.memory_space<vmem>>, vector<1x128xf32>
    %mul3A_2253 = arith.constant 5.000000e-01 : f32
    %mul3A_2254 = vector.broadcast %mul3A_2253 : f32 to vector<1x128xf32>
    %mul3A_2255 = arith.mulf %mul3A_2254, %get3A_2252 : vector<1x128xf32>
    %sub3A_2256 = vector.broadcast %mul3A_2255 : vector<1x128xf32> to vector<64x128xf32>
    %sub3A_2257 = arith.subf %get3A_2249, %sub3A_2256 : vector<64x128xf32>
    %gt3A_2258 = arith.cmpf ogt, %sub3A_2257, %select_n3A_2242 : vector<64x128xf32>
    %select_n3A_2259 = arith.select %gt3A_2258, %sub3A_2257, %select_n3A_2242 : vector<64x128xi1>, vector<64x128xf32>
    %add3A_2260 = arith.constant 384 : i32
    %add3A_2261 = arith.addi %add3A_2163, %add3A_2260 : i32
    %broadcast_in_dim3A_2262 = vector.broadcast %add3A_2261 : i32 to vector<64x128xi32>
    %select_n3A_2263 = arith.select %gt3A_2258, %broadcast_in_dim3A_2262, %select_n3A_2246 : vector<64x128xi1>, vector<64x128xi32>
    %get3A_2264 = arith.constant 0 : index
    %get3A_2265 = arith.constant 512 : index
    %get3A_2266 = vector.load %arg12[%get3A_2264, %get3A_2265] : memref<64x5000xf32, #tpu.memory_space<vmem>>, vector<64x128xf32>
    %get3A_2267 = arith.constant 0 : index
    %get3A_2268 = arith.constant 512 : index
    %get3A_2269 = vector.load %arg14[%get3A_2267, %get3A_2268] : memref<8x5000xf32, #tpu.memory_space<vmem>>, vector<1x128xf32>
    %mul3A_2270 = arith.constant 5.000000e-01 : f32
    %mul3A_2271 = vector.broadcast %mul3A_2270 : f32 to vector<1x128xf32>
    %mul3A_2272 = arith.mulf %mul3A_2271, %get3A_2269 : vector<1x128xf32>
    %sub3A_2273 = vector.broadcast %mul3A_2272 : vector<1x128xf32> to vector<64x128xf32>
    %sub3A_2274 = arith.subf %get3A_2266, %sub3A_2273 : vector<64x128xf32>
    %gt3A_2275 = arith.cmpf ogt, %sub3A_2274, %select_n3A_2259 : vector<64x128xf32>
    %select_n3A_2276 = arith.select %gt3A_2275, %sub3A_2274, %select_n3A_2259 : vector<64x128xi1>, vector<64x128xf32>
    %add3A_2277 = arith.constant 512 : i32
    %add3A_2278 = arith.addi %add3A_2163, %add3A_2277 : i32
    %broadcast_in_dim3A_2279 = vector.broadcast %add3A_2278 : i32 to vector<64x128xi32>
    %select_n3A_2280 = arith.select %gt3A_2275, %broadcast_in_dim3A_2279, %select_n3A_2263 : vector<64x128xi1>, vector<64x128xi32>
    %get3A_2281 = arith.constant 0 : index
    %get3A_2282 = arith.constant 640 : index
    %get3A_2283 = vector.load %arg12[%get3A_2281, %get3A_2282] : memref<64x5000xf32, #tpu.memory_space<vmem>>, vector<64x128xf32>
    %get3A_2284 = arith.constant 0 : index
    %get3A_2285 = arith.constant 640 : index
    %get3A_2286 = vector.load %arg14[%get3A_2284, %get3A_2285] : memref<8x5000xf32, #tpu.memory_space<vmem>>, vector<1x128xf32>
    %mul3A_2287 = arith.constant 5.000000e-01 : f32
    %mul3A_2288 = vector.broadcast %mul3A_2287 : f32 to vector<1x128xf32>
    %mul3A_2289 = arith.mulf %mul3A_2288, %get3A_2286 : vector<1x128xf32>
    %sub3A_2290 = vector.broadcast %mul3A_2289 : vector<1x128xf32> to vector<64x128xf32>
    %sub3A_2291 = arith.subf %get3A_2283, %sub3A_2290 : vector<64x128xf32>
    %gt3A_2292 = arith.cmpf ogt, %sub3A_2291, %select_n3A_2276 : vector<64x128xf32>
    %select_n3A_2293 = arith.select %gt3A_2292, %sub3A_2291, %select_n3A_2276 : vector<64x128xi1>, vector<64x128xf32>
    %add3A_2294 = arith.constant 640 : i32
    %add3A_2295 = arith.addi %add3A_2163, %add3A_2294 : i32
    %broadcast_in_dim3A_2296 = vector.broadcast %add3A_2295 : i32 to vector<64x128xi32>
    %select_n3A_2297 = arith.select %gt3A_2292, %broadcast_in_dim3A_2296, %select_n3A_2280 : vector<64x128xi1>, vector<64x128xi32>
    %get3A_2298 = arith.constant 0 : index
    %get3A_2299 = arith.constant 768 : index
    %get3A_2300 = vector.load %arg12[%get3A_2298, %get3A_2299] : memref<64x5000xf32, #tpu.memory_space<vmem>>, vector<64x128xf32>
    %get3A_2301 = arith.constant 0 : index
    %get3A_2302 = arith.constant 768 : index
    %get3A_2303 = vector.load %arg14[%get3A_2301, %get3A_2302] : memref<8x5000xf32, #tpu.memory_space<vmem>>, vector<1x128xf32>
    %mul3A_2304 = arith.constant 5.000000e-01 : f32
    %mul3A_2305 = vector.broadcast %mul3A_2304 : f32 to vector<1x128xf32>
    %mul3A_2306 = arith.mulf %mul3A_2305, %get3A_2303 : vector<1x128xf32>
    %sub3A_2307 = vector.broadcast %mul3A_2306 : vector<1x128xf32> to vector<64x128xf32>
    %sub3A_2308 = arith.subf %get3A_2300, %sub3A_2307 : vector<64x128xf32>
    %gt3A_2309 = arith.cmpf ogt, %sub3A_2308, %select_n3A_2293 : vector<64x128xf32>
    %select_n3A_2310 = arith.select %gt3A_2309, %sub3A_2308, %select_n3A_2293 : vector<64x128xi1>, vector<64x128xf32>
    %add3A_2311 = arith.constant 768 : i32
    %add3A_2312 = arith.addi %add3A_2163, %add3A_2311 : i32
    %broadcast_in_dim3A_2313 = vector.broadcast %add3A_2312 : i32 to vector<64x128xi32>
    %select_n3A_2314 = arith.select %gt3A_2309, %broadcast_in_dim3A_2313, %select_n3A_2297 : vector<64x128xi1>, vector<64x128xi32>
    %get3A_2315 = arith.constant 0 : index
    %get3A_2316 = arith.constant 896 : index
    %get3A_2317 = vector.load %arg12[%get3A_2315, %get3A_2316] : memref<64x5000xf32, #tpu.memory_space<vmem>>, vector<64x128xf32>
    %get3A_2318 = arith.constant 0 : index
    %get3A_2319 = arith.constant 896 : index
    %get3A_2320 = vector.load %arg14[%get3A_2318, %get3A_2319] : memref<8x5000xf32, #tpu.memory_space<vmem>>, vector<1x128xf32>
    %mul3A_2321 = arith.constant 5.000000e-01 : f32
    %mul3A_2322 = vector.broadcast %mul3A_2321 : f32 to vector<1x128xf32>
    %mul3A_2323 = arith.mulf %mul3A_2322, %get3A_2320 : vector<1x128xf32>
    %sub3A_2324 = vector.broadcast %mul3A_2323 : vector<1x128xf32> to vector<64x128xf32>
    %sub3A_2325 = arith.subf %get3A_2317, %sub3A_2324 : vector<64x128xf32>
    %gt3A_2326 = arith.cmpf ogt, %sub3A_2325, %select_n3A_2310 : vector<64x128xf32>
    %select_n3A_2327 = arith.select %gt3A_2326, %sub3A_2325, %select_n3A_2310 : vector<64x128xi1>, vector<64x128xf32>
    %add3A_2328 = arith.constant 896 : i32
    %add3A_2329 = arith.addi %add3A_2163, %add3A_2328 : i32
    %broadcast_in_dim3A_2330 = vector.broadcast %add3A_2329 : i32 to vector<64x128xi32>
    %select_n3A_2331 = arith.select %gt3A_2326, %broadcast_in_dim3A_2330, %select_n3A_2314 : vector<64x128xi1>, vector<64x128xi32>
    %get3A_2332 = arith.constant 0 : index
    %get3A_2333 = arith.constant 1024 : index
    %get3A_2334 = vector.load %arg12[%get3A_2332, %get3A_2333] : memref<64x5000xf32, #tpu.memory_space<vmem>>, vector<64x128xf32>
    %get3A_2335 = arith.constant 0 : index
    %get3A_2336 = arith.constant 1024 : index
    %get3A_2337 = vector.load %arg14[%get3A_2335, %get3A_2336] : memref<8x5000xf32, #tpu.memory_space<vmem>>, vector<1x128xf32>
    %mul3A_2338 = arith.constant 5.000000e-01 : f32
    %mul3A_2339 = vector.broadcast %mul3A_2338 : f32 to vector<1x128xf32>
    %mul3A_2340 = arith.mulf %mul3A_2339, %get3A_2337 : vector<1x128xf32>
    %sub3A_2341 = vector.broadcast %mul3A_2340 : vector<1x128xf32> to vector<64x128xf32>
    %sub3A_2342 = arith.subf %get3A_2334, %sub3A_2341 : vector<64x128xf32>
    %gt3A_2343 = arith.cmpf ogt, %sub3A_2342, %select_n3A_2327 : vector<64x128xf32>
    %select_n3A_2344 = arith.select %gt3A_2343, %sub3A_2342, %select_n3A_2327 : vector<64x128xi1>, vector<64x128xf32>
    %add3A_2345 = arith.constant 1024 : i32
    %add3A_2346 = arith.addi %add3A_2163, %add3A_2345 : i32
    %broadcast_in_dim3A_2347 = vector.broadcast %add3A_2346 : i32 to vector<64x128xi32>
    %select_n3A_2348 = arith.select %gt3A_2343, %broadcast_in_dim3A_2347, %select_n3A_2331 : vector<64x128xi1>, vector<64x128xi32>
    %get3A_2349 = arith.constant 0 : index
    %get3A_2350 = arith.constant 1152 : index
    %get3A_2351 = vector.load %arg12[%get3A_2349, %get3A_2350] : memref<64x5000xf32, #tpu.memory_space<vmem>>, vector<64x128xf32>
    %get3A_2352 = arith.constant 0 : index
    %get3A_2353 = arith.constant 1152 : index
    %get3A_2354 = vector.load %arg14[%get3A_2352, %get3A_2353] : memref<8x5000xf32, #tpu.memory_space<vmem>>, vector<1x128xf32>
    %mul3A_2355 = arith.constant 5.000000e-01 : f32
    %mul3A_2356 = vector.broadcast %mul3A_2355 : f32 to vector<1x128xf32>
    %mul3A_2357 = arith.mulf %mul3A_2356, %get3A_2354 : vector<1x128xf32>
    %sub3A_2358 = vector.broadcast %mul3A_2357 : vector<1x128xf32> to vector<64x128xf32>
    %sub3A_2359 = arith.subf %get3A_2351, %sub3A_2358 : vector<64x128xf32>
    %gt3A_2360 = arith.cmpf ogt, %sub3A_2359, %select_n3A_2344 : vector<64x128xf32>
    %select_n3A_2361 = arith.select %gt3A_2360, %sub3A_2359, %select_n3A_2344 : vector<64x128xi1>, vector<64x128xf32>
    %add3A_2362 = arith.constant 1152 : i32
    %add3A_2363 = arith.addi %add3A_2163, %add3A_2362 : i32
    %broadcast_in_dim3A_2364 = vector.broadcast %add3A_2363 : i32 to vector<64x128xi32>
    %select_n3A_2365 = arith.select %gt3A_2360, %broadcast_in_dim3A_2364, %select_n3A_2348 : vector<64x128xi1>, vector<64x128xi32>
    %get3A_2366 = arith.constant 0 : index
    %get3A_2367 = arith.constant 1280 : index
    %get3A_2368 = vector.load %arg12[%get3A_2366, %get3A_2367] : memref<64x5000xf32, #tpu.memory_space<vmem>>, vector<64x128xf32>
    %get3A_2369 = arith.constant 0 : index
    %get3A_2370 = arith.constant 1280 : index
    %get3A_2371 = vector.load %arg14[%get3A_2369, %get3A_2370] : memref<8x5000xf32, #tpu.memory_space<vmem>>, vector<1x128xf32>
    %mul3A_2372 = arith.constant 5.000000e-01 : f32
    %mul3A_2373 = vector.broadcast %mul3A_2372 : f32 to vector<1x128xf32>
    %mul3A_2374 = arith.mulf %mul3A_2373, %get3A_2371 : vector<1x128xf32>
    %sub3A_2375 = vector.broadcast %mul3A_2374 : vector<1x128xf32> to vector<64x128xf32>
    %sub3A_2376 = arith.subf %get3A_2368, %sub3A_2375 : vector<64x128xf32>
    %gt3A_2377 = arith.cmpf ogt, %sub3A_2376, %select_n3A_2361 : vector<64x128xf32>
    %select_n3A_2378 = arith.select %gt3A_2377, %sub3A_2376, %select_n3A_2361 : vector<64x128xi1>, vector<64x128xf32>
    %add3A_2379 = arith.constant 1280 : i32
    %add3A_2380 = arith.addi %add3A_2163, %add3A_2379 : i32
    %broadcast_in_dim3A_2381 = vector.broadcast %add3A_2380 : i32 to vector<64x128xi32>
    %select_n3A_2382 = arith.select %gt3A_2377, %broadcast_in_dim3A_2381, %select_n3A_2365 : vector<64x128xi1>, vector<64x128xi32>
    %get3A_2383 = arith.constant 0 : index
    %get3A_2384 = arith.constant 1408 : index
    %get3A_2385 = vector.load %arg12[%get3A_2383, %get3A_2384] : memref<64x5000xf32, #tpu.memory_space<vmem>>, vector<64x128xf32>
    %get3A_2386 = arith.constant 0 : index
    %get3A_2387 = arith.constant 1408 : index
    %get3A_2388 = vector.load %arg14[%get3A_2386, %get3A_2387] : memref<8x5000xf32, #tpu.memory_space<vmem>>, vector<1x128xf32>
    %mul3A_2389 = arith.constant 5.000000e-01 : f32
    %mul3A_2390 = vector.broadcast %mul3A_2389 : f32 to vector<1x128xf32>
    %mul3A_2391 = arith.mulf %mul3A_2390, %get3A_2388 : vector<1x128xf32>
    %sub3A_2392 = vector.broadcast %mul3A_2391 : vector<1x128xf32> to vector<64x128xf32>
    %sub3A_2393 = arith.subf %get3A_2385, %sub3A_2392 : vector<64x128xf32>
    %gt3A_2394 = arith.cmpf ogt, %sub3A_2393, %select_n3A_2378 : vector<64x128xf32>
    %select_n3A_2395 = arith.select %gt3A_2394, %sub3A_2393, %select_n3A_2378 : vector<64x128xi1>, vector<64x128xf32>
    %add3A_2396 = arith.constant 1408 : i32
    %add3A_2397 = arith.addi %add3A_2163, %add3A_2396 : i32
    %broadcast_in_dim3A_2398 = vector.broadcast %add3A_2397 : i32 to vector<64x128xi32>
    %select_n3A_2399 = arith.select %gt3A_2394, %broadcast_in_dim3A_2398, %select_n3A_2382 : vector<64x128xi1>, vector<64x128xi32>
    %get3A_2400 = arith.constant 0 : index
    %get3A_2401 = arith.constant 1536 : index
    %get3A_2402 = vector.load %arg12[%get3A_2400, %get3A_2401] : memref<64x5000xf32, #tpu.memory_space<vmem>>, vector<64x128xf32>
    %get3A_2403 = arith.constant 0 : index
    %get3A_2404 = arith.constant 1536 : index
    %get3A_2405 = vector.load %arg14[%get3A_2403, %get3A_2404] : memref<8x5000xf32, #tpu.memory_space<vmem>>, vector<1x128xf32>
    %mul3A_2406 = arith.constant 5.000000e-01 : f32
    %mul3A_2407 = vector.broadcast %mul3A_2406 : f32 to vector<1x128xf32>
    %mul3A_2408 = arith.mulf %mul3A_2407, %get3A_2405 : vector<1x128xf32>
    %sub3A_2409 = vector.broadcast %mul3A_2408 : vector<1x128xf32> to vector<64x128xf32>
    %sub3A_2410 = arith.subf %get3A_2402, %sub3A_2409 : vector<64x128xf32>
    %gt3A_2411 = arith.cmpf ogt, %sub3A_2410, %select_n3A_2395 : vector<64x128xf32>
    %select_n3A_2412 = arith.select %gt3A_2411, %sub3A_2410, %select_n3A_2395 : vector<64x128xi1>, vector<64x128xf32>
    %add3A_2413 = arith.constant 1536 : i32
    %add3A_2414 = arith.addi %add3A_2163, %add3A_2413 : i32
    %broadcast_in_dim3A_2415 = vector.broadcast %add3A_2414 : i32 to vector<64x128xi32>
    %select_n3A_2416 = arith.select %gt3A_2411, %broadcast_in_dim3A_2415, %select_n3A_2399 : vector<64x128xi1>, vector<64x128xi32>
    %get3A_2417 = arith.constant 0 : index
    %get3A_2418 = arith.constant 1664 : index
    %get3A_2419 = vector.load %arg12[%get3A_2417, %get3A_2418] : memref<64x5000xf32, #tpu.memory_space<vmem>>, vector<64x128xf32>
    %get3A_2420 = arith.constant 0 : index
    %get3A_2421 = arith.constant 1664 : index
    %get3A_2422 = vector.load %arg14[%get3A_2420, %get3A_2421] : memref<8x5000xf32, #tpu.memory_space<vmem>>, vector<1x128xf32>
    %mul3A_2423 = arith.constant 5.000000e-01 : f32
    %mul3A_2424 = vector.broadcast %mul3A_2423 : f32 to vector<1x128xf32>
    %mul3A_2425 = arith.mulf %mul3A_2424, %get3A_2422 : vector<1x128xf32>
    %sub3A_2426 = vector.broadcast %mul3A_2425 : vector<1x128xf32> to vector<64x128xf32>
    %sub3A_2427 = arith.subf %get3A_2419, %sub3A_2426 : vector<64x128xf32>
    %gt3A_2428 = arith.cmpf ogt, %sub3A_2427, %select_n3A_2412 : vector<64x128xf32>
    %select_n3A_2429 = arith.select %gt3A_2428, %sub3A_2427, %select_n3A_2412 : vector<64x128xi1>, vector<64x128xf32>
    %add3A_2430 = arith.constant 1664 : i32
    %add3A_2431 = arith.addi %add3A_2163, %add3A_2430 : i32
    %broadcast_in_dim3A_2432 = vector.broadcast %add3A_2431 : i32 to vector<64x128xi32>
    %select_n3A_2433 = arith.select %gt3A_2428, %broadcast_in_dim3A_2432, %select_n3A_2416 : vector<64x128xi1>, vector<64x128xi32>
    %get3A_2434 = arith.constant 0 : index
    %get3A_2435 = arith.constant 1792 : index
    %get3A_2436 = vector.load %arg12[%get3A_2434, %get3A_2435] : memref<64x5000xf32, #tpu.memory_space<vmem>>, vector<64x128xf32>
    %get3A_2437 = arith.constant 0 : index
    %get3A_2438 = arith.constant 1792 : index
    %get3A_2439 = vector.load %arg14[%get3A_2437, %get3A_2438] : memref<8x5000xf32, #tpu.memory_space<vmem>>, vector<1x128xf32>
    %mul3A_2440 = arith.constant 5.000000e-01 : f32
    %mul3A_2441 = vector.broadcast %mul3A_2440 : f32 to vector<1x128xf32>
    %mul3A_2442 = arith.mulf %mul3A_2441, %get3A_2439 : vector<1x128xf32>
    %sub3A_2443 = vector.broadcast %mul3A_2442 : vector<1x128xf32> to vector<64x128xf32>
    %sub3A_2444 = arith.subf %get3A_2436, %sub3A_2443 : vector<64x128xf32>
    %gt3A_2445 = arith.cmpf ogt, %sub3A_2444, %select_n3A_2429 : vector<64x128xf32>
    %select_n3A_2446 = arith.select %gt3A_2445, %sub3A_2444, %select_n3A_2429 : vector<64x128xi1>, vector<64x128xf32>
    %add3A_2447 = arith.constant 1792 : i32
    %add3A_2448 = arith.addi %add3A_2163, %add3A_2447 : i32
    %broadcast_in_dim3A_2449 = vector.broadcast %add3A_2448 : i32 to vector<64x128xi32>
    %select_n3A_2450 = arith.select %gt3A_2445, %broadcast_in_dim3A_2449, %select_n3A_2433 : vector<64x128xi1>, vector<64x128xi32>
    %get3A_2451 = arith.constant 0 : index
    %get3A_2452 = arith.constant 1920 : index
    %get3A_2453 = vector.load %arg12[%get3A_2451, %get3A_2452] : memref<64x5000xf32, #tpu.memory_space<vmem>>, vector<64x128xf32>
    %get3A_2454 = arith.constant 0 : index
    %get3A_2455 = arith.constant 1920 : index
    %get3A_2456 = vector.load %arg14[%get3A_2454, %get3A_2455] : memref<8x5000xf32, #tpu.memory_space<vmem>>, vector<1x128xf32>
    %mul3A_2457 = arith.constant 5.000000e-01 : f32
    %mul3A_2458 = vector.broadcast %mul3A_2457 : f32 to vector<1x128xf32>
    %mul3A_2459 = arith.mulf %mul3A_2458, %get3A_2456 : vector<1x128xf32>
    %sub3A_2460 = vector.broadcast %mul3A_2459 : vector<1x128xf32> to vector<64x128xf32>
    %sub3A_2461 = arith.subf %get3A_2453, %sub3A_2460 : vector<64x128xf32>
    %gt3A_2462 = arith.cmpf ogt, %sub3A_2461, %select_n3A_2446 : vector<64x128xf32>
    %select_n3A_2463 = arith.select %gt3A_2462, %sub3A_2461, %select_n3A_2446 : vector<64x128xi1>, vector<64x128xf32>
    %add3A_2464 = arith.constant 1920 : i32
    %add3A_2465 = arith.addi %add3A_2163, %add3A_2464 : i32
    %broadcast_in_dim3A_2466 = vector.broadcast %add3A_2465 : i32 to vector<64x128xi32>
    %select_n3A_2467 = arith.select %gt3A_2462, %broadcast_in_dim3A_2466, %select_n3A_2450 : vector<64x128xi1>, vector<64x128xi32>
    %get3A_2468 = arith.constant 0 : index
    %get3A_2469 = arith.constant 2048 : index
    %get3A_2470 = vector.load %arg12[%get3A_2468, %get3A_2469] : memref<64x5000xf32, #tpu.memory_space<vmem>>, vector<64x128xf32>
    %get3A_2471 = arith.constant 0 : index
    %get3A_2472 = arith.constant 2048 : index
    %get3A_2473 = vector.load %arg14[%get3A_2471, %get3A_2472] : memref<8x5000xf32, #tpu.memory_space<vmem>>, vector<1x128xf32>
    %mul3A_2474 = arith.constant 5.000000e-01 : f32
    %mul3A_2475 = vector.broadcast %mul3A_2474 : f32 to vector<1x128xf32>
    %mul3A_2476 = arith.mulf %mul3A_2475, %get3A_2473 : vector<1x128xf32>
    %sub3A_2477 = vector.broadcast %mul3A_2476 : vector<1x128xf32> to vector<64x128xf32>
    %sub3A_2478 = arith.subf %get3A_2470, %sub3A_2477 : vector<64x128xf32>
    %gt3A_2479 = arith.cmpf ogt, %sub3A_2478, %select_n3A_2463 : vector<64x128xf32>
    %select_n3A_2480 = arith.select %gt3A_2479, %sub3A_2478, %select_n3A_2463 : vector<64x128xi1>, vector<64x128xf32>
    %add3A_2481 = arith.constant 2048 : i32
    %add3A_2482 = arith.addi %add3A_2163, %add3A_2481 : i32
    %broadcast_in_dim3A_2483 = vector.broadcast %add3A_2482 : i32 to vector<64x128xi32>
    %select_n3A_2484 = arith.select %gt3A_2479, %broadcast_in_dim3A_2483, %select_n3A_2467 : vector<64x128xi1>, vector<64x128xi32>
    %get3A_2485 = arith.constant 0 : index
    %get3A_2486 = arith.constant 2176 : index
    %get3A_2487 = vector.load %arg12[%get3A_2485, %get3A_2486] : memref<64x5000xf32, #tpu.memory_space<vmem>>, vector<64x128xf32>
    %get3A_2488 = arith.constant 0 : index
    %get3A_2489 = arith.constant 2176 : index
    %get3A_2490 = vector.load %arg14[%get3A_2488, %get3A_2489] : memref<8x5000xf32, #tpu.memory_space<vmem>>, vector<1x128xf32>
    %mul3A_2491 = arith.constant 5.000000e-01 : f32
    %mul3A_2492 = vector.broadcast %mul3A_2491 : f32 to vector<1x128xf32>
    %mul3A_2493 = arith.mulf %mul3A_2492, %get3A_2490 : vector<1x128xf32>
    %sub3A_2494 = vector.broadcast %mul3A_2493 : vector<1x128xf32> to vector<64x128xf32>
    %sub3A_2495 = arith.subf %get3A_2487, %sub3A_2494 : vector<64x128xf32>
    %gt3A_2496 = arith.cmpf ogt, %sub3A_2495, %select_n3A_2480 : vector<64x128xf32>
    %select_n3A_2497 = arith.select %gt3A_2496, %sub3A_2495, %select_n3A_2480 : vector<64x128xi1>, vector<64x128xf32>
    %add3A_2498 = arith.constant 2176 : i32
    %add3A_2499 = arith.addi %add3A_2163, %add3A_2498 : i32
    %broadcast_in_dim3A_2500 = vector.broadcast %add3A_2499 : i32 to vector<64x128xi32>
    %select_n3A_2501 = arith.select %gt3A_2496, %broadcast_in_dim3A_2500, %select_n3A_2484 : vector<64x128xi1>, vector<64x128xi32>
    %get3A_2502 = arith.constant 0 : index
    %get3A_2503 = arith.constant 2304 : index
    %get3A_2504 = vector.load %arg12[%get3A_2502, %get3A_2503] : memref<64x5000xf32, #tpu.memory_space<vmem>>, vector<64x128xf32>
    %get3A_2505 = arith.constant 0 : index
    %get3A_2506 = arith.constant 2304 : index
    %get3A_2507 = vector.load %arg14[%get3A_2505, %get3A_2506] : memref<8x5000xf32, #tpu.memory_space<vmem>>, vector<1x128xf32>
    %mul3A_2508 = arith.constant 5.000000e-01 : f32
    %mul3A_2509 = vector.broadcast %mul3A_2508 : f32 to vector<1x128xf32>
    %mul3A_2510 = arith.mulf %mul3A_2509, %get3A_2507 : vector<1x128xf32>
    %sub3A_2511 = vector.broadcast %mul3A_2510 : vector<1x128xf32> to vector<64x128xf32>
    %sub3A_2512 = arith.subf %get3A_2504, %sub3A_2511 : vector<64x128xf32>
    %gt3A_2513 = arith.cmpf ogt, %sub3A_2512, %select_n3A_2497 : vector<64x128xf32>
    %select_n3A_2514 = arith.select %gt3A_2513, %sub3A_2512, %select_n3A_2497 : vector<64x128xi1>, vector<64x128xf32>
    %add3A_2515 = arith.constant 2304 : i32
    %add3A_2516 = arith.addi %add3A_2163, %add3A_2515 : i32
    %broadcast_in_dim3A_2517 = vector.broadcast %add3A_2516 : i32 to vector<64x128xi32>
    %select_n3A_2518 = arith.select %gt3A_2513, %broadcast_in_dim3A_2517, %select_n3A_2501 : vector<64x128xi1>, vector<64x128xi32>
    %get3A_2519 = arith.constant 0 : index
    %get3A_2520 = arith.constant 2432 : index
    %get3A_2521 = vector.load %arg12[%get3A_2519, %get3A_2520] : memref<64x5000xf32, #tpu.memory_space<vmem>>, vector<64x128xf32>
    %get3A_2522 = arith.constant 0 : index
    %get3A_2523 = arith.constant 2432 : index
    %get3A_2524 = vector.load %arg14[%get3A_2522, %get3A_2523] : memref<8x5000xf32, #tpu.memory_space<vmem>>, vector<1x128xf32>
    %mul3A_2525 = arith.constant 5.000000e-01 : f32
    %mul3A_2526 = vector.broadcast %mul3A_2525 : f32 to vector<1x128xf32>
    %mul3A_2527 = arith.mulf %mul3A_2526, %get3A_2524 : vector<1x128xf32>
    %sub3A_2528 = vector.broadcast %mul3A_2527 : vector<1x128xf32> to vector<64x128xf32>
    %sub3A_2529 = arith.subf %get3A_2521, %sub3A_2528 : vector<64x128xf32>
    %gt3A_2530 = arith.cmpf ogt, %sub3A_2529, %select_n3A_2514 : vector<64x128xf32>
    %select_n3A_2531 = arith.select %gt3A_2530, %sub3A_2529, %select_n3A_2514 : vector<64x128xi1>, vector<64x128xf32>
    %add3A_2532 = arith.constant 2432 : i32
    %add3A_2533 = arith.addi %add3A_2163, %add3A_2532 : i32
    %broadcast_in_dim3A_2534 = vector.broadcast %add3A_2533 : i32 to vector<64x128xi32>
    %select_n3A_2535 = arith.select %gt3A_2530, %broadcast_in_dim3A_2534, %select_n3A_2518 : vector<64x128xi1>, vector<64x128xi32>
    %get3A_2536 = arith.constant 0 : index
    %get3A_2537 = arith.constant 2560 : index
    %get3A_2538 = vector.load %arg12[%get3A_2536, %get3A_2537] : memref<64x5000xf32, #tpu.memory_space<vmem>>, vector<64x128xf32>
    %get3A_2539 = arith.constant 0 : index
    %get3A_2540 = arith.constant 2560 : index
    %get3A_2541 = vector.load %arg14[%get3A_2539, %get3A_2540] : memref<8x5000xf32, #tpu.memory_space<vmem>>, vector<1x128xf32>
    %mul3A_2542 = arith.constant 5.000000e-01 : f32
    %mul3A_2543 = vector.broadcast %mul3A_2542 : f32 to vector<1x128xf32>
    %mul3A_2544 = arith.mulf %mul3A_2543, %get3A_2541 : vector<1x128xf32>
    %sub3A_2545 = vector.broadcast %mul3A_2544 : vector<1x128xf32> to vector<64x128xf32>
    %sub3A_2546 = arith.subf %get3A_2538, %sub3A_2545 : vector<64x128xf32>
    %gt3A_2547 = arith.cmpf ogt, %sub3A_2546, %select_n3A_2531 : vector<64x128xf32>
    %select_n3A_2548 = arith.select %gt3A_2547, %sub3A_2546, %select_n3A_2531 : vector<64x128xi1>, vector<64x128xf32>
    %add3A_2549 = arith.constant 2560 : i32
    %add3A_2550 = arith.addi %add3A_2163, %add3A_2549 : i32
    %broadcast_in_dim3A_2551 = vector.broadcast %add3A_2550 : i32 to vector<64x128xi32>
    %select_n3A_2552 = arith.select %gt3A_2547, %broadcast_in_dim3A_2551, %select_n3A_2535 : vector<64x128xi1>, vector<64x128xi32>
    %get3A_2553 = arith.constant 0 : index
    %get3A_2554 = arith.constant 2688 : index
    %get3A_2555 = vector.load %arg12[%get3A_2553, %get3A_2554] : memref<64x5000xf32, #tpu.memory_space<vmem>>, vector<64x128xf32>
    %get3A_2556 = arith.constant 0 : index
    %get3A_2557 = arith.constant 2688 : index
    %get3A_2558 = vector.load %arg14[%get3A_2556, %get3A_2557] : memref<8x5000xf32, #tpu.memory_space<vmem>>, vector<1x128xf32>
    %mul3A_2559 = arith.constant 5.000000e-01 : f32
    %mul3A_2560 = vector.broadcast %mul3A_2559 : f32 to vector<1x128xf32>
    %mul3A_2561 = arith.mulf %mul3A_2560, %get3A_2558 : vector<1x128xf32>
    %sub3A_2562 = vector.broadcast %mul3A_2561 : vector<1x128xf32> to vector<64x128xf32>
    %sub3A_2563 = arith.subf %get3A_2555, %sub3A_2562 : vector<64x128xf32>
    %gt3A_2564 = arith.cmpf ogt, %sub3A_2563, %select_n3A_2548 : vector<64x128xf32>
    %select_n3A_2565 = arith.select %gt3A_2564, %sub3A_2563, %select_n3A_2548 : vector<64x128xi1>, vector<64x128xf32>
    %add3A_2566 = arith.constant 2688 : i32
    %add3A_2567 = arith.addi %add3A_2163, %add3A_2566 : i32
    %broadcast_in_dim3A_2568 = vector.broadcast %add3A_2567 : i32 to vector<64x128xi32>
    %select_n3A_2569 = arith.select %gt3A_2564, %broadcast_in_dim3A_2568, %select_n3A_2552 : vector<64x128xi1>, vector<64x128xi32>
    %get3A_2570 = arith.constant 0 : index
    %get3A_2571 = arith.constant 2816 : index
    %get3A_2572 = vector.load %arg12[%get3A_2570, %get3A_2571] : memref<64x5000xf32, #tpu.memory_space<vmem>>, vector<64x128xf32>
    %get3A_2573 = arith.constant 0 : index
    %get3A_2574 = arith.constant 2816 : index
    %get3A_2575 = vector.load %arg14[%get3A_2573, %get3A_2574] : memref<8x5000xf32, #tpu.memory_space<vmem>>, vector<1x128xf32>
    %mul3A_2576 = arith.constant 5.000000e-01 : f32
    %mul3A_2577 = vector.broadcast %mul3A_2576 : f32 to vector<1x128xf32>
    %mul3A_2578 = arith.mulf %mul3A_2577, %get3A_2575 : vector<1x128xf32>
    %sub3A_2579 = vector.broadcast %mul3A_2578 : vector<1x128xf32> to vector<64x128xf32>
    %sub3A_2580 = arith.subf %get3A_2572, %sub3A_2579 : vector<64x128xf32>
    %gt3A_2581 = arith.cmpf ogt, %sub3A_2580, %select_n3A_2565 : vector<64x128xf32>
    %select_n3A_2582 = arith.select %gt3A_2581, %sub3A_2580, %select_n3A_2565 : vector<64x128xi1>, vector<64x128xf32>
    %add3A_2583 = arith.constant 2816 : i32
    %add3A_2584 = arith.addi %add3A_2163, %add3A_2583 : i32
    %broadcast_in_dim3A_2585 = vector.broadcast %add3A_2584 : i32 to vector<64x128xi32>
    %select_n3A_2586 = arith.select %gt3A_2581, %broadcast_in_dim3A_2585, %select_n3A_2569 : vector<64x128xi1>, vector<64x128xi32>
    %get3A_2587 = arith.constant 0 : index
    %get3A_2588 = arith.constant 2944 : index
    %get3A_2589 = vector.load %arg12[%get3A_2587, %get3A_2588] : memref<64x5000xf32, #tpu.memory_space<vmem>>, vector<64x128xf32>
    %get3A_2590 = arith.constant 0 : index
    %get3A_2591 = arith.constant 2944 : index
    %get3A_2592 = vector.load %arg14[%get3A_2590, %get3A_2591] : memref<8x5000xf32, #tpu.memory_space<vmem>>, vector<1x128xf32>
    %mul3A_2593 = arith.constant 5.000000e-01 : f32
    %mul3A_2594 = vector.broadcast %mul3A_2593 : f32 to vector<1x128xf32>
    %mul3A_2595 = arith.mulf %mul3A_2594, %get3A_2592 : vector<1x128xf32>
    %sub3A_2596 = vector.broadcast %mul3A_2595 : vector<1x128xf32> to vector<64x128xf32>
    %sub3A_2597 = arith.subf %get3A_2589, %sub3A_2596 : vector<64x128xf32>
    %gt3A_2598 = arith.cmpf ogt, %sub3A_2597, %select_n3A_2582 : vector<64x128xf32>
    %select_n3A_2599 = arith.select %gt3A_2598, %sub3A_2597, %select_n3A_2582 : vector<64x128xi1>, vector<64x128xf32>
    %add3A_2600 = arith.constant 2944 : i32
    %add3A_2601 = arith.addi %add3A_2163, %add3A_2600 : i32
    %broadcast_in_dim3A_2602 = vector.broadcast %add3A_2601 : i32 to vector<64x128xi32>
    %select_n3A_2603 = arith.select %gt3A_2598, %broadcast_in_dim3A_2602, %select_n3A_2586 : vector<64x128xi1>, vector<64x128xi32>
    %get3A_2604 = arith.constant 0 : index
    %get3A_2605 = arith.constant 3072 : index
    %get3A_2606 = vector.load %arg12[%get3A_2604, %get3A_2605] : memref<64x5000xf32, #tpu.memory_space<vmem>>, vector<64x128xf32>
    %get3A_2607 = arith.constant 0 : index
    %get3A_2608 = arith.constant 3072 : index
    %get3A_2609 = vector.load %arg14[%get3A_2607, %get3A_2608] : memref<8x5000xf32, #tpu.memory_space<vmem>>, vector<1x128xf32>
    %mul3A_2610 = arith.constant 5.000000e-01 : f32
    %mul3A_2611 = vector.broadcast %mul3A_2610 : f32 to vector<1x128xf32>
    %mul3A_2612 = arith.mulf %mul3A_2611, %get3A_2609 : vector<1x128xf32>
    %sub3A_2613 = vector.broadcast %mul3A_2612 : vector<1x128xf32> to vector<64x128xf32>
    %sub3A_2614 = arith.subf %get3A_2606, %sub3A_2613 : vector<64x128xf32>
    %gt3A_2615 = arith.cmpf ogt, %sub3A_2614, %select_n3A_2599 : vector<64x128xf32>
    %select_n3A_2616 = arith.select %gt3A_2615, %sub3A_2614, %select_n3A_2599 : vector<64x128xi1>, vector<64x128xf32>
    %add3A_2617 = arith.constant 3072 : i32
    %add3A_2618 = arith.addi %add3A_2163, %add3A_2617 : i32
    %broadcast_in_dim3A_2619 = vector.broadcast %add3A_2618 : i32 to vector<64x128xi32>
    %select_n3A_2620 = arith.select %gt3A_2615, %broadcast_in_dim3A_2619, %select_n3A_2603 : vector<64x128xi1>, vector<64x128xi32>
    %get3A_2621 = arith.constant 0 : index
    %get3A_2622 = arith.constant 3200 : index
    %get3A_2623 = vector.load %arg12[%get3A_2621, %get3A_2622] : memref<64x5000xf32, #tpu.memory_space<vmem>>, vector<64x128xf32>
    %get3A_2624 = arith.constant 0 : index
    %get3A_2625 = arith.constant 3200 : index
    %get3A_2626 = vector.load %arg14[%get3A_2624, %get3A_2625] : memref<8x5000xf32, #tpu.memory_space<vmem>>, vector<1x128xf32>
    %mul3A_2627 = arith.constant 5.000000e-01 : f32
    %mul3A_2628 = vector.broadcast %mul3A_2627 : f32 to vector<1x128xf32>
    %mul3A_2629 = arith.mulf %mul3A_2628, %get3A_2626 : vector<1x128xf32>
    %sub3A_2630 = vector.broadcast %mul3A_2629 : vector<1x128xf32> to vector<64x128xf32>
    %sub3A_2631 = arith.subf %get3A_2623, %sub3A_2630 : vector<64x128xf32>
    %gt3A_2632 = arith.cmpf ogt, %sub3A_2631, %select_n3A_2616 : vector<64x128xf32>
    %select_n3A_2633 = arith.select %gt3A_2632, %sub3A_2631, %select_n3A_2616 : vector<64x128xi1>, vector<64x128xf32>
    %add3A_2634 = arith.constant 3200 : i32
    %add3A_2635 = arith.addi %add3A_2163, %add3A_2634 : i32
    %broadcast_in_dim3A_2636 = vector.broadcast %add3A_2635 : i32 to vector<64x128xi32>
    %select_n3A_2637 = arith.select %gt3A_2632, %broadcast_in_dim3A_2636, %select_n3A_2620 : vector<64x128xi1>, vector<64x128xi32>
    %get3A_2638 = arith.constant 0 : index
    %get3A_2639 = arith.constant 3328 : index
    %get3A_2640 = vector.load %arg12[%get3A_2638, %get3A_2639] : memref<64x5000xf32, #tpu.memory_space<vmem>>, vector<64x128xf32>
    %get3A_2641 = arith.constant 0 : index
    %get3A_2642 = arith.constant 3328 : index
    %get3A_2643 = vector.load %arg14[%get3A_2641, %get3A_2642] : memref<8x5000xf32, #tpu.memory_space<vmem>>, vector<1x128xf32>
    %mul3A_2644 = arith.constant 5.000000e-01 : f32
    %mul3A_2645 = vector.broadcast %mul3A_2644 : f32 to vector<1x128xf32>
    %mul3A_2646 = arith.mulf %mul3A_2645, %get3A_2643 : vector<1x128xf32>
    %sub3A_2647 = vector.broadcast %mul3A_2646 : vector<1x128xf32> to vector<64x128xf32>
    %sub3A_2648 = arith.subf %get3A_2640, %sub3A_2647 : vector<64x128xf32>
    %gt3A_2649 = arith.cmpf ogt, %sub3A_2648, %select_n3A_2633 : vector<64x128xf32>
    %select_n3A_2650 = arith.select %gt3A_2649, %sub3A_2648, %select_n3A_2633 : vector<64x128xi1>, vector<64x128xf32>
    %add3A_2651 = arith.constant 3328 : i32
    %add3A_2652 = arith.addi %add3A_2163, %add3A_2651 : i32
    %broadcast_in_dim3A_2653 = vector.broadcast %add3A_2652 : i32 to vector<64x128xi32>
    %select_n3A_2654 = arith.select %gt3A_2649, %broadcast_in_dim3A_2653, %select_n3A_2637 : vector<64x128xi1>, vector<64x128xi32>
    %get3A_2655 = arith.constant 0 : index
    %get3A_2656 = arith.constant 3456 : index
    %get3A_2657 = vector.load %arg12[%get3A_2655, %get3A_2656] : memref<64x5000xf32, #tpu.memory_space<vmem>>, vector<64x128xf32>
    %get3A_2658 = arith.constant 0 : index
    %get3A_2659 = arith.constant 3456 : index
    %get3A_2660 = vector.load %arg14[%get3A_2658, %get3A_2659] : memref<8x5000xf32, #tpu.memory_space<vmem>>, vector<1x128xf32>
    %mul3A_2661 = arith.constant 5.000000e-01 : f32
    %mul3A_2662 = vector.broadcast %mul3A_2661 : f32 to vector<1x128xf32>
    %mul3A_2663 = arith.mulf %mul3A_2662, %get3A_2660 : vector<1x128xf32>
    %sub3A_2664 = vector.broadcast %mul3A_2663 : vector<1x128xf32> to vector<64x128xf32>
    %sub3A_2665 = arith.subf %get3A_2657, %sub3A_2664 : vector<64x128xf32>
    %gt3A_2666 = arith.cmpf ogt, %sub3A_2665, %select_n3A_2650 : vector<64x128xf32>
    %select_n3A_2667 = arith.select %gt3A_2666, %sub3A_2665, %select_n3A_2650 : vector<64x128xi1>, vector<64x128xf32>
    %add3A_2668 = arith.constant 3456 : i32
    %add3A_2669 = arith.addi %add3A_2163, %add3A_2668 : i32
    %broadcast_in_dim3A_2670 = vector.broadcast %add3A_2669 : i32 to vector<64x128xi32>
    %select_n3A_2671 = arith.select %gt3A_2666, %broadcast_in_dim3A_2670, %select_n3A_2654 : vector<64x128xi1>, vector<64x128xi32>
    %get3A_2672 = arith.constant 0 : index
    %get3A_2673 = arith.constant 3584 : index
    %get3A_2674 = vector.load %arg12[%get3A_2672, %get3A_2673] : memref<64x5000xf32, #tpu.memory_space<vmem>>, vector<64x128xf32>
    %get3A_2675 = arith.constant 0 : index
    %get3A_2676 = arith.constant 3584 : index
    %get3A_2677 = vector.load %arg14[%get3A_2675, %get3A_2676] : memref<8x5000xf32, #tpu.memory_space<vmem>>, vector<1x128xf32>
    %mul3A_2678 = arith.constant 5.000000e-01 : f32
    %mul3A_2679 = vector.broadcast %mul3A_2678 : f32 to vector<1x128xf32>
    %mul3A_2680 = arith.mulf %mul3A_2679, %get3A_2677 : vector<1x128xf32>
    %sub3A_2681 = vector.broadcast %mul3A_2680 : vector<1x128xf32> to vector<64x128xf32>
    %sub3A_2682 = arith.subf %get3A_2674, %sub3A_2681 : vector<64x128xf32>
    %gt3A_2683 = arith.cmpf ogt, %sub3A_2682, %select_n3A_2667 : vector<64x128xf32>
    %select_n3A_2684 = arith.select %gt3A_2683, %sub3A_2682, %select_n3A_2667 : vector<64x128xi1>, vector<64x128xf32>
    %add3A_2685 = arith.constant 3584 : i32
    %add3A_2686 = arith.addi %add3A_2163, %add3A_2685 : i32
    %broadcast_in_dim3A_2687 = vector.broadcast %add3A_2686 : i32 to vector<64x128xi32>
    %select_n3A_2688 = arith.select %gt3A_2683, %broadcast_in_dim3A_2687, %select_n3A_2671 : vector<64x128xi1>, vector<64x128xi32>
    %get3A_2689 = arith.constant 0 : index
    %get3A_2690 = arith.constant 3712 : index
    %get3A_2691 = vector.load %arg12[%get3A_2689, %get3A_2690] : memref<64x5000xf32, #tpu.memory_space<vmem>>, vector<64x128xf32>
    %get3A_2692 = arith.constant 0 : index
    %get3A_2693 = arith.constant 3712 : index
    %get3A_2694 = vector.load %arg14[%get3A_2692, %get3A_2693] : memref<8x5000xf32, #tpu.memory_space<vmem>>, vector<1x128xf32>
    %mul3A_2695 = arith.constant 5.000000e-01 : f32
    %mul3A_2696 = vector.broadcast %mul3A_2695 : f32 to vector<1x128xf32>
    %mul3A_2697 = arith.mulf %mul3A_2696, %get3A_2694 : vector<1x128xf32>
    %sub3A_2698 = vector.broadcast %mul3A_2697 : vector<1x128xf32> to vector<64x128xf32>
    %sub3A_2699 = arith.subf %get3A_2691, %sub3A_2698 : vector<64x128xf32>
    %gt3A_2700 = arith.cmpf ogt, %sub3A_2699, %select_n3A_2684 : vector<64x128xf32>
    %select_n3A_2701 = arith.select %gt3A_2700, %sub3A_2699, %select_n3A_2684 : vector<64x128xi1>, vector<64x128xf32>
    %add3A_2702 = arith.constant 3712 : i32
    %add3A_2703 = arith.addi %add3A_2163, %add3A_2702 : i32
    %broadcast_in_dim3A_2704 = vector.broadcast %add3A_2703 : i32 to vector<64x128xi32>
    %select_n3A_2705 = arith.select %gt3A_2700, %broadcast_in_dim3A_2704, %select_n3A_2688 : vector<64x128xi1>, vector<64x128xi32>
    %get3A_2706 = arith.constant 0 : index
    %get3A_2707 = arith.constant 3840 : index
    %get3A_2708 = vector.load %arg12[%get3A_2706, %get3A_2707] : memref<64x5000xf32, #tpu.memory_space<vmem>>, vector<64x128xf32>
    %get3A_2709 = arith.constant 0 : index
    %get3A_2710 = arith.constant 3840 : index
    %get3A_2711 = vector.load %arg14[%get3A_2709, %get3A_2710] : memref<8x5000xf32, #tpu.memory_space<vmem>>, vector<1x128xf32>
    %mul3A_2712 = arith.constant 5.000000e-01 : f32
    %mul3A_2713 = vector.broadcast %mul3A_2712 : f32 to vector<1x128xf32>
    %mul3A_2714 = arith.mulf %mul3A_2713, %get3A_2711 : vector<1x128xf32>
    %sub3A_2715 = vector.broadcast %mul3A_2714 : vector<1x128xf32> to vector<64x128xf32>
    %sub3A_2716 = arith.subf %get3A_2708, %sub3A_2715 : vector<64x128xf32>
    %gt3A_2717 = arith.cmpf ogt, %sub3A_2716, %select_n3A_2701 : vector<64x128xf32>
    %select_n3A_2718 = arith.select %gt3A_2717, %sub3A_2716, %select_n3A_2701 : vector<64x128xi1>, vector<64x128xf32>
    %add3A_2719 = arith.constant 3840 : i32
    %add3A_2720 = arith.addi %add3A_2163, %add3A_2719 : i32
    %broadcast_in_dim3A_2721 = vector.broadcast %add3A_2720 : i32 to vector<64x128xi32>
    %select_n3A_2722 = arith.select %gt3A_2717, %broadcast_in_dim3A_2721, %select_n3A_2705 : vector<64x128xi1>, vector<64x128xi32>
    %get3A_2723 = arith.constant 0 : index
    %get3A_2724 = arith.constant 3968 : index
    %get3A_2725 = vector.load %arg12[%get3A_2723, %get3A_2724] : memref<64x5000xf32, #tpu.memory_space<vmem>>, vector<64x128xf32>
    %get3A_2726 = arith.constant 0 : index
    %get3A_2727 = arith.constant 3968 : index
    %get3A_2728 = vector.load %arg14[%get3A_2726, %get3A_2727] : memref<8x5000xf32, #tpu.memory_space<vmem>>, vector<1x128xf32>
    %mul3A_2729 = arith.constant 5.000000e-01 : f32
    %mul3A_2730 = vector.broadcast %mul3A_2729 : f32 to vector<1x128xf32>
    %mul3A_2731 = arith.mulf %mul3A_2730, %get3A_2728 : vector<1x128xf32>
    %sub3A_2732 = vector.broadcast %mul3A_2731 : vector<1x128xf32> to vector<64x128xf32>
    %sub3A_2733 = arith.subf %get3A_2725, %sub3A_2732 : vector<64x128xf32>
    %gt3A_2734 = arith.cmpf ogt, %sub3A_2733, %select_n3A_2718 : vector<64x128xf32>
    %select_n3A_2735 = arith.select %gt3A_2734, %sub3A_2733, %select_n3A_2718 : vector<64x128xi1>, vector<64x128xf32>
    %add3A_2736 = arith.constant 3968 : i32
    %add3A_2737 = arith.addi %add3A_2163, %add3A_2736 : i32
    %broadcast_in_dim3A_2738 = vector.broadcast %add3A_2737 : i32 to vector<64x128xi32>
    %select_n3A_2739 = arith.select %gt3A_2734, %broadcast_in_dim3A_2738, %select_n3A_2722 : vector<64x128xi1>, vector<64x128xi32>
    %get3A_2740 = arith.constant 0 : index
    %get3A_2741 = arith.constant 4096 : index
    %get3A_2742 = vector.load %arg12[%get3A_2740, %get3A_2741] : memref<64x5000xf32, #tpu.memory_space<vmem>>, vector<64x128xf32>
    %get3A_2743 = arith.constant 0 : index
    %get3A_2744 = arith.constant 4096 : index
    %get3A_2745 = vector.load %arg14[%get3A_2743, %get3A_2744] : memref<8x5000xf32, #tpu.memory_space<vmem>>, vector<1x128xf32>
    %mul3A_2746 = arith.constant 5.000000e-01 : f32
    %mul3A_2747 = vector.broadcast %mul3A_2746 : f32 to vector<1x128xf32>
    %mul3A_2748 = arith.mulf %mul3A_2747, %get3A_2745 : vector<1x128xf32>
    %sub3A_2749 = vector.broadcast %mul3A_2748 : vector<1x128xf32> to vector<64x128xf32>
    %sub3A_2750 = arith.subf %get3A_2742, %sub3A_2749 : vector<64x128xf32>
    %gt3A_2751 = arith.cmpf ogt, %sub3A_2750, %select_n3A_2735 : vector<64x128xf32>
    %select_n3A_2752 = arith.select %gt3A_2751, %sub3A_2750, %select_n3A_2735 : vector<64x128xi1>, vector<64x128xf32>
    %add3A_2753 = arith.constant 4096 : i32
    %add3A_2754 = arith.addi %add3A_2163, %add3A_2753 : i32
    %broadcast_in_dim3A_2755 = vector.broadcast %add3A_2754 : i32 to vector<64x128xi32>
    %select_n3A_2756 = arith.select %gt3A_2751, %broadcast_in_dim3A_2755, %select_n3A_2739 : vector<64x128xi1>, vector<64x128xi32>
    %get3A_2757 = arith.constant 0 : index
    %get3A_2758 = arith.constant 4224 : index
    %get3A_2759 = vector.load %arg12[%get3A_2757, %get3A_2758] : memref<64x5000xf32, #tpu.memory_space<vmem>>, vector<64x128xf32>
    %get3A_2760 = arith.constant 0 : index
    %get3A_2761 = arith.constant 4224 : index
    %get3A_2762 = vector.load %arg14[%get3A_2760, %get3A_2761] : memref<8x5000xf32, #tpu.memory_space<vmem>>, vector<1x128xf32>
    %mul3A_2763 = arith.constant 5.000000e-01 : f32
    %mul3A_2764 = vector.broadcast %mul3A_2763 : f32 to vector<1x128xf32>
    %mul3A_2765 = arith.mulf %mul3A_2764, %get3A_2762 : vector<1x128xf32>
    %sub3A_2766 = vector.broadcast %mul3A_2765 : vector<1x128xf32> to vector<64x128xf32>
    %sub3A_2767 = arith.subf %get3A_2759, %sub3A_2766 : vector<64x128xf32>
    %gt3A_2768 = arith.cmpf ogt, %sub3A_2767, %select_n3A_2752 : vector<64x128xf32>
    %select_n3A_2769 = arith.select %gt3A_2768, %sub3A_2767, %select_n3A_2752 : vector<64x128xi1>, vector<64x128xf32>
    %add3A_2770 = arith.constant 4224 : i32
    %add3A_2771 = arith.addi %add3A_2163, %add3A_2770 : i32
    %broadcast_in_dim3A_2772 = vector.broadcast %add3A_2771 : i32 to vector<64x128xi32>
    %select_n3A_2773 = arith.select %gt3A_2768, %broadcast_in_dim3A_2772, %select_n3A_2756 : vector<64x128xi1>, vector<64x128xi32>
    %get3A_2774 = arith.constant 0 : index
    %get3A_2775 = arith.constant 4352 : index
    %get3A_2776 = vector.load %arg12[%get3A_2774, %get3A_2775] : memref<64x5000xf32, #tpu.memory_space<vmem>>, vector<64x128xf32>
    %get3A_2777 = arith.constant 0 : index
    %get3A_2778 = arith.constant 4352 : index
    %get3A_2779 = vector.load %arg14[%get3A_2777, %get3A_2778] : memref<8x5000xf32, #tpu.memory_space<vmem>>, vector<1x128xf32>
    %mul3A_2780 = arith.constant 5.000000e-01 : f32
    %mul3A_2781 = vector.broadcast %mul3A_2780 : f32 to vector<1x128xf32>
    %mul3A_2782 = arith.mulf %mul3A_2781, %get3A_2779 : vector<1x128xf32>
    %sub3A_2783 = vector.broadcast %mul3A_2782 : vector<1x128xf32> to vector<64x128xf32>
    %sub3A_2784 = arith.subf %get3A_2776, %sub3A_2783 : vector<64x128xf32>
    %gt3A_2785 = arith.cmpf ogt, %sub3A_2784, %select_n3A_2769 : vector<64x128xf32>
    %select_n3A_2786 = arith.select %gt3A_2785, %sub3A_2784, %select_n3A_2769 : vector<64x128xi1>, vector<64x128xf32>
    %add3A_2787 = arith.constant 4352 : i32
    %add3A_2788 = arith.addi %add3A_2163, %add3A_2787 : i32
    %broadcast_in_dim3A_2789 = vector.broadcast %add3A_2788 : i32 to vector<64x128xi32>
    %select_n3A_2790 = arith.select %gt3A_2785, %broadcast_in_dim3A_2789, %select_n3A_2773 : vector<64x128xi1>, vector<64x128xi32>
    %get3A_2791 = arith.constant 0 : index
    %get3A_2792 = arith.constant 4480 : index
    %get3A_2793 = vector.load %arg12[%get3A_2791, %get3A_2792] : memref<64x5000xf32, #tpu.memory_space<vmem>>, vector<64x128xf32>
    %get3A_2794 = arith.constant 0 : index
    %get3A_2795 = arith.constant 4480 : index
    %get3A_2796 = vector.load %arg14[%get3A_2794, %get3A_2795] : memref<8x5000xf32, #tpu.memory_space<vmem>>, vector<1x128xf32>
    %mul3A_2797 = arith.constant 5.000000e-01 : f32
    %mul3A_2798 = vector.broadcast %mul3A_2797 : f32 to vector<1x128xf32>
    %mul3A_2799 = arith.mulf %mul3A_2798, %get3A_2796 : vector<1x128xf32>
    %sub3A_2800 = vector.broadcast %mul3A_2799 : vector<1x128xf32> to vector<64x128xf32>
    %sub3A_2801 = arith.subf %get3A_2793, %sub3A_2800 : vector<64x128xf32>
    %gt3A_2802 = arith.cmpf ogt, %sub3A_2801, %select_n3A_2786 : vector<64x128xf32>
    %select_n3A_2803 = arith.select %gt3A_2802, %sub3A_2801, %select_n3A_2786 : vector<64x128xi1>, vector<64x128xf32>
    %add3A_2804 = arith.constant 4480 : i32
    %add3A_2805 = arith.addi %add3A_2163, %add3A_2804 : i32
    %broadcast_in_dim3A_2806 = vector.broadcast %add3A_2805 : i32 to vector<64x128xi32>
    %select_n3A_2807 = arith.select %gt3A_2802, %broadcast_in_dim3A_2806, %select_n3A_2790 : vector<64x128xi1>, vector<64x128xi32>
    %get3A_2808 = arith.constant 0 : index
    %get3A_2809 = arith.constant 4608 : index
    %get3A_2810 = vector.load %arg12[%get3A_2808, %get3A_2809] : memref<64x5000xf32, #tpu.memory_space<vmem>>, vector<64x128xf32>
    %get3A_2811 = arith.constant 0 : index
    %get3A_2812 = arith.constant 4608 : index
    %get3A_2813 = vector.load %arg14[%get3A_2811, %get3A_2812] : memref<8x5000xf32, #tpu.memory_space<vmem>>, vector<1x128xf32>
    %mul3A_2814 = arith.constant 5.000000e-01 : f32
    %mul3A_2815 = vector.broadcast %mul3A_2814 : f32 to vector<1x128xf32>
    %mul3A_2816 = arith.mulf %mul3A_2815, %get3A_2813 : vector<1x128xf32>
    %sub3A_2817 = vector.broadcast %mul3A_2816 : vector<1x128xf32> to vector<64x128xf32>
    %sub3A_2818 = arith.subf %get3A_2810, %sub3A_2817 : vector<64x128xf32>
    %gt3A_2819 = arith.cmpf ogt, %sub3A_2818, %select_n3A_2803 : vector<64x128xf32>
    %select_n3A_2820 = arith.select %gt3A_2819, %sub3A_2818, %select_n3A_2803 : vector<64x128xi1>, vector<64x128xf32>
    %add3A_2821 = arith.constant 4608 : i32
    %add3A_2822 = arith.addi %add3A_2163, %add3A_2821 : i32
    %broadcast_in_dim3A_2823 = vector.broadcast %add3A_2822 : i32 to vector<64x128xi32>
    %select_n3A_2824 = arith.select %gt3A_2819, %broadcast_in_dim3A_2823, %select_n3A_2807 : vector<64x128xi1>, vector<64x128xi32>
    %get3A_2825 = arith.constant 0 : index
    %get3A_2826 = arith.constant 4736 : index
    %get3A_2827 = vector.load %arg12[%get3A_2825, %get3A_2826] : memref<64x5000xf32, #tpu.memory_space<vmem>>, vector<64x128xf32>
    %get3A_2828 = arith.constant 0 : index
    %get3A_2829 = arith.constant 4736 : index
    %get3A_2830 = vector.load %arg14[%get3A_2828, %get3A_2829] : memref<8x5000xf32, #tpu.memory_space<vmem>>, vector<1x128xf32>
    %mul3A_2831 = arith.constant 5.000000e-01 : f32
    %mul3A_2832 = vector.broadcast %mul3A_2831 : f32 to vector<1x128xf32>
    %mul3A_2833 = arith.mulf %mul3A_2832, %get3A_2830 : vector<1x128xf32>
    %sub3A_2834 = vector.broadcast %mul3A_2833 : vector<1x128xf32> to vector<64x128xf32>
    %sub3A_2835 = arith.subf %get3A_2827, %sub3A_2834 : vector<64x128xf32>
    %gt3A_2836 = arith.cmpf ogt, %sub3A_2835, %select_n3A_2820 : vector<64x128xf32>
    %select_n3A_2837 = arith.select %gt3A_2836, %sub3A_2835, %select_n3A_2820 : vector<64x128xi1>, vector<64x128xf32>
    %add3A_2838 = arith.constant 4736 : i32
    %add3A_2839 = arith.addi %add3A_2163, %add3A_2838 : i32
    %broadcast_in_dim3A_2840 = vector.broadcast %add3A_2839 : i32 to vector<64x128xi32>
    %select_n3A_2841 = arith.select %gt3A_2836, %broadcast_in_dim3A_2840, %select_n3A_2824 : vector<64x128xi1>, vector<64x128xi32>
    %get3A_2842 = arith.constant 0 : index
    %get3A_2843 = arith.constant 4864 : index
    %get3A_2844 = vector.load %arg12[%get3A_2842, %get3A_2843] : memref<64x5000xf32, #tpu.memory_space<vmem>>, vector<64x128xf32>
    %get3A_2845 = arith.constant 0 : index
    %get3A_2846 = arith.constant 4864 : index
    %get3A_2847 = vector.load %arg14[%get3A_2845, %get3A_2846] : memref<8x5000xf32, #tpu.memory_space<vmem>>, vector<1x128xf32>
    %mul3A_2848 = arith.constant 5.000000e-01 : f32
    %mul3A_2849 = vector.broadcast %mul3A_2848 : f32 to vector<1x128xf32>
    %mul3A_2850 = arith.mulf %mul3A_2849, %get3A_2847 : vector<1x128xf32>
    %sub3A_2851 = vector.broadcast %mul3A_2850 : vector<1x128xf32> to vector<64x128xf32>
    %sub3A_2852 = arith.subf %get3A_2844, %sub3A_2851 : vector<64x128xf32>
    %gt3A_2853 = arith.cmpf ogt, %sub3A_2852, %select_n3A_2837 : vector<64x128xf32>
    %select_n3A_2854 = arith.select %gt3A_2853, %sub3A_2852, %select_n3A_2837 : vector<64x128xi1>, vector<64x128xf32>
    %add3A_2855 = arith.constant 4864 : i32
    %add3A_2856 = arith.addi %add3A_2163, %add3A_2855 : i32
    %broadcast_in_dim3A_2857 = vector.broadcast %add3A_2856 : i32 to vector<64x128xi32>
    %select_n3A_2858 = arith.select %gt3A_2853, %broadcast_in_dim3A_2857, %select_n3A_2841 : vector<64x128xi1>, vector<64x128xi32>
    %get3A_2859 = arith.constant 0 : index
    %get3A_2860 = arith.constant 4872 : index
    %get3A_2861 = vector.load %arg12[%get3A_2859, %get3A_2860] : memref<64x5000xf32, #tpu.memory_space<vmem>>, vector<64x128xf32>
    %get3A_2862 = arith.constant 0 : index
    %get3A_2863 = arith.constant 4872 : index
    %get3A_2864 = vector.load %arg14[%get3A_2862, %get3A_2863] : memref<8x5000xf32, #tpu.memory_space<vmem>>, vector<1x128xf32>
    %mul3A_2865 = arith.constant 5.000000e-01 : f32
    %mul3A_2866 = vector.broadcast %mul3A_2865 : f32 to vector<1x128xf32>
    %mul3A_2867 = arith.mulf %mul3A_2866, %get3A_2864 : vector<1x128xf32>
    %sub3A_2868 = vector.broadcast %mul3A_2867 : vector<1x128xf32> to vector<64x128xf32>
    %sub3A_2869 = arith.subf %get3A_2861, %sub3A_2868 : vector<64x128xf32>
    %gt3A_2870 = arith.cmpf ogt, %sub3A_2869, %select_n3A_2854 : vector<64x128xf32>
    %select_n3A_2871 = arith.select %gt3A_2870, %sub3A_2869, %select_n3A_2854 : vector<64x128xi1>, vector<64x128xf32>
    %add3A_2872 = arith.constant 4872 : i32
    %add3A_2873 = arith.addi %add3A_2163, %add3A_2872 : i32
    %broadcast_in_dim3A_2874 = vector.broadcast %add3A_2873 : i32 to vector<64x128xi32>
    %select_n3A_2875 = arith.select %gt3A_2870, %broadcast_in_dim3A_2874, %select_n3A_2858 : vector<64x128xi1>, vector<64x128xi32>
    %swap3A_2876 = arith.constant 0 : index
    %swap3A_2877 = arith.constant 0 : index
    %swap3A_2878 = vector.load %arg10[%swap3A_2876, %swap3A_2877] : memref<64x128xf32, #tpu.memory_space<vmem>>, vector<64x128xf32>
    tpu.vector_store %arg10[%swap3A_2876, %swap3A_2877], %select_n3A_2871 {strides = array<i32>} : memref<64x128xf32, #tpu.memory_space<vmem>>, vector<64x128xf32>,
    %swap3A_2879 = arith.constant 0 : index
    %swap3A_2880 = arith.constant 0 : index
    %swap3A_2881 = vector.load %arg11[%swap3A_2879, %swap3A_2880] : memref<64x128xi32, #tpu.memory_space<vmem>>, vector<64x128xi32>
    tpu.vector_store %arg11[%swap3A_2879, %swap3A_2880], %select_n3A_2875 {strides = array<i32>} : memref<64x128xi32, #tpu.memory_space<vmem>>, vector<64x128xi32>,
    %eq3A_2882 = arith.constant 9 : i32
    %eq3A_2883 = arith.cmpi eq, %arg0, %eq3A_2882 : i32
    %convert_element_type3A_2884 = arith.extui %eq3A_2883 : i1 to i32
    %cond3A_2885 = arith.constant 0 : i32
    %cond3A_2886 = arith.cmpi ne, %convert_element_type3A_2884, %cond3A_2885 : i32
    scf.if %cond3A_2886 {
      %get3A_2887 = arith.constant 0 : index
      %get3A_2888 = arith.constant 0 : index
      %get3A_2889 = vector.load %arg8[%get3A_2887, %get3A_2888] : memref<64x128xf32, #tpu.memory_space<vmem>>, vector<64x128xf32>
      %argmax3A = tpu.reduce_index %get3A_2889 {axis = 1 : i32, kind = #tpu.reduction_kind<arg_max>} : vector<64x128xf32> -> vector<64xi32>
      %iota3A = tpu.iota {dimensions = array<i32: 1>} : vector<64x128xi32>
      %broadcast_in_dim3A_2890 = vector.shape_cast %argmax3A : vector<64xi32> to vector<64x1xi32>
      %eq3A_2891 = vector.broadcast %broadcast_in_dim3A_2890 : vector<64x1xi32> to vector<64x128xi32>
      %eq3A_2892 = arith.cmpi eq, %iota3A, %eq3A_2891 : vector<64x128xi32>
      %get3A_2893 = arith.constant 0 : index
      %get3A_2894 = arith.constant 0 : index
      %get3A_2895 = vector.load %arg9[%get3A_2893, %get3A_2894] : memref<64x128xi32, #tpu.memory_space<vmem>>, vector<64x128xi32>
      %jit3A = arith.constant 0 : i32
      %broadcast_in_dim3A_2896 = vector.broadcast %jit3A : i32 to vector<64x128xi32>
      %select_n3A_2897 = arith.select %eq3A_2892, %get3A_2895, %broadcast_in_dim3A_2896 : vector<64x128xi1>, vector<64x128xi32>
      %reduce_sum3A = arith.constant dense<0> : vector<64xi32>
      %reduce_sum3A_2898 = vector.multi_reduction <add>, %select_n3A_2897, %reduce_sum3A [1] : vector<64x128xi32> to vector<64xi32>
      %add3A_2899 = arith.addi %reduce_sum3A_2898, %argmax3A : vector<64xi32>
      %broadcast_in_dim3A_2900 = vector.shape_cast %add3A_2899 : vector<64xi32> to vector<64x1xi32>
      %swap3A_2901 = arith.constant 0 : index
      %swap3A_2902 = arith.constant 0 : index
      %swap3A_2903 = vector.load %arg6[%swap3A_2901, %swap3A_2902] : memref<64x1xi32, #tpu.memory_space<vmem>>, vector<64x1xi32>
      tpu.vector_store %arg6[%swap3A_2901, %swap3A_2902], %broadcast_in_dim3A_2900 {strides = array<i32>} : memref<64x1xi32, #tpu.memory_space<vmem>>, vector<64x1xi32>,
      %get3A_2904 = arith.constant 0 : index
      %get3A_2905 = arith.constant 0 : index
      %get3A_2906 = vector.load %arg10[%get3A_2904, %get3A_2905] : memref<64x128xf32, #tpu.memory_space<vmem>>, vector<64x128xf32>
      %argmax3A_2907 = tpu.reduce_index %get3A_2906 {axis = 1 : i32, kind = #tpu.reduction_kind<arg_max>} : vector<64x128xf32> -> vector<64xi32>
      %iota3A_2908 = tpu.iota {dimensions = array<i32: 1>} : vector<64x128xi32>
      %broadcast_in_dim3A_2909 = vector.shape_cast %argmax3A_2907 : vector<64xi32> to vector<64x1xi32>
      %eq3A_2910 = vector.broadcast %broadcast_in_dim3A_2909 : vector<64x1xi32> to vector<64x128xi32>
      %eq3A_2911 = arith.cmpi eq, %iota3A_2908, %eq3A_2910 : vector<64x128xi32>
      %get3A_2912 = arith.constant 0 : index
      %get3A_2913 = arith.constant 0 : index
      %get3A_2914 = vector.load %arg11[%get3A_2912, %get3A_2913] : memref<64x128xi32, #tpu.memory_space<vmem>>, vector<64x128xi32>
      %jit3A_2915 = arith.constant 0 : i32
      %broadcast_in_dim3A_2916 = vector.broadcast %jit3A_2915 : i32 to vector<64x128xi32>
      %select_n3A_2917 = arith.select %eq3A_2911, %get3A_2914, %broadcast_in_dim3A_2916 : vector<64x128xi1>, vector<64x128xi32>
      %reduce_sum3A_2918 = arith.constant dense<0> : vector<64xi32>
      %reduce_sum3A_2919 = vector.multi_reduction <add>, %select_n3A_2917, %reduce_sum3A_2918 [1] : vector<64x128xi32> to vector<64xi32>
      %add3A_2920 = arith.addi %reduce_sum3A_2919, %argmax3A_2907 : vector<64xi32>
      %broadcast_in_dim3A_2921 = vector.shape_cast %add3A_2920 : vector<64xi32> to vector<64x1xi32>
      %swap3A_2922 = arith.constant 0 : index
      %swap3A_2923 = arith.constant 0 : index
      %swap3A_2924 = vector.load %arg7[%swap3A_2922, %swap3A_2923] : memref<64x1xi32, #tpu.memory_space<vmem>>, vector<64x1xi32>
      tpu.vector_store %arg7[%swap3A_2922, %swap3A_2923], %broadcast_in_dim3A_2921 {strides = array<i32>} : memref<64x1xi32, #tpu.memory_space<vmem>>, vector<64x1xi32>,
    } else {
    }
    return
  }
  func.func @transform_0(%arg0: i32) -> (i32, i32) {
    %c0_i32 = arith.constant 0 : i32
    %c0_i32_0 = arith.constant 0 : i32
    %c0_i32_1 = arith.constant 0 : i32
    return %c0_i32, %c0_i32_0 : i32, i32
  }
  func.func @transform_1(%arg0: i32) -> (i32, i32) {
    %c0_i32 = arith.constant 0 : i32
    %c0_i32_0 = arith.constant 0 : i32
    return %arg0, %c0_i32 : i32, i32
  }
  func.func @transform_2(%arg0: i32) -> (i32, i32) {
    %add3A = arith.constant 10 : i32
    %add3A_0 = arith.addi %arg0, %add3A : i32
    %c0_i32 = arith.constant 0 : i32
    %c0_i32_1 = arith.constant 0 : i32
    return %add3A_0, %c0_i32 : i32, i32
  }
  func.func @transform_3(%arg0: i32) -> (i32, i32) {
    %c0_i32 = arith.constant 0 : i32
    %c0_i32_0 = arith.constant 0 : i32
    return %arg0, %c0_i32 : i32, i32
  }
  func.func @transform_4(%arg0: i32) -> (i32, i32) {
    %add3A = arith.constant 10 : i32
    %add3A_0 = arith.addi %arg0, %add3A : i32
    %c0_i32 = arith.constant 0 : i32
    %c0_i32_1 = arith.constant 0 : i32
    return %add3A_0, %c0_i32 : i32, i32
  }
  func.func @transform_5(%arg0: i32) -> (i32, i32) {
    %c0_i32 = arith.constant 0 : i32
    %c0_i32_0 = arith.constant 0 : i32
    %c0_i32_1 = arith.constant 0 : i32
    return %c0_i32, %c0_i32_0 : i32, i32
  }
  func.func @transform_6(%arg0: i32) -> (i32, i32) {
    %c0_i32 = arith.constant 0 : i32
    %c0_i32_0 = arith.constant 0 : i32
    %c0_i32_1 = arith.constant 0 : i32
    return %c0_i32, %c0_i32_0 : i32, i32
  }
}

</mosaic_0001>

<sc_bundles>
// kernel: kernel.5.cloned.1.call-start
scs
__scs_entry_jumppad:
0x0: {  	(pc) =	sbr.rel $0x88, $3  }
0x1: {  	(tag) =	ssettag $0x0;
	lr =	simm.s32 $0x1  }
0x2: {  	[smem:$0x3F8C] =	sst lr;
	_ =	strace $0xD0000000  }
0x3: {  	_ = 	snop  }
0x4: {  	_ = 	snop  }
0x5: {  	_ = 	snop  }
0x6: {  	_ = 	snop  }
0x7: {  	_ = 	snop  }
__scs_overlays_trampoline_lowered:
0x8: {  	[smem:$0x3F9B] =	sst s0  }
0x9: {  	[smem:$0x3F9C] =	sst s1  }
0xa: {  	[smem:$0x3F9D] =	sst s2  }
0xb: {  	[smem:$0x3F9E] =	sst s3  }
0xc: {  	[smem:$0x3F9F] =	sst s4  }
0xd: {  	[smem:$0x3FA0] =	sst s5  }
0xe: {  	[smem:$0x3FA1] =	sst s6  }
0xf: {  	[smem:$0x3FA2] =	sst s7  }
0x10: {  	[smem:$0x3FA3] =	sst s8  }
0x11: {  	[smem:$0x3FA4] =	sst s9;
	s0 =	simm.s32 @!p0 $0x0  }
0x12: {  	s1 =	sld [smem:$0x3F8A];
	s0 =	simm.s32 @p0 $0x1  }
0x13: {  	[smem:$0x3FA5] =	sst s0;
	s0 =	simm.s32 @!p1 $0x0  }
0x14: {  	s2 =	sld [smem:$0x3F89];
	s0 =	simm.s32 @p1 $0x1  }
0x15: {  	[smem:$0x3FA6] =	sst s0;
	s0 =	simm.s32 @!p2 $0x0  }
0x16: {  	s3 =	sld [smem:$0x3FDB];
	s0 =	simm.s32 @p2 $0x1  }
0x17: {  	s4 =	simm.s32 $0x1BF5;
	[smem:$0x3FA8] =	sst s0  }
0x18: {  	s0 =	sld [smem:$0x3F8B];
	_ =	swait.ge [sflag:s4], $0x0  }
0x19: {  	s7 =	sld [smem:$0x3F8C]  }
0x1a: {  	s8 =	sadd.s32 $0xFFFFE003, lr  }
0x1b: {  	s9 =	sadd.s32 $0xFFFFFEF7, lr;
	s5 =	simm.s32 $0xFFFFFFFF;
	p2 =	slt.u32 s8, $0xFFFFF086  }
0x1c: {  	p1 =	slt.u32 s9, $0xF7A;
	s5 =	simm.s32 @!p2 $0x0  }
0x1d: {  	s5 =	simm.s32 @p1 $0x1;
	p0 =	seq.s32 s7, s2  }
0x1e: {  	s7 =	smul.u32 @!p0 $0xF7A, s2;
	p2 =	seq.s32 @!p0 s5, $0x0  }
0x1f: {  	s9 =	smul.u32 $0xF7A, s1;
	s8 =	simm.s32 @!p0 $0x1BF5;
	p2 =	por !p2, p0  }
0x20: {  	[sflag:s8] =	ssyncset.s32 @!p0 $0xFFFFF086;
	s6 =	sadd.s32 @!p0 s3, s7;
	s7 =	simm.s32 @!p0 $0x108  }
0x21: {  	s3 =	sadd.s32 s3, s9;
	s6 =	sadd.s32 @!p0 $0x88, s6;
	s7 =	simm.s32 @p2 $0x1082  }
0x22: {  	[simem:s7], [sflag:s8] =	dma.local @!p0 [hbm:s6], $0xF7A  }
0x23: {  	s9 =	sor.u32 $0xD0000000, s2;
	s6 =	simm.s32 $0x108;
	_ =	swait.ge @!p0 [sflag:s8], $0x0  }
0x24: {  	s3 =	sadd.s32 $0x88, s3;
	s6 =	simm.s32 @!p1 $0x1082;
	[sflag:s4] =	ssyncset.s32 $0xFFFFF086  }
0x25: {  	[simem:s6], [sflag:s4] =	dma.local [hbm:s3], $0xF7A  }
0x26: {  	[smem:$0x3F8C] =	sst s1;
	(tag) =	ssettag s2;
	_ =	strace s9  }
0x27: {  	s1 =	sld [smem:$0x3F9C]  }
0x28: {  	s2 =	sld [smem:$0x3F9D]  }
0x29: {  	s4 =	sld [smem:$0x3F9F]  }
0x2a: {  	p0 =	seq.s32 s5, $0x0;
	s5 =	sld [smem:$0x3FA0]  }
0x2b: {  	s6 =	sld [smem:$0x3FA1]  }
0x2c: {  	s7 =	sld [smem:$0x3FA2]  }
0x2d: {  	s3 =	simm.s32 $0x108;
	s8 =	sld [smem:$0x3FA3]  }
0x2e: {  	s3 =	simm.s32 @!p0 $0x1082;
	s9 =	sld [smem:$0x3FA4]  }
0x2f: {  	lr =	sadd.s32 s0, s3;
	s0 =	sld [smem:$0x3F9B]  }
0x30: {  	s3 =	sld [smem:$0x3F9E]  }
0x31: {  	[smem:$0x3FA7] =	sst s10  }
0x32: {  	s10 =	sld [smem:$0x3FA5];
	_ =	sdelay $0x3  }
0x33: {  	p0 =	seq.s32 s10, $0x1;
	s10 =	sld [smem:$0x3FA7];
	_ =	sdelay $0x3  }
0x34: {  	[smem:$0x3FA7] =	sst s10  }
0x35: {  	s10 =	sld [smem:$0x3FA6];
	_ =	sdelay $0x3  }
0x36: {  	p1 =	seq.s32 s10, $0x1;
	s10 =	sld [smem:$0x3FA7];
	_ =	sdelay $0x3  }
0x37: {  	[smem:$0x3FA7] =	sst s10  }
0x38: {  	s10 =	sld [smem:$0x3FA8]  }
0x39: {  	_ = 	snop;
	(pc) =	sbr.ind lr, $3  }
0x3a: {  	_ = 	snop  }
0x3b: {  	_ = 	snop  }
0x3c: {  	p2 =	seq.s32 s10, $0x1;
	s10 =	sld [smem:$0x3FA7]  }
0x3d: {  	_ =	shalt  }
0x3e: {  	_ =	shalt  }
0x3f: {  	_ =	shalt  }
0x40: {  	_ =	shalt  }
0x41: {  	_ =	shalt  }
0x42: {  	_ =	shalt  }
0x43: {  	_ =	shalt  }
0x44: {  	_ =	shalt  }
0x45: {  	_ =	shalt  }
0x46: {  	_ =	shalt  }
0x47: {  	_ =	shalt  }
0x48: {  	_ =	shalt  }
0x49: {  	_ =	shalt  }
0x4a: {  	_ =	shalt  }
0x4b: {  	_ =	shalt  }
0x4c: {  	_ =	shalt  }
0x4d: {  	_ =	shalt  }
0x4e: {  	_ =	shalt  }
0x4f: {  	_ =	shalt  }
0x50: {  	_ =	shalt  }
0x51: {  	_ =	shalt  }
0x52: {  	_ =	shalt  }
0x53: {  	_ =	shalt  }
0x54: {  	_ =	shalt  }
0x55: {  	_ =	shalt  }
0x56: {  	_ =	shalt  }
0x57: {  	_ =	shalt  }
0x58: {  	_ =	shalt  }
0x59: {  	_ =	shalt  }
0x5a: {  	_ =	shalt  }
0x5b: {  	_ =	shalt  }
0x5c: {  	_ =	shalt  }
0x5d: {  	_ =	shalt  }
0x5e: {  	_ =	shalt  }
0x5f: {  	_ =	shalt  }
0x60: {  	_ =	shalt  }
0x61: {  	_ =	shalt  }
0x62: {  	_ =	shalt  }
0x63: {  	_ =	shalt  }
0x64: {  	_ =	shalt  }
0x65: {  	_ =	shalt  }
0x66: {  	_ =	shalt  }
0x67: {  	_ =	shalt  }
0x68: {  	_ =	shalt  }
0x69: {  	_ =	shalt  }
0x6a: {  	_ =	shalt  }
0x6b: {  	_ =	shalt  }
0x6c: {  	_ =	shalt  }
0x6d: {  	_ =	shalt  }
0x6e: {  	_ =	shalt  }
0x6f: {  	_ =	shalt  }
0x70: {  	_ =	shalt  }
0x71: {  	_ =	shalt  }
0x72: {  	_ =	shalt  }
0x73: {  	_ =	shalt  }
0x74: {  	_ =	shalt  }
0x75: {  	_ =	shalt  }
0x76: {  	_ =	shalt  }
0x77: {  	_ =	shalt  }
0x78: {  	_ =	shalt  }
0x79: {  	_ =	shalt  }
0x7a: {  	_ =	shalt  }
0x7b: {  	_ =	shalt  }
0x7c: {  	_ =	shalt  }
0x7d: {  	_ =	shalt  }
0x7e: {  	_ =	shalt  }
0x7f: {  	_ =	shalt  }
0x80: {  	_ =	shalt  }
0x81: {  	_ =	shalt  }
0x82: {  	_ =	shalt  }
0x83: {  	_ =	shalt  }
0x84: {  	_ =	shalt  }
0x85: {  	_ =	shalt  }
0x86: {  	_ =	shalt  }
0x87: {  	_ =	shalt  }
.Lfunc_end0:
.L_simem_size_0:
called_computation_lowered:
.L_overlay_start_0:
0x88: {  	s2 =	sld [smem:$0x3FD9]  }
0x89: {  	s3 =	sld [smem:$0x3FFE];
	_ =	sdelay $0x1  }
0x8a: {  	s1 =	srdreg.scid  }
0x8b: {  	s0 =	sand.u32 $0x1, s1  }
0x8c: {  	s15 =	sshll.u32 s0, $0xA;
	s2 =	sadd.s32 s3, s2  }
0x8d: {  	s2 =	sadd.s32 s2, s15  }
0x8e: {  	[smem:$0x3FB3] =	sst s2  }
0x8f: {  	_ = 	snop  }
0x90: {  	s2 =	sld [smem:$0x3FD0];
	_ =	sdelay $0x1  }
0x91: {  	s16 =	sld [smem:$0x3FB7]  }
0x92: {  	s5 =	simm.s32 $0xA;
	s6 =	simm.s32 $0x10;
	s4 =	sld [smem:$0x3FB5]  }
0x93: {  	[smem:s6], [sflag:s5] =	dma.local [hbm:s2], $0x1  }
0x94: {  	_ =	swait.eq [sflag:s5], $0x1  }
0x95: {  	s17 =	sld [smem:$0x13]  }
0x96: {  	s18 =	sld [smem:$0x14];
	[sflag:s5] =	ssyncset.done $0x0  }
0x97: {  	s7 =	sld [smem:$0x15];
	[sflag:s5] =	ssyncadd.s32 $0xFFFFFFFF  }
0x98: {  	s19 =	sld [smem:$0x16];
	(tm) =	ssettm $0x1  }
0x99: {  	s8 =	sld [smem:$0x3FFB];
	_ =	sdelay $0x3  }
0x9a: {  	_ =	strace s8  }
0x9b: {  	s8 =	sld [smem:$0x3FFC];
	_ =	sdelay $0x3  }
0x9c: {  	_ =	strace s8  }
0x9d: {  	s8 =	sld [smem:$0x3FFD];
	_ =	sdelay $0x3  }
0x9e: {  	_ =	strace s8  }
0x9f: {  	_ =	strace $0x8FFFFFFF  }
0xa0: {  	s20 =	sld [smem:$0x3FDB];
	_ =	sdelay $0x1  }
0xa1: {  	s9 =	simm.s32 $_scs_section_size  }
0xa2: {  	s10 =	simm.s32 $_size__tile_overlayer_lowered;
	s11 =	simm.s32 $_tile_overlayer_lowered  }
0xa3: {  	s23 =	simm.s32 $0x1BFF;
	s22 =	sshll.u32 s11, $0x1;
	s8 =	sadd.s32 s9, s20  }
0xa4: {  	s12 =	simm.s32 $0x0;
	s21 =	sshll.u32 s10, $0x1;
	s10 =	sadd.s32 s22, s8  }
0xa5: {  	[timem:s12], [sflag:s23] =	dma.local [hbm:s10], s21  }
0xa6: {  	_ =	swait.ge [sflag:s23], s21  }
0xa7: {  	s9 =	ssub.s32 $0x0, s21;
	[sflag:s23] =	ssyncset.done $0x0  }
0xa8: {  	[sflag:s23] =	ssyncadd.s32 s9;
	_ =	sdelay $0x1  }
0xa9: {  	s24 =	simm.s32 $0x1B8B  }
0xaa: {  	_ =	swait.ge [sflag:s24], $0x1  }
0xab: {  	[sflag:s24] =	ssyncset.done $0x0  }
0xac: {  	s25 =	simm.s32 $0x1B8E;
	[sflag:s24] =	ssyncadd.s32 $0xFFFFFFFF  }
0xad: {  	s26 =	simm.s32 $execute0_lowered;
	[smem:$0x3FD2] =	sst s25  }
0xae: {  	s9 =	sshll.u32 s26, $0x1;
	_ =	strace $0x80000046;
	[dreg:$0x1] =	wrdreg $0xFFFFFFFF  }
0xaf: {  	s28 =	simm.s32 $_size_execute0_lowered;
	s8 =	sadd.s32 s8, s9;
	[dreg:$0x0] =	wrdreg $0x0  }
0xb0: {  	s9 =	sshll.u32 s28, $0x1;
	[dreg:$0x2] =	wrdreg s8  }
0xb1: {  	[dreg:$0x3] =	wrdreg s9  }
0xb2: {  	[dreg:$0x4] =	wrdreg $0xC0  }
0xb3: {  	_ =	task [dreg:s12], $0x5FFFF  }
0xb4: {  	[dreg:$0x1] =	wrdreg $0xFFFFFFFF  }
0xb5: {  	[dreg:$0x0] =	wrdreg $0x60  }
0xb6: {  	[dreg:$0x2] =	wrdreg s16  }
0xb7: {  	[dreg:$0x3] =	wrdreg s18  }
0xb8: {  	[dreg:$0x4] =	wrdreg s4  }
0xb9: {  	[dreg:$0x5] =	wrdreg s17  }
0xba: {  	[dreg:$0x6] =	wrdreg s19  }
0xbb: {  	[dreg:$0x7] =	wrdreg s7  }
0xbc: {  	[dreg:$0x8] =	wrdreg $0x9  }
0xbd: {  	_ =	task.clear_ibuf [dreg:s12], $0x9FFFF;
	_ =	strace $0x90000046  }
0xbe: {  	s29 =	simm.s32 $0x9;
	_ =	strace $0x80000048  }
0xbf: {  	_ =	swait.ge [sflag:s29], $0x1  }
0xc0: {  	[sflag:s29] =	ssyncadd.s32 $0xFFFFFFFF  }
0xc1: {  	_ =	strace $0x90000048  }
0xc2: {  	_ =	sfence  }
0xc3: {  	s30 =	sld [smem:$0x0];
	_ =	sdelay $0x2  }
0xc4: {  	s31 =	sshll.u32 s1, $0xD;
	s1 =	sshrl.u32 s1, $0x2  }
0xc5: {  	s3 =	sand.u32 $0x4000, s31;
	s1 =	sadd.s32 s1, s30  }
0xc6: {  	s0 =	sor.u32 s3, s0;
	s1 =	sshll.u32 s1, $0x11  }
0xc7: {  	s0 =	sor.u32 s1, s0  }
0xc8: {  	s0 =	sadd.s32 $0x8F2B, s0  }
0xc9: {  	[sflag:s0] =	ssyncadd.remote.s32 $0x1  }
0xca: {  	_ =	sfence.sel $0xFFFF  }
0xcb: {  	[dreg:$0x0] =	wrdreg $0xFFFFFFFF;
	(pc) =	sbr.abs _section_cstart, $3  }
0xcc: {  	[dreg:$0x1] =	wrdreg $0xFFFFFFFF  }
0xcd: {  	_ =	task.clear_ibuf [dreg:s12], $0x2FFFF;
	_ =	strace $0x9FFFFFFF  }
0xce: {  	(tm) =	ssettm $0x7FFFFFFF  }
0xcf: {  	_ =	shalt  }
tec
execute0_lowered:
.L_overlay_start_1:
0x0: {  	(tag) =	ssettag $0x1  }
0x1: {  	s3 =	rddreg [dreg:$0x0];
	s7 =	srdreg.scid  }
0x2: {  	s4 =	rddreg [dreg:$0x1];
	s7 =	sand.u32 $0x1, s7  }
0x3: {  	s2 =	rddreg [dreg:$0x2];
	s11 =	ssub.s32 $0x2, s7  }
0x4: {  	s5 =	rddreg [dreg:$0x3];
	s9 =	simm.s32 $0x0;
	s28 =	sshrl.u32 s11, $0x1  }
0x5: {  	[smem:$0x7FF] =	sst s9;
	s9 =	ssub.s32 s11, s28  }
0x6: {  	s6 =	rddreg [dreg:$0x4];
	s9 =	smax.u32 s9, $0x1  }
0x7: {  	s8 =	rddreg [dreg:$0x5];
	s1 =	stileid.u32;
	s18 =	sadd.s32 $0xFFFFFFFF, s9  }
0x8: {  	s0 =	rddreg [dreg:$0x6];
	s10 =	sshll.u32 s1, $0x4;
	p3 =	sne.s32 s18, $0x0  }
.Ltmp0:
0x9: {  	s7 =	sshll.u32 s7, $0x3;
	s10 =	sand.u32 $0x30, s10;
	(pc) =	sbr.rel @!p3 .LBB2_3-.Ltmp0, $4  }
0xa: {  	p2 =	por $0x0, $0x0;
	s31 =	sand.u32 $0xC, s1;
	s10 =	sor.u32 s7, s10  }
0xb: {  	p1 =	sgt.u32 s1, $0x3;
	_ =	strace $0x80000047;
	s29 =	sshrl.u32 s10, $0x3  }
0xc: {  	p0 =	sne.s32 s31, $0x4;
	s30 =	sshll.u32 s10, $0x4;
	s7 =	sadd.s32 s4, s29  }
0xd: {  	s6 =	sadd.s32 s6, s30;
	s5 =	sadd.s32 s5, s29;
	s4 =	sadd.s32 s8, s30  }
0xe: {  	s8 =	simm.s32 @!p1 $0x0;
	s9 =	simm.s32 @!p1 $0x2  }
0xf: {  	[tilespmem:s8], [sflag:$0x2] =	stream.linear.gather @!p1 [hbm4b:s7+s8], $0x8, $0x38;
	[tilespmem:$0x480] =	vst v63  }
0x10: {  	_ =	swait.ge @!p1 [sflag:s9], $0x8  }
0x11: {  	s10 =	simm.s32 @!p1 $0x1;
	[sflag:s9] =	ssyncset.done @!p1 $0x0  }
0x12: {  	s11 =	simm.s32 @!p1 $0x8;
	s12 =	simm.s32 @!p1 $0x80;
	[sflag:s9] =	ssyncadd.s32 @!p1 $0xFFFFFFF8  }
0x13: {  	[tilespmem:s12], [sflag:$0x1] =	stream.indirect.gather @!p1 [hbm4b:s3+s11], $0x80, s8, s11, $0xb8;
	[tilespmem:$0x480] =	vst v63  }
0x14: {  	_ =	swait.ge @!p1 [sflag:s10], $0x400  }
0x15: {  	[sflag:s10] =	ssyncset.done @!p1 $0x0  }
0x16: {  	[sflag:s10] =	ssyncadd.s32 @!p1 $0xFFFFFC00  }
0x17: {  	[hbm4b:s6+s8] =	stream.linear.scatter @!p1 [tilespmem:s12], [sflag:$0x2], $0x400, $0x38;
	[tilespmem:$0x480] =	vst v63  }
0x18: {  	_ =	swait.ge @!p1 [sflag:s9], $0x400  }
0x19: {  	[sflag:s9] =	ssyncset.done @!p1 $0x0  }
0x1a: {  	s14 =	simm.s32 @!p0 $0x0;
	s13 =	simm.s32 @!p0 $0x2;
	[sflag:s9] =	ssyncadd.s32 @!p1 $0xFFFFFC00  }
0x1b: {  	[tilespmem:s14], [sflag:$0x2] =	stream.linear.gather @!p0 [hbm4b:s5+s14], $0x8, $0x38;
	[tilespmem:$0x480] =	vst v63  }
0x1c: {  	_ =	swait.ge @!p0 [sflag:s13], $0x8  }
0x1d: {  	s15 =	simm.s32 @!p0 $0x1;
	s16 =	simm.s32 @!p0 $0x8;
	[sflag:s13] =	ssyncset.done @!p0 $0x0  }
0x1e: {  	s17 =	simm.s32 @!p0 $0x80;
	s18 =	sadd.s32 $0xFFFFFFFF, s18;
	[sflag:s13] =	ssyncadd.s32 @!p0 $0xFFFFFFF8  }
0x1f: {  	[tilespmem:s17], [sflag:$0x1] =	stream.indirect.gather @!p0 [hbm4b:s2+s16], $0x80, s14, s16, $0xb8;
	[tilespmem:$0x480] =	vst v63  }
0x20: {  	p3 =	sne.s32 s18, $0x0;
	_ =	swait.ge @!p0 [sflag:s15], $0x400  }
.Ltmp1:
0x21: {  	[sflag:s15] =	ssyncset.done @!p0 $0x0;
	(pc) =	sbr.rel @!p3 .LBB2_3-.Ltmp1, $4  }
0x22: {  	[sflag:s15] =	ssyncadd.s32 @!p0 $0xFFFFFC00  }
0x23: {  	[hbm4b:s4+s14] =	stream.linear.scatter @!p0 [tilespmem:s17], [sflag:$0x2], $0x400, $0x38;
	[tilespmem:$0x480] =	vst v63  }
0x24: {  	_ =	swait.ge @!p0 [sflag:s13], $0x400  }
0x25: {  	p2 =	por $0x1, $0x1;
	[sflag:s13] =	ssyncset.done @!p0 $0x0  }
.LBB2_2:
0x26: {  	[sflag:s13] =	ssyncadd.s32 @!p0 $0xFFFFFC00  }
0x27: {  	[tilespmem:s8], [sflag:$0x2] =	stream.linear.gather @!p1 [hbm4b:s7+s8], $0x8, $0x38;
	[tilespmem:$0x480] =	vst v63  }
0x28: {  	s18 =	sadd.s32 $0xFFFFFFFF, s18;
	_ =	swait.ge @!p1 [sflag:s9], $0x8  }
0x29: {  	p3 =	sne.s32 s18, $0x0;
	[sflag:s9] =	ssyncset.done @!p1 $0x0  }
0x2a: {  	[sflag:s9] =	ssyncadd.s32 @!p1 $0xFFFFFFF8  }
0x2b: {  	[tilespmem:s12], [sflag:$0x1] =	stream.indirect.gather @!p1 [hbm4b:s3+s11], $0x80, s8, s11, $0xb8;
	[tilespmem:$0x480] =	vst v63  }
0x2c: {  	_ =	swait.ge @!p1 [sflag:s10], $0x400  }
0x2d: {  	[sflag:s10] =	ssyncset.done @!p1 $0x0  }
0x2e: {  	[sflag:s10] =	ssyncadd.s32 @!p1 $0xFFFFFC00  }
0x2f: {  	[hbm4b:s6+s8] =	stream.linear.scatter @!p1 [tilespmem:s12], [sflag:$0x2], $0x400, $0x38;
	[tilespmem:$0x480] =	vst v63  }
0x30: {  	_ =	swait.ge @!p1 [sflag:s9], $0x400  }
0x31: {  	[sflag:s9] =	ssyncset.done @!p1 $0x0  }
0x32: {  	[sflag:s9] =	ssyncadd.s32 @!p1 $0xFFFFFC00  }
0x33: {  	[tilespmem:s14], [sflag:$0x2] =	stream.linear.gather @!p0 [hbm4b:s5+s14], $0x8, $0x38;
	[tilespmem:$0x480] =	vst v63  }
0x34: {  	_ =	swait.ge @!p0 [sflag:s13], $0x8  }
0x35: {  	[sflag:s13] =	ssyncset.done @!p0 $0x0  }
0x36: {  	[sflag:s13] =	ssyncadd.s32 @!p0 $0xFFFFFFF8  }
0x37: {  	[tilespmem:s17], [sflag:$0x1] =	stream.indirect.gather @!p0 [hbm4b:s2+s16], $0x80, s14, s16, $0xb8;
	[tilespmem:$0x480] =	vst v63  }
0x38: {  	_ =	swait.ge @!p0 [sflag:s15], $0x400  }
.Ltmp2:
0x39: {  	[sflag:s15] =	ssyncset.done @!p0 $0x0;
	(pc) =	sbr.rel @p3 .LBB2_2-.Ltmp2, $4  }
0x3a: {  	[sflag:s15] =	ssyncadd.s32 @!p0 $0xFFFFFC00  }
0x3b: {  	[hbm4b:s4+s14] =	stream.linear.scatter @!p0 [tilespmem:s17], [sflag:$0x2], $0x400, $0x38;
	[tilespmem:$0x480] =	vst v63  }
0x3c: {  	_ =	swait.ge @!p0 [sflag:s13], $0x400  }
0x3d: {  	[sflag:s13] =	ssyncset.done @!p0 $0x0  }
.LBB2_3:
0x3e: {  	p2 =	por p0, !p2  }
0x3f: {  	s8 =	simm.s32 @!p1 $0x0;
	s9 =	simm.s32 @!p1 $0x2;
	[sflag:s13] =	ssyncadd.s32 @!p2 $0xFFFFFC00  }
0x40: {  	[tilespmem:s8], [sflag:$0x2] =	stream.linear.gather @!p1 [hbm4b:s7+s8], $0x8, $0x38;
	[tilespmem:$0x480] =	vst v63  }
0x41: {  	_ =	swait.ge @!p1 [sflag:s9], $0x8  }
0x42: {  	s10 =	simm.s32 @!p1 $0x8;
	[sflag:s9] =	ssyncset.done @!p1 $0x0  }
0x43: {  	s11 =	simm.s32 @!p1 $0x80;
	s7 =	simm.s32 @!p1 $0x1;
	[sflag:s9] =	ssyncadd.s32 @!p1 $0xFFFFFFF8  }
0x44: {  	[tilespmem:s11], [sflag:$0x1] =	stream.indirect.gather @!p1 [hbm4b:s3+s10], $0x80, s8, s10, $0xb8;
	[tilespmem:$0x480] =	vst v63  }
0x45: {  	_ =	swait.ge @!p1 [sflag:s7], $0x400  }
0x46: {  	[sflag:s7] =	ssyncset.done @!p1 $0x0  }
0x47: {  	[sflag:s7] =	ssyncadd.s32 @!p1 $0xFFFFFC00  }
0x48: {  	[hbm4b:s6+s8] =	stream.linear.scatter @!p1 [tilespmem:s11], [sflag:$0x2], $0x400, $0x38;
	[tilespmem:$0x480] =	vst v63  }
0x49: {  	_ =	swait.ge @!p1 [sflag:s9], $0x400  }
0x4a: {  	[sflag:s9] =	ssyncset.done @!p1 $0x0  }
0x4b: {  	s3 =	simm.s32 @!p0 $0x0;
	s6 =	simm.s32 @!p0 $0x2;
	[sflag:s9] =	ssyncadd.s32 @!p1 $0xFFFFFC00  }
0x4c: {  	[tilespmem:s3], [sflag:$0x2] =	stream.linear.gather @!p0 [hbm4b:s5+s3], $0x8, $0x38;
	[tilespmem:$0x480] =	vst v63  }
0x4d: {  	_ =	swait.ge @!p0 [sflag:s6], $0x8  }
0x4e: {  	s7 =	simm.s32 @!p0 $0x8;
	[sflag:s6] =	ssyncset.done @!p0 $0x0  }
0x4f: {  	s8 =	simm.s32 @!p0 $0x80;
	s5 =	simm.s32 @!p0 $0x1;
	[sflag:s6] =	ssyncadd.s32 @!p0 $0xFFFFFFF8  }
0x50: {  	[tilespmem:s8], [sflag:$0x1] =	stream.indirect.gather @!p0 [hbm4b:s2+s7], $0x80, s3, s7, $0xb8;
	[tilespmem:$0x480] =	vst v63  }
0x51: {  	_ =	swait.ge @!p0 [sflag:s5], $0x400  }
0x52: {  	[sflag:s5] =	ssyncset.done @!p0 $0x0  }
0x53: {  	[sflag:s5] =	ssyncadd.s32 @!p0 $0xFFFFFC00  }
0x54: {  	[hbm4b:s4+s3] =	stream.linear.scatter @!p0 [tilespmem:s8], [sflag:$0x2], $0x400, $0x38;
	[tilespmem:$0x480] =	vst v63  }
0x55: {  	_ =	swait.ge @!p0 [sflag:s6], $0x400  }
0x56: {  	[sflag:s6] =	ssyncset.done @!p0 $0x0  }
0x57: {  	[sflag:s6] =	ssyncadd.s32 @!p0 $0xFFFFFC00  }
0x58: {  	_ =	sfence.sel $0x180000  }
0x59: {  	[bflag:$0x0] =	sbarrier.arrive $0xFFFF  }
0x5a: {  	p0 =	sne.s32 s1, $0x0;
	_ =	strace $0x90000047  }
0x5b: {  	s0 =	sadd.s32 @!p0 $0x100000, s0;
	[bflag:$0x2] =	sbarrier.arrive $0xFFFF  }
0x5c: {  	[sflag:s0] =	ssyncadd.tile.s32 @!p0 $0x1;
	_ =	shalt  }
.Lfunc_end2:
_tile_overlayer_lowered:
.L_overlay_start_2:
0x5d: {  	(tag) =	ssettag $0x2  }
0x5e: {  	s0 =	rddreg [dreg:$0x0];
	s2 =	stileid.u32  }
0x5f: {  	s1 =	rddreg [dreg:$0x1];
	p0 =	sne.s32 s2, $0x0  }
0x60: {  	s3 =	rddreg [dreg:$0x2];
	[bflag:$0x3] =	sbarrier.arrive $0xFFFF;
	s2 =	simm.s32 @!p0 $0x1C02  }
0x61: {  	[timem:s3], [sflag:s2] =	dma.local @!p0 [hbm:s0], s1  }
0x62: {  	s0 =	simm.s32 @!p0 $0x2  }
0x63: {  	_ =	swait.ge @!p0 [sflag:s0], s1  }
0x64: {  	s1 =	ssub.s32 @!p0 $0x0, s1;
	[sflag:s0] =	ssyncset.done @!p0 $0x0  }
0x65: {  	[sflag:s0] =	ssyncadd.s32 @!p0 s1  }
0x66: {  	[bflag:$0x3] =	sbarrier.arrive $0xFFFF  }
0x67: {  	_ =	shalt  }

</sc_bundles>
